<compile_context>
chip_gen: v7x
topology: tpu7x:2x2x1
jax: 0.10.2.dev20260603
libtpu: 0.0.44.dev20260713+nightly
codegen_flags: <defaults>
</compile_context>

<pallas_src>
import functools

import jax
import jax.numpy as jnp
from jax import lax
from jax.experimental import pallas as pl
from jax.experimental.pallas import tpu as pltpu
from jax.experimental.pallas import tpu_sc as plsc

N = 10000
E = 320000
F = 128

NC = 2
NS = 16
NW = NC * NS
EB = 80
EROWS = E // EB
BLK_PER_TILE = EROWS // NW
NPT = 624
NTAIL_OFF = NPT * NS
NTAIL = N - NTAIL_OFF

NPAD = 10240
DSEG = NPAD // NS

_mesh = plsc.VectorSubcoreMesh(
    core_axis_name="c", subcore_axis_name="s",
    num_cores=NC, num_subcores=NS)



@functools.partial(
    pl.kernel,
    out_type=jax.ShapeDtypeStruct((NC, NPAD), jnp.float32),
    mesh=_mesh,
    compiler_params=pltpu.CompilerParams(needs_layout_passes=False),
    scratch_types=[
        pltpu.VMEM((BLK_PER_TILE, EB), jnp.int32),
        pltpu.VMEM((NPAD,), jnp.float32),
        pltpu.VMEM((NS, DSEG), jnp.float32),
        pltpu.VMEM_SHARED((NS, NPAD), jnp.float32),
    ],
)
def _sc_degree(dst_hbm, out_hbm, dst_v, hist_v, red_v, sh):
    c = lax.axis_index("c")
    s = lax.axis_index("s")
    wid = s * NC + c
    pltpu.sync_copy(dst_hbm.at[wid], dst_v)

    def zero(i, carry):
        hist_v[pl.ds(i * 16, 16)] = jnp.zeros((16,), jnp.float32)
        return carry

    lax.fori_loop(0, NPAD // 16, zero, 0)
    ones = jnp.ones((16,), jnp.float32)

    def accum(i, carry):
        for g in range(EB // 16):
            idx = dst_v[i, pl.ds(g * 16, 16)]
            plsc.addupdate_scatter(hist_v, [idx], ones)
        return carry

    lax.fori_loop(0, BLK_PER_TILE, accum, 0)
    pltpu.sync_copy(hist_v, sh.at[s])
    plsc.subcore_barrier()
    pltpu.sync_copy(sh.at[:, pl.ds(s * DSEG, DSEG)], red_v)

    def red(i, carry):
        acc = jnp.zeros((16,), jnp.float32)
        for r in range(NS):
            acc = acc + red_v[r, pl.ds(i * 16, 16)]
        hist_v[pl.ds(i * 16, 16)] = acc
        return carry

    lax.fori_loop(0, DSEG // 16, red, 0)
    pltpu.sync_copy(hist_v.at[pl.ds(0, DSEG)],
                    out_hbm.at[c, pl.ds(s * DSEG, DSEG)])



_RB = 2000
_GRID = N // _RB


def _tc_first_body(x_ref, da_ref, db_ref, w_ref, y_ref, dinv_ref):
    deg = da_ref[...] + db_ref[...] + 1.0
    dinv = lax.rsqrt(deg)
    y_ref[...] = jnp.dot(x_ref[...], w_ref[...],
                         preferred_element_type=jnp.float32) * dinv
    dinv_ref[...] = dinv


_tc_first = pl.pallas_call(
    _tc_first_body,
    grid=(_GRID,),
    in_specs=[
        pl.BlockSpec((_RB, F), lambda i: (i, 0)),
        pl.BlockSpec((_RB, 1), lambda i: (i, 0)),
        pl.BlockSpec((_RB, 1), lambda i: (i, 0)),
        pl.BlockSpec((F, F), lambda i: (0, 0)),
    ],
    out_specs=[
        pl.BlockSpec((_RB, F), lambda i: (i, 0)),
        pl.BlockSpec((_RB, 1), lambda i: (i, 0)),
    ],
    out_shape=[
        jax.ShapeDtypeStruct((N, F), jnp.float32),
        jax.ShapeDtypeStruct((N, 1), jnp.float32),
    ],
)


def _tc_mid_body(z0_ref, z1_ref, yp_ref, dinv_ref, b_ref, w_ref, y_ref):
    dinv = dinv_ref[...]
    h = (z0_ref[...] + z1_ref[...] - yp_ref[...]) * dinv + b_ref[...]
    h = jnp.maximum(h, 0.0)
    y_ref[...] = jnp.dot(h, w_ref[...],
                         preferred_element_type=jnp.float32) * dinv


_tc_mid = pl.pallas_call(
    _tc_mid_body,
    grid=(_GRID,),
    in_specs=[
        pl.BlockSpec((_RB, F), lambda i: (i, 0)),
        pl.BlockSpec((_RB, F), lambda i: (i, 0)),
        pl.BlockSpec((_RB, F), lambda i: (i, 0)),
        pl.BlockSpec((_RB, 1), lambda i: (i, 0)),
        pl.BlockSpec((1, F), lambda i: (0, 0)),
        pl.BlockSpec((F, F), lambda i: (0, 0)),
    ],
    out_specs=pl.BlockSpec((_RB, F), lambda i: (i, 0)),
    out_shape=jax.ShapeDtypeStruct((N, F), jnp.float32),
)


def _tc_final_body(z0_ref, z1_ref, yp_ref, dinv_ref, b_ref, out_ref):
    out_ref[...] = ((z0_ref[...] + z1_ref[...] - yp_ref[...])
                    * dinv_ref[...] + b_ref[...])


_tc_final = pl.pallas_call(
    _tc_final_body,
    grid=(_GRID,),
    in_specs=[
        pl.BlockSpec((_RB, F), lambda i: (i, 0)),
        pl.BlockSpec((_RB, F), lambda i: (i, 0)),
        pl.BlockSpec((_RB, F), lambda i: (i, 0)),
        pl.BlockSpec((_RB, 1), lambda i: (i, 0)),
        pl.BlockSpec((1, F), lambda i: (0, 0)),
    ],
    out_specs=pl.BlockSpec((_RB, F), lambda i: (i, 0)),
    out_shape=jax.ShapeDtypeStruct((N, F), jnp.float32),
)



def _make_agg(eb, depth, cb):
    blk = E // NW // eb
    nchunk = blk // cb
    assert blk % cb == 0 and depth - 1 <= cb

    @functools.partial(
        pl.kernel,
        out_type=jax.ShapeDtypeStruct((NC, N, F), jnp.float32),
        mesh=_mesh,
        scratch_types=[
            pltpu.VMEM((2, cb, eb), jnp.int32),
            pltpu.VMEM((2, cb, eb), jnp.int32),
            pltpu.VMEM((depth, eb, F), jnp.float32),
            pltpu.VMEM_SHARED((N, F), jnp.float32),
            pltpu.SemaphoreType.DMA((depth,)),
            pltpu.SemaphoreType.DMA((depth,)),
            pltpu.SemaphoreType.DMA((2,)),
            pltpu.SemaphoreType.DMA,
        ],
    )
    def agg(y_hbm, src_hbm, dst_hbm, out_hbm,
            src_v, dst_v, rows_v, z_sh, gsem, ssem, isem, psem):
        c = lax.axis_index("c")
        s = lax.axis_index("s")
        wid = s * NC + c
        pltpu.async_copy(y_hbm.at[pl.ds(s * NPT, NPT)],
                         z_sh.at[pl.ds(s * NPT, NPT)], psem)

        @pl.when(s == 0)
        def _init_tail():
            pltpu.async_copy(y_hbm.at[pl.ds(NTAIL_OFF, NTAIL)],
                             z_sh.at[pl.ds(NTAIL_OFF, NTAIL)], psem)

        pltpu.async_copy(src_hbm.at[wid, 0], src_v.at[0], isem.at[0])
        pltpu.async_copy(dst_hbm.at[wid, 0], dst_v.at[0], isem.at[1])
        pltpu.make_async_copy(src_hbm.at[wid, 0], src_v.at[0],
                              isem.at[0]).wait()
        pltpu.make_async_copy(dst_hbm.at[wid, 0], dst_v.at[0],
                              isem.at[1]).wait()

        for i in range(depth - 1):
            pltpu.async_copy(y_hbm.at[src_v.at[0, i]], rows_v.at[i],
                             gsem.at[i])

        pltpu.make_async_copy(y_hbm.at[pl.ds(s * NPT, NPT)],
                              z_sh.at[pl.ds(s * NPT, NPT)], psem).wait()

        @pl.when(s == 0)
        def _init_tail_wait():
            pltpu.make_async_copy(y_hbm.at[pl.ds(NTAIL_OFF, NTAIL)],
                                  z_sh.at[pl.ds(NTAIL_OFF, NTAIL)],
                                  psem).wait()

        plsc.subcore_barrier()

        def step(j, carry):
            b = lax.rem(j, depth)
            r = lax.rem(j, cb)
            kp = lax.rem(lax.div(j, cb), 2)
            pltpu.make_async_copy(y_hbm.at[src_v.at[kp, r]], rows_v.at[b],
                                  gsem.at[b]).wait()
            pltpu.async_copy(rows_v.at[b], z_sh.at[dst_v.at[kp, r]],
                             ssem.at[b], add=True)

            bp = lax.rem(j + depth - 1, depth)

            @pl.when(j > 0)
            def _drain():
                pltpu.make_async_copy(rows_v.at[bp], z_sh.at[dst_v.at[kp, r]],
                                      ssem.at[bp]).wait()

            @pl.when(jnp.logical_and(r == 0, j + cb < blk))
            def _stage_chunk():
                k = lax.div(j, cb)
                pltpu.async_copy(src_hbm.at[wid, k + 1], src_v.at[1 - kp],
                                 isem.at[0])
                pltpu.async_copy(dst_hbm.at[wid, k + 1], dst_v.at[1 - kp],
                                 isem.at[1])

            m = j + depth - 1

            @pl.when(m < blk)
            def _prefetch():
                rm = lax.rem(m, cb)
                kpm = lax.rem(lax.div(m, cb), 2)

                @pl.when(rm == 0)
                def _wait_chunk():
                    pltpu.make_async_copy(src_hbm.at[wid, 0], src_v.at[0],
                                          isem.at[0]).wait()
                    pltpu.make_async_copy(dst_hbm.at[wid, 0], dst_v.at[0],
                                          isem.at[1]).wait()

                pltpu.async_copy(y_hbm.at[src_v.at[kpm, rm]], rows_v.at[bp],
                                 gsem.at[bp])
            return carry

        lax.fori_loop(0, blk, step, 0)
        pltpu.make_async_copy(rows_v.at[lax.rem(blk - 1, depth)],
                              z_sh.at[dst_v.at[0, 0]],
                              ssem.at[lax.rem(blk - 1, depth)]).wait()
        plsc.subcore_barrier()
        pltpu.sync_copy(z_sh.at[pl.ds(s * NPT, NPT)],
                        out_hbm.at[c, pl.ds(s * NPT, NPT)])

        @pl.when(s == 0)
        def _out_tail():
            pltpu.sync_copy(z_sh.at[pl.ds(NTAIL_OFF, NTAIL)],
                            out_hbm.at[c, pl.ds(NTAIL_OFF, NTAIL)])
    return agg


_AGG_EB = 40
_AGG_DEPTH = 7
_AGG_CB = 10
_AGG_NCHUNK = E // NW // _AGG_EB // _AGG_CB
_sc_aggregate = _make_agg(_AGG_EB, _AGG_DEPTH, _AGG_CB)


def kernel(x, edge_index, W1, b1, Wh, bh, W2, b2):
    edge_index = edge_index.astype(jnp.int32)
    src4 = edge_index[0].reshape(NW, _AGG_NCHUNK, _AGG_CB, _AGG_EB)
    dst4 = edge_index[1].reshape(NW, _AGG_NCHUNK, _AGG_CB, _AGG_EB)
    dst3 = edge_index[1].reshape(NW, BLK_PER_TILE, EB)

    deg2 = _sc_degree(dst3)
    deg_a = deg2[0, :N].reshape(N, 1)
    deg_b = deg2[1, :N].reshape(N, 1)

    y1, dinv = _tc_first(x, deg_a, deg_b, W1)
    z = _sc_aggregate(y1, src4, dst4)
    y2 = _tc_mid(z[0], z[1], y1, dinv, b1.reshape(1, F), Wh)
    z = _sc_aggregate(y2, src4, dst4)
    y3 = _tc_mid(z[0], z[1], y2, dinv, bh.reshape(1, F), W2)
    z = _sc_aggregate(y3, src4, dst4)
    return _tc_final(z[0], z[1], y3, dinv, b2.reshape(1, F))

# --- scband reference (transcript-rebuilt; emitter-appended) ---
"""Pipeline reference for scband-gcn-17540646437275 (READ-ONLY COPY).

The authoritative reference and input builder live on the scoring server;
editing this copy changes nothing except your own understanding.
"""

import jax, jax.numpy as jnp
import numpy as np

N = 10000
E = 320000
F_IN = 128
HID = 128
EMB = 128


def gcn_conv(x, src, dst, W, b):
    # GCNConv: x' = D^{-1/2} (A + I) D^{-1/2} X W + b
    n = x.shape[0]
    xw = x @ W
    deg = jnp.zeros((n,), dtype=x.dtype).at[dst].add(1.0)
    dinv = jnp.where(deg > 0, deg ** -0.5, 0.0)
    norm = dinv[src] * dinv[dst]
    msgs = xw[src] * norm[:, None]
    out = jnp.zeros((n, W.shape[1]), dtype=x.dtype).at[dst].add(msgs)
    return out + b


def setup_inputs(seed: int = 0) -> dict:
    key = jax.random.key(seed)
    ks = jax.random.split(key, 8)
    x = jax.random.normal(ks[0], (N, F_IN), dtype=jnp.float32)
    edge_index = jax.random.randint(ks[1], (2, E), 0, N)
    W1 = jax.random.normal(ks[2], (F_IN, HID), dtype=jnp.float32) * 0.05
    b1 = jnp.zeros((HID,), dtype=jnp.float32)
    Wh = jax.random.normal(ks[3], (HID, HID), dtype=jnp.float32) * 0.05
    bh = jnp.zeros((HID,), dtype=jnp.float32)
    W2 = jax.random.normal(ks[4], (HID, EMB), dtype=jnp.float32) * 0.05
    b2 = jnp.zeros((EMB,), dtype=jnp.float32)
    return {"x": x, "edge_index": edge_index, "W1": W1, "b1": b1,
            "Wh": Wh, "bh": bh, "W2": W2, "b2": b2}


def reference(x, edge_index, W1, b1, Wh, bh, W2, b2):
    n = x.shape[0]
    loop = jnp.arange(n, dtype=edge_index.dtype)
    src = jnp.concatenate([edge_index[0], loop])
    dst = jnp.concatenate([edge_index[1], loop])
    # encode: gcn1 -> relu -> (n_layers-2=1 hidden gcn -> relu) -> gcn2
    h = gcn_conv(x, src, dst, W1, b1)
    h = jax.nn.relu(h)
    h = gcn_conv(h, src, dst, Wh, bh)
    h = jax.nn.relu(h)
    h = gcn_conv(h, src, dst, W2, b2)
    return h

if __name__ == "__main__":
    import jax
    _d = setup_inputs()
    print(jax.jit(kernel)(*tuple(_d.values())))

</pallas_src>

<mosaic_0001>
#map = affine_map<(d0, d1) -> (0, 0)>
#map1 = affine_map<(d0, d1) -> (0, 0, 0, 0)>
#map2 = affine_map<(d0, d1) -> (0, 0, 0)>
module attributes {stable_mosaic.version = 14 : i64} {
  func.func @agg(%arg0: i32, %arg1: i32, %arg2: memref<10000x128xf32, #tpu.memory_space<hbm>>, %arg3: memref<32x25x10x40xi32, #tpu.memory_space<hbm>>, %arg4: memref<32x25x10x40xi32, #tpu.memory_space<hbm>>, %arg5: memref<2x10000x128xf32, #tpu.memory_space<hbm>>, %arg6: memref<2x10x40xi32, #tpu.memory_space<vmem>>, %arg7: memref<2x10x40xi32, #tpu.memory_space<vmem>>, %arg8: memref<7x40x128xf32, #tpu.memory_space<vmem>>, %arg9: memref<10000x128xf32, #tpu.memory_space<vmem_shared>>, %arg10: memref<7x!tpu.dma_semaphore, #tpu.memory_space<semaphore_mem>>, %arg11: memref<7x!tpu.dma_semaphore, #tpu.memory_space<semaphore_mem>>, %arg12: memref<2x!tpu.dma_semaphore, #tpu.memory_space<semaphore_mem>>, %arg13: memref<!tpu.dma_semaphore, #tpu.memory_space<semaphore_mem>>) attributes {dimension_semantics = [#tpu.dimension_semantics<core_parallel>, #tpu.dimension_semantics<subcore_parallel>], iteration_bounds = array<i64: 2, 16>, scalar_prefetch = 0 : i64, scratch_operands = 8 : i64, tpu.core_type = #tpu.core_type<sc_vector_subcore>, window_params = [{transform_indices = #map}, {transform_indices = #map1}, {transform_indices = #map1}, {transform_indices = #map2}]} {
    %mul3A = arith.constant 2 : i32
    %mul3A_0 = arith.muli %arg1, %mul3A : i32
    %add3A = arith.addi %mul3A_0, %arg0 : i32
    %mul3A_1 = arith.constant 624 : i32
    %mul3A_2 = arith.muli %arg1, %mul3A_1 : i32
    %mul3A_3 = arith.constant 624 : i32
    %mul3A_4 = arith.muli %arg1, %mul3A_3 : i32
    %dma_start3A = arith.constant 0 : i32
    %dma_start3A_5 = tpu.memref_slice %arg9[%mul3A_4, %dma_start3A] : memref<10000x128xf32, #tpu.memory_space<vmem_shared>> -> memref<624x128xf32, #tpu.memory_space<vmem_shared>>
    %dma_start3A_6 = arith.constant 0 : i32
    %dma_start3A_7 = tpu.memref_slice %arg2[%mul3A_2, %dma_start3A_6] : memref<10000x128xf32, #tpu.memory_space<hbm>> -> memref<624x128xf32, #tpu.memory_space<hbm>>
    tpu.enqueue_dma source(%dma_start3A_7 : memref<624x128xf32, #tpu.memory_space<hbm>>) target(%dma_start3A_5 : memref<624x128xf32, #tpu.memory_space<vmem_shared>>) target_semaphore(%arg13 : memref<!tpu.dma_semaphore, #tpu.memory_space<semaphore_mem>>)
    %eq3A = arith.constant 0 : i32
    %eq3A_8 = arith.cmpi eq, %arg1, %eq3A : i32
    %convert_element_type3A = arith.extui %eq3A_8 : i1 to i32
    %cond3A = arith.constant 0 : i32
    %cond3A_9 = arith.cmpi ne, %convert_element_type3A, %cond3A : i32
    scf.if %cond3A_9 {
      %dma_start3A_236 = arith.constant 9984 : i32
      %dma_start3A_237 = arith.constant 0 : i32
      %dma_start3A_238 = tpu.memref_slice %arg9[%dma_start3A_236, %dma_start3A_237] : memref<10000x128xf32, #tpu.memory_space<vmem_shared>> -> memref<16x128xf32, #tpu.memory_space<vmem_shared>>
      %dma_start3A_239 = arith.constant 9984 : i32
      %dma_start3A_240 = arith.constant 0 : i32
      %dma_start3A_241 = tpu.memref_slice %arg2[%dma_start3A_239, %dma_start3A_240] : memref<10000x128xf32, #tpu.memory_space<hbm>> -> memref<16x128xf32, #tpu.memory_space<hbm>>
      tpu.enqueue_dma source(%dma_start3A_241 : memref<16x128xf32, #tpu.memory_space<hbm>>) target(%dma_start3A_238 : memref<16x128xf32, #tpu.memory_space<vmem_shared>>) target_semaphore(%arg13 : memref<!tpu.dma_semaphore, #tpu.memory_space<semaphore_mem>>)
    } else {
    }
    %dma_start3A_10 = arith.constant 0 : i32
    %dma_start3A_11 = arith.constant 0 : i32
    %dma_start3A_12 = arith.constant 0 : i32
    %dma_start3A_13 = arith.constant 0 : i32
    %dma_start3A_14 = arith.constant 0 : i32
    %dma_start3A_15 = tpu.memref_slice %arg6[%dma_start3A_11, %dma_start3A_13, %dma_start3A_14] : memref<2x10x40xi32, #tpu.memory_space<vmem>> -> memref<1x10x40xi32, #tpu.memory_space<vmem>>
    %dma_start3A_16 = tpu.memref_squeeze %dma_start3A_15 : memref<1x10x40xi32, #tpu.memory_space<vmem>> -> memref<10x40xi32, #tpu.memory_space<vmem>>
    %dma_start3A_17 = arith.constant 0 : i32
    %dma_start3A_18 = arith.constant 0 : i32
    %dma_start3A_19 = tpu.memref_slice %arg3[%add3A, %dma_start3A_10, %dma_start3A_17, %dma_start3A_18] : memref<32x25x10x40xi32, #tpu.memory_space<hbm>> -> memref<1x1x10x40xi32, #tpu.memory_space<hbm>>
    %dma_start3A_20 = tpu.memref_squeeze %dma_start3A_19 : memref<1x1x10x40xi32, #tpu.memory_space<hbm>> -> memref<10x40xi32, #tpu.memory_space<hbm>>
    %dma_start3A_21 = tpu.memref_slice %arg12[%dma_start3A_12] : memref<2x!tpu.dma_semaphore, #tpu.memory_space<semaphore_mem>> -> memref<1x!tpu.dma_semaphore, #tpu.memory_space<semaphore_mem>>
    %dma_start3A_22 = tpu.memref_squeeze %dma_start3A_21 : memref<1x!tpu.dma_semaphore, #tpu.memory_space<semaphore_mem>> -> memref<!tpu.dma_semaphore, #tpu.memory_space<semaphore_mem>>
    %dma_start3A_23 = arith.constant 0 : i32
    %dma_start3A_24 = arith.constant 0 : i32
    %dma_start3A_25 = tpu.memref_slice %arg6[%dma_start3A_11, %dma_start3A_23, %dma_start3A_24] : memref<2x10x40xi32, #tpu.memory_space<vmem>> -> memref<1x10x40xi32, #tpu.memory_space<vmem>>
    %dma_start3A_26 = tpu.memref_squeeze %dma_start3A_25 : memref<1x10x40xi32, #tpu.memory_space<vmem>> -> memref<10x40xi32, #tpu.memory_space<vmem>>
    %dma_start3A_27 = arith.constant 0 : i32
    %dma_start3A_28 = arith.constant 0 : i32
    %dma_start3A_29 = tpu.memref_slice %arg3[%add3A, %dma_start3A_10, %dma_start3A_27, %dma_start3A_28] : memref<32x25x10x40xi32, #tpu.memory_space<hbm>> -> memref<1x1x10x40xi32, #tpu.memory_space<hbm>>
    %dma_start3A_30 = tpu.memref_squeeze %dma_start3A_29 : memref<1x1x10x40xi32, #tpu.memory_space<hbm>> -> memref<10x40xi32, #tpu.memory_space<hbm>>
    tpu.enqueue_dma source(%dma_start3A_30 : memref<10x40xi32, #tpu.memory_space<hbm>>) target(%dma_start3A_26 : memref<10x40xi32, #tpu.memory_space<vmem>>) target_semaphore(%dma_start3A_22 : memref<!tpu.dma_semaphore, #tpu.memory_space<semaphore_mem>>)
    %dma_start3A_31 = arith.constant 0 : i32
    %dma_start3A_32 = arith.constant 0 : i32
    %dma_start3A_33 = arith.constant 1 : i32
    %dma_start3A_34 = arith.constant 0 : i32
    %dma_start3A_35 = arith.constant 0 : i32
    %dma_start3A_36 = tpu.memref_slice %arg7[%dma_start3A_32, %dma_start3A_34, %dma_start3A_35] : memref<2x10x40xi32, #tpu.memory_space<vmem>> -> memref<1x10x40xi32, #tpu.memory_space<vmem>>
    %dma_start3A_37 = tpu.memref_squeeze %dma_start3A_36 : memref<1x10x40xi32, #tpu.memory_space<vmem>> -> memref<10x40xi32, #tpu.memory_space<vmem>>
    %dma_start3A_38 = arith.constant 0 : i32
    %dma_start3A_39 = arith.constant 0 : i32
    %dma_start3A_40 = tpu.memref_slice %arg4[%add3A, %dma_start3A_31, %dma_start3A_38, %dma_start3A_39] : memref<32x25x10x40xi32, #tpu.memory_space<hbm>> -> memref<1x1x10x40xi32, #tpu.memory_space<hbm>>
    %dma_start3A_41 = tpu.memref_squeeze %dma_start3A_40 : memref<1x1x10x40xi32, #tpu.memory_space<hbm>> -> memref<10x40xi32, #tpu.memory_space<hbm>>
    %dma_start3A_42 = tpu.memref_slice %arg12[%dma_start3A_33] : memref<2x!tpu.dma_semaphore, #tpu.memory_space<semaphore_mem>> -> memref<1x!tpu.dma_semaphore, #tpu.memory_space<semaphore_mem>>
    %dma_start3A_43 = tpu.memref_squeeze %dma_start3A_42 : memref<1x!tpu.dma_semaphore, #tpu.memory_space<semaphore_mem>> -> memref<!tpu.dma_semaphore, #tpu.memory_space<semaphore_mem>>
    %dma_start3A_44 = arith.constant 0 : i32
    %dma_start3A_45 = arith.constant 0 : i32
    %dma_start3A_46 = tpu.memref_slice %arg7[%dma_start3A_32, %dma_start3A_44, %dma_start3A_45] : memref<2x10x40xi32, #tpu.memory_space<vmem>> -> memref<1x10x40xi32, #tpu.memory_space<vmem>>
    %dma_start3A_47 = tpu.memref_squeeze %dma_start3A_46 : memref<1x10x40xi32, #tpu.memory_space<vmem>> -> memref<10x40xi32, #tpu.memory_space<vmem>>
    %dma_start3A_48 = arith.constant 0 : i32
    %dma_start3A_49 = arith.constant 0 : i32
    %dma_start3A_50 = tpu.memref_slice %arg4[%add3A, %dma_start3A_31, %dma_start3A_48, %dma_start3A_49] : memref<32x25x10x40xi32, #tpu.memory_space<hbm>> -> memref<1x1x10x40xi32, #tpu.memory_space<hbm>>
    %dma_start3A_51 = tpu.memref_squeeze %dma_start3A_50 : memref<1x1x10x40xi32, #tpu.memory_space<hbm>> -> memref<10x40xi32, #tpu.memory_space<hbm>>
    tpu.enqueue_dma source(%dma_start3A_51 : memref<10x40xi32, #tpu.memory_space<hbm>>) target(%dma_start3A_47 : memref<10x40xi32, #tpu.memory_space<vmem>>) target_semaphore(%dma_start3A_43 : memref<!tpu.dma_semaphore, #tpu.memory_space<semaphore_mem>>)
    %dma_wait3A = arith.constant 0 : i32
    %dma_wait3A_52 = arith.constant 0 : i32
    %dma_wait3A_53 = arith.constant 0 : i32
    %dma_wait3A_54 = arith.constant 0 : i32
    %dma_wait3A_55 = arith.constant 0 : i32
    %dma_wait3A_56 = tpu.memref_slice %arg6[%dma_wait3A_52, %dma_wait3A_54, %dma_wait3A_55] : memref<2x10x40xi32, #tpu.memory_space<vmem>> -> memref<1x10x40xi32, #tpu.memory_space<vmem>>
    %dma_wait3A_57 = tpu.memref_squeeze %dma_wait3A_56 : memref<1x10x40xi32, #tpu.memory_space<vmem>> -> memref<10x40xi32, #tpu.memory_space<vmem>>
    %dma_wait3A_58 = arith.constant 0 : i32
    %dma_wait3A_59 = arith.constant 0 : i32
    %dma_wait3A_60 = tpu.memref_slice %arg3[%add3A, %dma_wait3A, %dma_wait3A_58, %dma_wait3A_59] : memref<32x25x10x40xi32, #tpu.memory_space<hbm>> -> memref<1x1x10x40xi32, #tpu.memory_space<hbm>>
    %dma_wait3A_61 = tpu.memref_squeeze %dma_wait3A_60 : memref<1x1x10x40xi32, #tpu.memory_space<hbm>> -> memref<10x40xi32, #tpu.memory_space<hbm>>
    %dma_wait3A_62 = tpu.memref_slice %arg12[%dma_wait3A_53] : memref<2x!tpu.dma_semaphore, #tpu.memory_space<semaphore_mem>> -> memref<1x!tpu.dma_semaphore, #tpu.memory_space<semaphore_mem>>
    %dma_wait3A_63 = tpu.memref_squeeze %dma_wait3A_62 : memref<1x!tpu.dma_semaphore, #tpu.memory_space<semaphore_mem>> -> memref<!tpu.dma_semaphore, #tpu.memory_space<semaphore_mem>>
    %dma_wait3A_64 = arith.constant 0 : i32
    %dma_wait3A_65 = arith.constant 0 : i32
    %dma_wait3A_66 = tpu.memref_slice %arg6[%dma_wait3A_52, %dma_wait3A_64, %dma_wait3A_65] : memref<2x10x40xi32, #tpu.memory_space<vmem>> -> memref<1x10x40xi32, #tpu.memory_space<vmem>>
    %dma_wait3A_67 = tpu.memref_squeeze %dma_wait3A_66 : memref<1x10x40xi32, #tpu.memory_space<vmem>> -> memref<10x40xi32, #tpu.memory_space<vmem>>
    %dma_wait3A_68 = arith.constant 0 : i32
    %dma_wait3A_69 = arith.constant 0 : i32
    %dma_wait3A_70 = tpu.memref_slice %arg3[%add3A, %dma_wait3A, %dma_wait3A_68, %dma_wait3A_69] : memref<32x25x10x40xi32, #tpu.memory_space<hbm>> -> memref<1x1x10x40xi32, #tpu.memory_space<hbm>>
    %dma_wait3A_71 = tpu.memref_squeeze %dma_wait3A_70 : memref<1x1x10x40xi32, #tpu.memory_space<hbm>> -> memref<10x40xi32, #tpu.memory_space<hbm>>
    tpu.wait_dma2 semaphore(%dma_wait3A_63 : memref<!tpu.dma_semaphore, #tpu.memory_space<semaphore_mem>>) src(%dma_wait3A_71 : memref<10x40xi32, #tpu.memory_space<hbm>>) dst(%dma_wait3A_67 : memref<10x40xi32, #tpu.memory_space<vmem>>)
    %dma_wait3A_72 = arith.constant 0 : i32
    %dma_wait3A_73 = arith.constant 0 : i32
    %dma_wait3A_74 = arith.constant 1 : i32
    %dma_wait3A_75 = arith.constant 0 : i32
    %dma_wait3A_76 = arith.constant 0 : i32
    %dma_wait3A_77 = tpu.memref_slice %arg7[%dma_wait3A_73, %dma_wait3A_75, %dma_wait3A_76] : memref<2x10x40xi32, #tpu.memory_space<vmem>> -> memref<1x10x40xi32, #tpu.memory_space<vmem>>
    %dma_wait3A_78 = tpu.memref_squeeze %dma_wait3A_77 : memref<1x10x40xi32, #tpu.memory_space<vmem>> -> memref<10x40xi32, #tpu.memory_space<vmem>>
    %dma_wait3A_79 = arith.constant 0 : i32
    %dma_wait3A_80 = arith.constant 0 : i32
    %dma_wait3A_81 = tpu.memref_slice %arg4[%add3A, %dma_wait3A_72, %dma_wait3A_79, %dma_wait3A_80] : memref<32x25x10x40xi32, #tpu.memory_space<hbm>> -> memref<1x1x10x40xi32, #tpu.memory_space<hbm>>
    %dma_wait3A_82 = tpu.memref_squeeze %dma_wait3A_81 : memref<1x1x10x40xi32, #tpu.memory_space<hbm>> -> memref<10x40xi32, #tpu.memory_space<hbm>>
    %dma_wait3A_83 = tpu.memref_slice %arg12[%dma_wait3A_74] : memref<2x!tpu.dma_semaphore, #tpu.memory_space<semaphore_mem>> -> memref<1x!tpu.dma_semaphore, #tpu.memory_space<semaphore_mem>>
    %dma_wait3A_84 = tpu.memref_squeeze %dma_wait3A_83 : memref<1x!tpu.dma_semaphore, #tpu.memory_space<semaphore_mem>> -> memref<!tpu.dma_semaphore, #tpu.memory_space<semaphore_mem>>
    %dma_wait3A_85 = arith.constant 0 : i32
    %dma_wait3A_86 = arith.constant 0 : i32
    %dma_wait3A_87 = tpu.memref_slice %arg7[%dma_wait3A_73, %dma_wait3A_85, %dma_wait3A_86] : memref<2x10x40xi32, #tpu.memory_space<vmem>> -> memref<1x10x40xi32, #tpu.memory_space<vmem>>
    %dma_wait3A_88 = tpu.memref_squeeze %dma_wait3A_87 : memref<1x10x40xi32, #tpu.memory_space<vmem>> -> memref<10x40xi32, #tpu.memory_space<vmem>>
    %dma_wait3A_89 = arith.constant 0 : i32
    %dma_wait3A_90 = arith.constant 0 : i32
    %dma_wait3A_91 = tpu.memref_slice %arg4[%add3A, %dma_wait3A_72, %dma_wait3A_89, %dma_wait3A_90] : memref<32x25x10x40xi32, #tpu.memory_space<hbm>> -> memref<1x1x10x40xi32, #tpu.memory_space<hbm>>
    %dma_wait3A_92 = tpu.memref_squeeze %dma_wait3A_91 : memref<1x1x10x40xi32, #tpu.memory_space<hbm>> -> memref<10x40xi32, #tpu.memory_space<hbm>>
    tpu.wait_dma2 semaphore(%dma_wait3A_84 : memref<!tpu.dma_semaphore, #tpu.memory_space<semaphore_mem>>) src(%dma_wait3A_92 : memref<10x40xi32, #tpu.memory_space<hbm>>) dst(%dma_wait3A_88 : memref<10x40xi32, #tpu.memory_space<vmem>>)
    %dma_start3A_93 = arith.constant 0 : i32
    %dma_start3A_94 = arith.constant 0 : i32
    %dma_start3A_95 = arith.constant 0 : i32
    %dma_start3A_96 = arith.constant 0 : i32
    %dma_start3A_97 = arith.constant 0 : i32
    %dma_start3A_98 = arith.constant 0 : i32
    %dma_start3A_99 = tpu.memref_slice %arg8[%dma_start3A_95, %dma_start3A_97, %dma_start3A_98] : memref<7x40x128xf32, #tpu.memory_space<vmem>> -> memref<1x40x128xf32, #tpu.memory_space<vmem>>
    %dma_start3A_100 = tpu.memref_squeeze %dma_start3A_99 : memref<1x40x128xf32, #tpu.memory_space<vmem>> -> memref<40x128xf32, #tpu.memory_space<vmem>>
    %dma_start3A_101 = arith.constant 0 : i32
    %dma_start3A_102 = tpu.memref_slice %arg6[%dma_start3A_93, %dma_start3A_94, %dma_start3A_101] : memref<2x10x40xi32, #tpu.memory_space<vmem>> -> memref<1x1x40xi32, #tpu.memory_space<vmem>>
    %dma_start3A_103 = tpu.memref_squeeze %dma_start3A_102 : memref<1x1x40xi32, #tpu.memory_space<vmem>> -> memref<40xi32, #tpu.memory_space<vmem>>
    %dma_start3A_104 = arith.constant 0 : i32
    %dma_start3A_105 = arith.constant 0 : i32
    %dma_start3A_106 = tpu.memref_slice %arg2[%dma_start3A_104, %dma_start3A_105] : memref<10000x128xf32, #tpu.memory_space<hbm>> -> memref<10000x128xf32, #tpu.memory_space<hbm>>
    %dma_start3A_107 = tpu.memref_slice %arg10[%dma_start3A_96] : memref<7x!tpu.dma_semaphore, #tpu.memory_space<semaphore_mem>> -> memref<1x!tpu.dma_semaphore, #tpu.memory_space<semaphore_mem>>
    %dma_start3A_108 = tpu.memref_squeeze %dma_start3A_107 : memref<1x!tpu.dma_semaphore, #tpu.memory_space<semaphore_mem>> -> memref<!tpu.dma_semaphore, #tpu.memory_space<semaphore_mem>>
    tpu.enqueue_indirect_dma source(%dma_start3A_106 : memref<10000x128xf32, #tpu.memory_space<hbm>>) target(%dma_start3A_100 : memref<40x128xf32, #tpu.memory_space<vmem>>) offsets(%dma_start3A_103 : memref<40xi32, #tpu.memory_space<vmem>>) semaphore(%dma_start3A_108 : memref<!tpu.dma_semaphore, #tpu.memory_space<semaphore_mem>>)
    %dma_start3A_109 = arith.constant 0 : i32
    %dma_start3A_110 = arith.constant 1 : i32
    %dma_start3A_111 = arith.constant 1 : i32
    %dma_start3A_112 = arith.constant 1 : i32
    %dma_start3A_113 = arith.constant 0 : i32
    %dma_start3A_114 = arith.constant 0 : i32
    %dma_start3A_115 = tpu.memref_slice %arg8[%dma_start3A_111, %dma_start3A_113, %dma_start3A_114] : memref<7x40x128xf32, #tpu.memory_space<vmem>> -> memref<1x40x128xf32, #tpu.memory_space<vmem>>
    %dma_start3A_116 = tpu.memref_squeeze %dma_start3A_115 : memref<1x40x128xf32, #tpu.memory_space<vmem>> -> memref<40x128xf32, #tpu.memory_space<vmem>>
    %dma_start3A_117 = arith.constant 0 : i32
    %dma_start3A_118 = tpu.memref_slice %arg6[%dma_start3A_109, %dma_start3A_110, %dma_start3A_117] : memref<2x10x40xi32, #tpu.memory_space<vmem>> -> memref<1x1x40xi32, #tpu.memory_space<vmem>>
    %dma_start3A_119 = tpu.memref_squeeze %dma_start3A_118 : memref<1x1x40xi32, #tpu.memory_space<vmem>> -> memref<40xi32, #tpu.memory_space<vmem>>
    %dma_start3A_120 = arith.constant 0 : i32
    %dma_start3A_121 = arith.constant 0 : i32
    %dma_start3A_122 = tpu.memref_slice %arg2[%dma_start3A_120, %dma_start3A_121] : memref<10000x128xf32, #tpu.memory_space<hbm>> -> memref<10000x128xf32, #tpu.memory_space<hbm>>
    %dma_start3A_123 = tpu.memref_slice %arg10[%dma_start3A_112] : memref<7x!tpu.dma_semaphore, #tpu.memory_space<semaphore_mem>> -> memref<1x!tpu.dma_semaphore, #tpu.memory_space<semaphore_mem>>
    %dma_start3A_124 = tpu.memref_squeeze %dma_start3A_123 : memref<1x!tpu.dma_semaphore, #tpu.memory_space<semaphore_mem>> -> memref<!tpu.dma_semaphore, #tpu.memory_space<semaphore_mem>>
    tpu.enqueue_indirect_dma source(%dma_start3A_122 : memref<10000x128xf32, #tpu.memory_space<hbm>>) target(%dma_start3A_116 : memref<40x128xf32, #tpu.memory_space<vmem>>) offsets(%dma_start3A_119 : memref<40xi32, #tpu.memory_space<vmem>>) semaphore(%dma_start3A_124 : memref<!tpu.dma_semaphore, #tpu.memory_space<semaphore_mem>>)
    %dma_start3A_125 = arith.constant 0 : i32
    %dma_start3A_126 = arith.constant 2 : i32
    %dma_start3A_127 = arith.constant 2 : i32
    %dma_start3A_128 = arith.constant 2 : i32
    %dma_start3A_129 = arith.constant 0 : i32
    %dma_start3A_130 = arith.constant 0 : i32
    %dma_start3A_131 = tpu.memref_slice %arg8[%dma_start3A_127, %dma_start3A_129, %dma_start3A_130] : memref<7x40x128xf32, #tpu.memory_space<vmem>> -> memref<1x40x128xf32, #tpu.memory_space<vmem>>
    %dma_start3A_132 = tpu.memref_squeeze %dma_start3A_131 : memref<1x40x128xf32, #tpu.memory_space<vmem>> -> memref<40x128xf32, #tpu.memory_space<vmem>>
    %dma_start3A_133 = arith.constant 0 : i32
    %dma_start3A_134 = tpu.memref_slice %arg6[%dma_start3A_125, %dma_start3A_126, %dma_start3A_133] : memref<2x10x40xi32, #tpu.memory_space<vmem>> -> memref<1x1x40xi32, #tpu.memory_space<vmem>>
    %dma_start3A_135 = tpu.memref_squeeze %dma_start3A_134 : memref<1x1x40xi32, #tpu.memory_space<vmem>> -> memref<40xi32, #tpu.memory_space<vmem>>
    %dma_start3A_136 = arith.constant 0 : i32
    %dma_start3A_137 = arith.constant 0 : i32
    %dma_start3A_138 = tpu.memref_slice %arg2[%dma_start3A_136, %dma_start3A_137] : memref<10000x128xf32, #tpu.memory_space<hbm>> -> memref<10000x128xf32, #tpu.memory_space<hbm>>
    %dma_start3A_139 = tpu.memref_slice %arg10[%dma_start3A_128] : memref<7x!tpu.dma_semaphore, #tpu.memory_space<semaphore_mem>> -> memref<1x!tpu.dma_semaphore, #tpu.memory_space<semaphore_mem>>
    %dma_start3A_140 = tpu.memref_squeeze %dma_start3A_139 : memref<1x!tpu.dma_semaphore, #tpu.memory_space<semaphore_mem>> -> memref<!tpu.dma_semaphore, #tpu.memory_space<semaphore_mem>>
    tpu.enqueue_indirect_dma source(%dma_start3A_138 : memref<10000x128xf32, #tpu.memory_space<hbm>>) target(%dma_start3A_132 : memref<40x128xf32, #tpu.memory_space<vmem>>) offsets(%dma_start3A_135 : memref<40xi32, #tpu.memory_space<vmem>>) semaphore(%dma_start3A_140 : memref<!tpu.dma_semaphore, #tpu.memory_space<semaphore_mem>>)
    %dma_start3A_141 = arith.constant 0 : i32
    %dma_start3A_142 = arith.constant 3 : i32
    %dma_start3A_143 = arith.constant 3 : i32
    %dma_start3A_144 = arith.constant 3 : i32
    %dma_start3A_145 = arith.constant 0 : i32
    %dma_start3A_146 = arith.constant 0 : i32
    %dma_start3A_147 = tpu.memref_slice %arg8[%dma_start3A_143, %dma_start3A_145, %dma_start3A_146] : memref<7x40x128xf32, #tpu.memory_space<vmem>> -> memref<1x40x128xf32, #tpu.memory_space<vmem>>
    %dma_start3A_148 = tpu.memref_squeeze %dma_start3A_147 : memref<1x40x128xf32, #tpu.memory_space<vmem>> -> memref<40x128xf32, #tpu.memory_space<vmem>>
    %dma_start3A_149 = arith.constant 0 : i32
    %dma_start3A_150 = tpu.memref_slice %arg6[%dma_start3A_141, %dma_start3A_142, %dma_start3A_149] : memref<2x10x40xi32, #tpu.memory_space<vmem>> -> memref<1x1x40xi32, #tpu.memory_space<vmem>>
    %dma_start3A_151 = tpu.memref_squeeze %dma_start3A_150 : memref<1x1x40xi32, #tpu.memory_space<vmem>> -> memref<40xi32, #tpu.memory_space<vmem>>
    %dma_start3A_152 = arith.constant 0 : i32
    %dma_start3A_153 = arith.constant 0 : i32
    %dma_start3A_154 = tpu.memref_slice %arg2[%dma_start3A_152, %dma_start3A_153] : memref<10000x128xf32, #tpu.memory_space<hbm>> -> memref<10000x128xf32, #tpu.memory_space<hbm>>
    %dma_start3A_155 = tpu.memref_slice %arg10[%dma_start3A_144] : memref<7x!tpu.dma_semaphore, #tpu.memory_space<semaphore_mem>> -> memref<1x!tpu.dma_semaphore, #tpu.memory_space<semaphore_mem>>
    %dma_start3A_156 = tpu.memref_squeeze %dma_start3A_155 : memref<1x!tpu.dma_semaphore, #tpu.memory_space<semaphore_mem>> -> memref<!tpu.dma_semaphore, #tpu.memory_space<semaphore_mem>>
    tpu.enqueue_indirect_dma source(%dma_start3A_154 : memref<10000x128xf32, #tpu.memory_space<hbm>>) target(%dma_start3A_148 : memref<40x128xf32, #tpu.memory_space<vmem>>) offsets(%dma_start3A_151 : memref<40xi32, #tpu.memory_space<vmem>>) semaphore(%dma_start3A_156 : memref<!tpu.dma_semaphore, #tpu.memory_space<semaphore_mem>>)
    %dma_start3A_157 = arith.constant 0 : i32
    %dma_start3A_158 = arith.constant 4 : i32
    %dma_start3A_159 = arith.constant 4 : i32
    %dma_start3A_160 = arith.constant 4 : i32
    %dma_start3A_161 = arith.constant 0 : i32
    %dma_start3A_162 = arith.constant 0 : i32
    %dma_start3A_163 = tpu.memref_slice %arg8[%dma_start3A_159, %dma_start3A_161, %dma_start3A_162] : memref<7x40x128xf32, #tpu.memory_space<vmem>> -> memref<1x40x128xf32, #tpu.memory_space<vmem>>
    %dma_start3A_164 = tpu.memref_squeeze %dma_start3A_163 : memref<1x40x128xf32, #tpu.memory_space<vmem>> -> memref<40x128xf32, #tpu.memory_space<vmem>>
    %dma_start3A_165 = arith.constant 0 : i32
    %dma_start3A_166 = tpu.memref_slice %arg6[%dma_start3A_157, %dma_start3A_158, %dma_start3A_165] : memref<2x10x40xi32, #tpu.memory_space<vmem>> -> memref<1x1x40xi32, #tpu.memory_space<vmem>>
    %dma_start3A_167 = tpu.memref_squeeze %dma_start3A_166 : memref<1x1x40xi32, #tpu.memory_space<vmem>> -> memref<40xi32, #tpu.memory_space<vmem>>
    %dma_start3A_168 = arith.constant 0 : i32
    %dma_start3A_169 = arith.constant 0 : i32
    %dma_start3A_170 = tpu.memref_slice %arg2[%dma_start3A_168, %dma_start3A_169] : memref<10000x128xf32, #tpu.memory_space<hbm>> -> memref<10000x128xf32, #tpu.memory_space<hbm>>
    %dma_start3A_171 = tpu.memref_slice %arg10[%dma_start3A_160] : memref<7x!tpu.dma_semaphore, #tpu.memory_space<semaphore_mem>> -> memref<1x!tpu.dma_semaphore, #tpu.memory_space<semaphore_mem>>
    %dma_start3A_172 = tpu.memref_squeeze %dma_start3A_171 : memref<1x!tpu.dma_semaphore, #tpu.memory_space<semaphore_mem>> -> memref<!tpu.dma_semaphore, #tpu.memory_space<semaphore_mem>>
    tpu.enqueue_indirect_dma source(%dma_start3A_170 : memref<10000x128xf32, #tpu.memory_space<hbm>>) target(%dma_start3A_164 : memref<40x128xf32, #tpu.memory_space<vmem>>) offsets(%dma_start3A_167 : memref<40xi32, #tpu.memory_space<vmem>>) semaphore(%dma_start3A_172 : memref<!tpu.dma_semaphore, #tpu.memory_space<semaphore_mem>>)
    %dma_start3A_173 = arith.constant 0 : i32
    %dma_start3A_174 = arith.constant 5 : i32
    %dma_start3A_175 = arith.constant 5 : i32
    %dma_start3A_176 = arith.constant 5 : i32
    %dma_start3A_177 = arith.constant 0 : i32
    %dma_start3A_178 = arith.constant 0 : i32
    %dma_start3A_179 = tpu.memref_slice %arg8[%dma_start3A_175, %dma_start3A_177, %dma_start3A_178] : memref<7x40x128xf32, #tpu.memory_space<vmem>> -> memref<1x40x128xf32, #tpu.memory_space<vmem>>
    %dma_start3A_180 = tpu.memref_squeeze %dma_start3A_179 : memref<1x40x128xf32, #tpu.memory_space<vmem>> -> memref<40x128xf32, #tpu.memory_space<vmem>>
    %dma_start3A_181 = arith.constant 0 : i32
    %dma_start3A_182 = tpu.memref_slice %arg6[%dma_start3A_173, %dma_start3A_174, %dma_start3A_181] : memref<2x10x40xi32, #tpu.memory_space<vmem>> -> memref<1x1x40xi32, #tpu.memory_space<vmem>>
    %dma_start3A_183 = tpu.memref_squeeze %dma_start3A_182 : memref<1x1x40xi32, #tpu.memory_space<vmem>> -> memref<40xi32, #tpu.memory_space<vmem>>
    %dma_start3A_184 = arith.constant 0 : i32
    %dma_start3A_185 = arith.constant 0 : i32
    %dma_start3A_186 = tpu.memref_slice %arg2[%dma_start3A_184, %dma_start3A_185] : memref<10000x128xf32, #tpu.memory_space<hbm>> -> memref<10000x128xf32, #tpu.memory_space<hbm>>
    %dma_start3A_187 = tpu.memref_slice %arg10[%dma_start3A_176] : memref<7x!tpu.dma_semaphore, #tpu.memory_space<semaphore_mem>> -> memref<1x!tpu.dma_semaphore, #tpu.memory_space<semaphore_mem>>
    %dma_start3A_188 = tpu.memref_squeeze %dma_start3A_187 : memref<1x!tpu.dma_semaphore, #tpu.memory_space<semaphore_mem>> -> memref<!tpu.dma_semaphore, #tpu.memory_space<semaphore_mem>>
    tpu.enqueue_indirect_dma source(%dma_start3A_186 : memref<10000x128xf32, #tpu.memory_space<hbm>>) target(%dma_start3A_180 : memref<40x128xf32, #tpu.memory_space<vmem>>) offsets(%dma_start3A_183 : memref<40xi32, #tpu.memory_space<vmem>>) semaphore(%dma_start3A_188 : memref<!tpu.dma_semaphore, #tpu.memory_space<semaphore_mem>>)
    %mul3A_189 = arith.constant 624 : i32
    %mul3A_190 = arith.muli %arg1, %mul3A_189 : i32
    %mul3A_191 = arith.constant 624 : i32
    %mul3A_192 = arith.muli %arg1, %mul3A_191 : i32
    %dma_wait3A_193 = arith.constant 0 : i32
    %dma_wait3A_194 = tpu.memref_slice %arg9[%mul3A_192, %dma_wait3A_193] : memref<10000x128xf32, #tpu.memory_space<vmem_shared>> -> memref<624x128xf32, #tpu.memory_space<vmem_shared>>
    %dma_wait3A_195 = arith.constant 0 : i32
    %dma_wait3A_196 = tpu.memref_slice %arg2[%mul3A_190, %dma_wait3A_195] : memref<10000x128xf32, #tpu.memory_space<hbm>> -> memref<624x128xf32, #tpu.memory_space<hbm>>
    tpu.wait_dma2 semaphore(%arg13 : memref<!tpu.dma_semaphore, #tpu.memory_space<semaphore_mem>>) src(%dma_wait3A_196 : memref<624x128xf32, #tpu.memory_space<hbm>>) dst(%dma_wait3A_194 : memref<624x128xf32, #tpu.memory_space<vmem_shared>>)
    %eq3A_197 = arith.constant 0 : i32
    %eq3A_198 = arith.cmpi eq, %arg1, %eq3A_197 : i32
    %convert_element_type3A_199 = arith.extui %eq3A_198 : i1 to i32
    %cond3A_200 = arith.constant 0 : i32
    %cond3A_201 = arith.cmpi ne, %convert_element_type3A_199, %cond3A_200 : i32
    scf.if %cond3A_201 {
      %dma_wait3A_236 = arith.constant 9984 : i32
      %dma_wait3A_237 = arith.constant 0 : i32
      %dma_wait3A_238 = tpu.memref_slice %arg9[%dma_wait3A_236, %dma_wait3A_237] : memref<10000x128xf32, #tpu.memory_space<vmem_shared>> -> memref<16x128xf32, #tpu.memory_space<vmem_shared>>
      %dma_wait3A_239 = arith.constant 9984 : i32
      %dma_wait3A_240 = arith.constant 0 : i32
      %dma_wait3A_241 = tpu.memref_slice %arg2[%dma_wait3A_239, %dma_wait3A_240] : memref<10000x128xf32, #tpu.memory_space<hbm>> -> memref<16x128xf32, #tpu.memory_space<hbm>>
      tpu.wait_dma2 semaphore(%arg13 : memref<!tpu.dma_semaphore, #tpu.memory_space<semaphore_mem>>) src(%dma_wait3A_241 : memref<16x128xf32, #tpu.memory_space<hbm>>) dst(%dma_wait3A_238 : memref<16x128xf32, #tpu.memory_space<vmem_shared>>)
    } else {
    }
    %barrier3A = arith.constant 0 : index
    tpu.barrier barrier_id(%barrier3A)
    %scan3A = arith.constant 0 : i32
    %scan3A_202 = arith.constant 0 : i32
    %scan3A_203 = arith.constant 250 : i32
    %scan3A_204 = arith.addi %scan3A_202, %scan3A_203 : i32
    %scan3A_205 = arith.constant 1 : i32
    scf.for %scan3A_236 = %scan3A_202 to %scan3A_204 step %scan3A_205  : i32 {
      %rem3A_237 = arith.constant 7 : i32
      %rem3A_238 = arith.remsi %scan3A_236, %rem3A_237 : i32
      %rem3A_239 = arith.constant 10 : i32
      %rem3A_240 = arith.remsi %scan3A_236, %rem3A_239 : i32
      %div3A = arith.constant 10 : i32
      %div3A_241 = arith.divsi %scan3A_236, %div3A : i32
      %rem3A_242 = arith.constant 2 : i32
      %rem3A_243 = arith.remsi %div3A_241, %rem3A_242 : i32
      %dma_wait3A_244 = arith.constant 0 : i32
      %dma_wait3A_245 = arith.constant 0 : i32
      %dma_wait3A_246 = tpu.memref_slice %arg8[%rem3A_238, %dma_wait3A_244, %dma_wait3A_245] : memref<7x40x128xf32, #tpu.memory_space<vmem>> -> memref<1x40x128xf32, #tpu.memory_space<vmem>>
      %dma_wait3A_247 = tpu.memref_squeeze %dma_wait3A_246 : memref<1x40x128xf32, #tpu.memory_space<vmem>> -> memref<40x128xf32, #tpu.memory_space<vmem>>
      %dma_wait3A_248 = arith.constant 0 : i32
      %dma_wait3A_249 = tpu.memref_slice %arg6[%rem3A_243, %rem3A_240, %dma_wait3A_248] : memref<2x10x40xi32, #tpu.memory_space<vmem>> -> memref<1x1x40xi32, #tpu.memory_space<vmem>>
      %dma_wait3A_250 = tpu.memref_squeeze %dma_wait3A_249 : memref<1x1x40xi32, #tpu.memory_space<vmem>> -> memref<40xi32, #tpu.memory_space<vmem>>
      %dma_wait3A_251 = arith.constant 0 : i32
      %dma_wait3A_252 = arith.constant 0 : i32
      %dma_wait3A_253 = tpu.memref_slice %arg2[%dma_wait3A_251, %dma_wait3A_252] : memref<10000x128xf32, #tpu.memory_space<hbm>> -> memref<10000x128xf32, #tpu.memory_space<hbm>>
      %dma_wait3A_254 = tpu.memref_slice %arg10[%rem3A_238] : memref<7x!tpu.dma_semaphore, #tpu.memory_space<semaphore_mem>> -> memref<1x!tpu.dma_semaphore, #tpu.memory_space<semaphore_mem>>
      %dma_wait3A_255 = tpu.memref_squeeze %dma_wait3A_254 : memref<1x!tpu.dma_semaphore, #tpu.memory_space<semaphore_mem>> -> memref<!tpu.dma_semaphore, #tpu.memory_space<semaphore_mem>>
      tpu.wait_indirect_dma semaphore(%dma_wait3A_255 : memref<!tpu.dma_semaphore, #tpu.memory_space<semaphore_mem>>) src(%dma_wait3A_253 : memref<10000x128xf32, #tpu.memory_space<hbm>>) dst(%dma_wait3A_247 : memref<40x128xf32, #tpu.memory_space<vmem>>)
      %dma_start3A_256 = arith.constant 0 : i32
      %dma_start3A_257 = arith.constant 0 : i32
      %dma_start3A_258 = tpu.memref_slice %arg8[%rem3A_238, %dma_start3A_256, %dma_start3A_257] : memref<7x40x128xf32, #tpu.memory_space<vmem>> -> memref<1x40x128xf32, #tpu.memory_space<vmem>>
      %dma_start3A_259 = tpu.memref_squeeze %dma_start3A_258 : memref<1x40x128xf32, #tpu.memory_space<vmem>> -> memref<40x128xf32, #tpu.memory_space<vmem>>
      %dma_start3A_260 = arith.constant 0 : i32
      %dma_start3A_261 = tpu.memref_slice %arg7[%rem3A_243, %rem3A_240, %dma_start3A_260] : memref<2x10x40xi32, #tpu.memory_space<vmem>> -> memref<1x1x40xi32, #tpu.memory_space<vmem>>
      %dma_start3A_262 = tpu.memref_squeeze %dma_start3A_261 : memref<1x1x40xi32, #tpu.memory_space<vmem>> -> memref<40xi32, #tpu.memory_space<vmem>>
      %dma_start3A_263 = arith.constant 0 : i32
      %dma_start3A_264 = arith.constant 0 : i32
      %dma_start3A_265 = tpu.memref_slice %arg9[%dma_start3A_263, %dma_start3A_264] : memref<10000x128xf32, #tpu.memory_space<vmem_shared>> -> memref<10000x128xf32, #tpu.memory_space<vmem_shared>>
      %dma_start3A_266 = tpu.memref_slice %arg11[%rem3A_238] : memref<7x!tpu.dma_semaphore, #tpu.memory_space<semaphore_mem>> -> memref<1x!tpu.dma_semaphore, #tpu.memory_space<semaphore_mem>>
      %dma_start3A_267 = tpu.memref_squeeze %dma_start3A_266 : memref<1x!tpu.dma_semaphore, #tpu.memory_space<semaphore_mem>> -> memref<!tpu.dma_semaphore, #tpu.memory_space<semaphore_mem>>
      tpu.enqueue_indirect_dma source(%dma_start3A_259 : memref<40x128xf32, #tpu.memory_space<vmem>>) target(%dma_start3A_265 : memref<10000x128xf32, #tpu.memory_space<vmem_shared>>) offsets(%dma_start3A_262 : memref<40xi32, #tpu.memory_space<vmem>>) semaphore(%dma_start3A_267 : memref<!tpu.dma_semaphore, #tpu.memory_space<semaphore_mem>>) {add = true}
      %add3A_268 = arith.constant 7 : i32
      %add3A_269 = arith.addi %scan3A_236, %add3A_268 : i32
      %sub3A = arith.constant 1 : i32
      %sub3A_270 = arith.subi %add3A_269, %sub3A : i32
      %rem3A_271 = arith.constant 7 : i32
      %rem3A_272 = arith.remsi %sub3A_270, %rem3A_271 : i32
      %gt3A = arith.constant 0 : i32
      %gt3A_273 = arith.cmpi sgt, %scan3A_236, %gt3A : i32
      %convert_element_type3A_274 = arith.extui %gt3A_273 : i1 to i32
      %cond3A_275 = arith.constant 0 : i32
      %cond3A_276 = arith.cmpi ne, %convert_element_type3A_274, %cond3A_275 : i32
      scf.if %cond3A_276 {
        %dma_wait3A_294 = arith.constant 0 : i32
        %dma_wait3A_295 = arith.constant 0 : i32
        %dma_wait3A_296 = tpu.memref_slice %arg8[%rem3A_272, %dma_wait3A_294, %dma_wait3A_295] : memref<7x40x128xf32, #tpu.memory_space<vmem>> -> memref<1x40x128xf32, #tpu.memory_space<vmem>>
        %dma_wait3A_297 = tpu.memref_squeeze %dma_wait3A_296 : memref<1x40x128xf32, #tpu.memory_space<vmem>> -> memref<40x128xf32, #tpu.memory_space<vmem>>
        %dma_wait3A_298 = arith.constant 0 : i32
        %dma_wait3A_299 = tpu.memref_slice %arg7[%rem3A_243, %rem3A_240, %dma_wait3A_298] : memref<2x10x40xi32, #tpu.memory_space<vmem>> -> memref<1x1x40xi32, #tpu.memory_space<vmem>>
        %dma_wait3A_300 = tpu.memref_squeeze %dma_wait3A_299 : memref<1x1x40xi32, #tpu.memory_space<vmem>> -> memref<40xi32, #tpu.memory_space<vmem>>
        %dma_wait3A_301 = arith.constant 0 : i32
        %dma_wait3A_302 = arith.constant 0 : i32
        %dma_wait3A_303 = tpu.memref_slice %arg9[%dma_wait3A_301, %dma_wait3A_302] : memref<10000x128xf32, #tpu.memory_space<vmem_shared>> -> memref<10000x128xf32, #tpu.memory_space<vmem_shared>>
        %dma_wait3A_304 = tpu.memref_slice %arg11[%rem3A_272] : memref<7x!tpu.dma_semaphore, #tpu.memory_space<semaphore_mem>> -> memref<1x!tpu.dma_semaphore, #tpu.memory_space<semaphore_mem>>
        %dma_wait3A_305 = tpu.memref_squeeze %dma_wait3A_304 : memref<1x!tpu.dma_semaphore, #tpu.memory_space<semaphore_mem>> -> memref<!tpu.dma_semaphore, #tpu.memory_space<semaphore_mem>>
        tpu.wait_indirect_dma semaphore(%dma_wait3A_305 : memref<!tpu.dma_semaphore, #tpu.memory_space<semaphore_mem>>) src(%dma_wait3A_297 : memref<40x128xf32, #tpu.memory_space<vmem>>) dst(%dma_wait3A_303 : memref<10000x128xf32, #tpu.memory_space<vmem_shared>>)
      } else {
      }
      %eq3A_277 = arith.constant 0 : i32
      %eq3A_278 = arith.cmpi eq, %rem3A_240, %eq3A_277 : i32
      %add3A_279 = arith.constant 10 : i32
      %add3A_280 = arith.addi %scan3A_236, %add3A_279 : i32
      %lt3A = arith.constant 250 : i32
      %lt3A_281 = arith.cmpi slt, %add3A_280, %lt3A : i32
      %and3A = arith.andi %eq3A_278, %lt3A_281 : i1
      %convert_element_type3A_282 = arith.extui %and3A : i1 to i32
      %cond3A_283 = arith.constant 0 : i32
      %cond3A_284 = arith.cmpi ne, %convert_element_type3A_282, %cond3A_283 : i32
      scf.if %cond3A_284 {
        %div3A_294 = arith.constant 10 : i32
        %div3A_295 = arith.divsi %scan3A_236, %div3A_294 : i32
        %add3A_296 = arith.constant 1 : i32
        %add3A_297 = arith.addi %div3A_295, %add3A_296 : i32
        %sub3A_298 = arith.constant 1 : i32
        %sub3A_299 = arith.subi %sub3A_298, %rem3A_243 : i32
        %dma_start3A_300 = arith.constant 0 : i32
        %dma_start3A_301 = arith.constant 0 : i32
        %dma_start3A_302 = arith.constant 0 : i32
        %dma_start3A_303 = tpu.memref_slice %arg6[%sub3A_299, %dma_start3A_301, %dma_start3A_302] : memref<2x10x40xi32, #tpu.memory_space<vmem>> -> memref<1x10x40xi32, #tpu.memory_space<vmem>>
        %dma_start3A_304 = tpu.memref_squeeze %dma_start3A_303 : memref<1x10x40xi32, #tpu.memory_space<vmem>> -> memref<10x40xi32, #tpu.memory_space<vmem>>
        %dma_start3A_305 = arith.constant 0 : i32
        %dma_start3A_306 = arith.constant 0 : i32
        %dma_start3A_307 = tpu.memref_slice %arg3[%add3A, %add3A_297, %dma_start3A_305, %dma_start3A_306] : memref<32x25x10x40xi32, #tpu.memory_space<hbm>> -> memref<1x1x10x40xi32, #tpu.memory_space<hbm>>
        %dma_start3A_308 = tpu.memref_squeeze %dma_start3A_307 : memref<1x1x10x40xi32, #tpu.memory_space<hbm>> -> memref<10x40xi32, #tpu.memory_space<hbm>>
        %dma_start3A_309 = tpu.memref_slice %arg12[%dma_start3A_300] : memref<2x!tpu.dma_semaphore, #tpu.memory_space<semaphore_mem>> -> memref<1x!tpu.dma_semaphore, #tpu.memory_space<semaphore_mem>>
        %dma_start3A_310 = tpu.memref_squeeze %dma_start3A_309 : memref<1x!tpu.dma_semaphore, #tpu.memory_space<semaphore_mem>> -> memref<!tpu.dma_semaphore, #tpu.memory_space<semaphore_mem>>
        %dma_start3A_311 = arith.constant 0 : i32
        %dma_start3A_312 = arith.constant 0 : i32
        %dma_start3A_313 = tpu.memref_slice %arg6[%sub3A_299, %dma_start3A_311, %dma_start3A_312] : memref<2x10x40xi32, #tpu.memory_space<vmem>> -> memref<1x10x40xi32, #tpu.memory_space<vmem>>
        %dma_start3A_314 = tpu.memref_squeeze %dma_start3A_313 : memref<1x10x40xi32, #tpu.memory_space<vmem>> -> memref<10x40xi32, #tpu.memory_space<vmem>>
        %dma_start3A_315 = arith.constant 0 : i32
        %dma_start3A_316 = arith.constant 0 : i32
        %dma_start3A_317 = tpu.memref_slice %arg3[%add3A, %add3A_297, %dma_start3A_315, %dma_start3A_316] : memref<32x25x10x40xi32, #tpu.memory_space<hbm>> -> memref<1x1x10x40xi32, #tpu.memory_space<hbm>>
        %dma_start3A_318 = tpu.memref_squeeze %dma_start3A_317 : memref<1x1x10x40xi32, #tpu.memory_space<hbm>> -> memref<10x40xi32, #tpu.memory_space<hbm>>
        tpu.enqueue_dma source(%dma_start3A_318 : memref<10x40xi32, #tpu.memory_space<hbm>>) target(%dma_start3A_314 : memref<10x40xi32, #tpu.memory_space<vmem>>) target_semaphore(%dma_start3A_310 : memref<!tpu.dma_semaphore, #tpu.memory_space<semaphore_mem>>)
        %add3A_319 = arith.constant 1 : i32
        %add3A_320 = arith.addi %div3A_295, %add3A_319 : i32
        %sub3A_321 = arith.constant 1 : i32
        %sub3A_322 = arith.subi %sub3A_321, %rem3A_243 : i32
        %dma_start3A_323 = arith.constant 1 : i32
        %dma_start3A_324 = arith.constant 0 : i32
        %dma_start3A_325 = arith.constant 0 : i32
        %dma_start3A_326 = tpu.memref_slice %arg7[%sub3A_322, %dma_start3A_324, %dma_start3A_325] : memref<2x10x40xi32, #tpu.memory_space<vmem>> -> memref<1x10x40xi32, #tpu.memory_space<vmem>>
        %dma_start3A_327 = tpu.memref_squeeze %dma_start3A_326 : memref<1x10x40xi32, #tpu.memory_space<vmem>> -> memref<10x40xi32, #tpu.memory_space<vmem>>
        %dma_start3A_328 = arith.constant 0 : i32
        %dma_start3A_329 = arith.constant 0 : i32
        %dma_start3A_330 = tpu.memref_slice %arg4[%add3A, %add3A_320, %dma_start3A_328, %dma_start3A_329] : memref<32x25x10x40xi32, #tpu.memory_space<hbm>> -> memref<1x1x10x40xi32, #tpu.memory_space<hbm>>
        %dma_start3A_331 = tpu.memref_squeeze %dma_start3A_330 : memref<1x1x10x40xi32, #tpu.memory_space<hbm>> -> memref<10x40xi32, #tpu.memory_space<hbm>>
        %dma_start3A_332 = tpu.memref_slice %arg12[%dma_start3A_323] : memref<2x!tpu.dma_semaphore, #tpu.memory_space<semaphore_mem>> -> memref<1x!tpu.dma_semaphore, #tpu.memory_space<semaphore_mem>>
        %dma_start3A_333 = tpu.memref_squeeze %dma_start3A_332 : memref<1x!tpu.dma_semaphore, #tpu.memory_space<semaphore_mem>> -> memref<!tpu.dma_semaphore, #tpu.memory_space<semaphore_mem>>
        %dma_start3A_334 = arith.constant 0 : i32
        %dma_start3A_335 = arith.constant 0 : i32
        %dma_start3A_336 = tpu.memref_slice %arg7[%sub3A_322, %dma_start3A_334, %dma_start3A_335] : memref<2x10x40xi32, #tpu.memory_space<vmem>> -> memref<1x10x40xi32, #tpu.memory_space<vmem>>
        %dma_start3A_337 = tpu.memref_squeeze %dma_start3A_336 : memref<1x10x40xi32, #tpu.memory_space<vmem>> -> memref<10x40xi32, #tpu.memory_space<vmem>>
        %dma_start3A_338 = arith.constant 0 : i32
        %dma_start3A_339 = arith.constant 0 : i32
        %dma_start3A_340 = tpu.memref_slice %arg4[%add3A, %add3A_320, %dma_start3A_338, %dma_start3A_339] : memref<32x25x10x40xi32, #tpu.memory_space<hbm>> -> memref<1x1x10x40xi32, #tpu.memory_space<hbm>>
        %dma_start3A_341 = tpu.memref_squeeze %dma_start3A_340 : memref<1x1x10x40xi32, #tpu.memory_space<hbm>> -> memref<10x40xi32, #tpu.memory_space<hbm>>
        tpu.enqueue_dma source(%dma_start3A_341 : memref<10x40xi32, #tpu.memory_space<hbm>>) target(%dma_start3A_337 : memref<10x40xi32, #tpu.memory_space<vmem>>) target_semaphore(%dma_start3A_333 : memref<!tpu.dma_semaphore, #tpu.memory_space<semaphore_mem>>)
      } else {
      }
      %add3A_285 = arith.constant 7 : i32
      %add3A_286 = arith.addi %scan3A_236, %add3A_285 : i32
      %sub3A_287 = arith.constant 1 : i32
      %sub3A_288 = arith.subi %add3A_286, %sub3A_287 : i32
      %lt3A_289 = arith.constant 250 : i32
      %lt3A_290 = arith.cmpi slt, %sub3A_288, %lt3A_289 : i32
      %convert_element_type3A_291 = arith.extui %lt3A_290 : i1 to i32
      %cond3A_292 = arith.constant 0 : i32
      %cond3A_293 = arith.cmpi ne, %convert_element_type3A_291, %cond3A_292 : i32
      scf.if %cond3A_293 {
        %rem3A_294 = arith.constant 10 : i32
        %rem3A_295 = arith.remsi %sub3A_288, %rem3A_294 : i32
        %div3A_296 = arith.constant 10 : i32
        %div3A_297 = arith.divsi %sub3A_288, %div3A_296 : i32
        %rem3A_298 = arith.constant 2 : i32
        %rem3A_299 = arith.remsi %div3A_297, %rem3A_298 : i32
        %eq3A_300 = arith.constant 0 : i32
        %eq3A_301 = arith.cmpi eq, %rem3A_295, %eq3A_300 : i32
        %convert_element_type3A_302 = arith.extui %eq3A_301 : i1 to i32
        %cond3A_303 = arith.constant 0 : i32
        %cond3A_304 = arith.cmpi ne, %convert_element_type3A_302, %cond3A_303 : i32
        scf.if %cond3A_304 {
          %dma_wait3A_317 = arith.constant 0 : i32
          %dma_wait3A_318 = arith.constant 0 : i32
          %dma_wait3A_319 = arith.constant 0 : i32
          %dma_wait3A_320 = arith.constant 0 : i32
          %dma_wait3A_321 = arith.constant 0 : i32
          %dma_wait3A_322 = tpu.memref_slice %arg6[%dma_wait3A_318, %dma_wait3A_320, %dma_wait3A_321] : memref<2x10x40xi32, #tpu.memory_space<vmem>> -> memref<1x10x40xi32, #tpu.memory_space<vmem>>
          %dma_wait3A_323 = tpu.memref_squeeze %dma_wait3A_322 : memref<1x10x40xi32, #tpu.memory_space<vmem>> -> memref<10x40xi32, #tpu.memory_space<vmem>>
          %dma_wait3A_324 = arith.constant 0 : i32
          %dma_wait3A_325 = arith.constant 0 : i32
          %dma_wait3A_326 = tpu.memref_slice %arg3[%add3A, %dma_wait3A_317, %dma_wait3A_324, %dma_wait3A_325] : memref<32x25x10x40xi32, #tpu.memory_space<hbm>> -> memref<1x1x10x40xi32, #tpu.memory_space<hbm>>
          %dma_wait3A_327 = tpu.memref_squeeze %dma_wait3A_326 : memref<1x1x10x40xi32, #tpu.memory_space<hbm>> -> memref<10x40xi32, #tpu.memory_space<hbm>>
          %dma_wait3A_328 = tpu.memref_slice %arg12[%dma_wait3A_319] : memref<2x!tpu.dma_semaphore, #tpu.memory_space<semaphore_mem>> -> memref<1x!tpu.dma_semaphore, #tpu.memory_space<semaphore_mem>>
          %dma_wait3A_329 = tpu.memref_squeeze %dma_wait3A_328 : memref<1x!tpu.dma_semaphore, #tpu.memory_space<semaphore_mem>> -> memref<!tpu.dma_semaphore, #tpu.memory_space<semaphore_mem>>
          %dma_wait3A_330 = arith.constant 0 : i32
          %dma_wait3A_331 = arith.constant 0 : i32
          %dma_wait3A_332 = tpu.memref_slice %arg6[%dma_wait3A_318, %dma_wait3A_330, %dma_wait3A_331] : memref<2x10x40xi32, #tpu.memory_space<vmem>> -> memref<1x10x40xi32, #tpu.memory_space<vmem>>
          %dma_wait3A_333 = tpu.memref_squeeze %dma_wait3A_332 : memref<1x10x40xi32, #tpu.memory_space<vmem>> -> memref<10x40xi32, #tpu.memory_space<vmem>>
          %dma_wait3A_334 = arith.constant 0 : i32
          %dma_wait3A_335 = arith.constant 0 : i32
          %dma_wait3A_336 = tpu.memref_slice %arg3[%add3A, %dma_wait3A_317, %dma_wait3A_334, %dma_wait3A_335] : memref<32x25x10x40xi32, #tpu.memory_space<hbm>> -> memref<1x1x10x40xi32, #tpu.memory_space<hbm>>
          %dma_wait3A_337 = tpu.memref_squeeze %dma_wait3A_336 : memref<1x1x10x40xi32, #tpu.memory_space<hbm>> -> memref<10x40xi32, #tpu.memory_space<hbm>>
          tpu.wait_dma2 semaphore(%dma_wait3A_329 : memref<!tpu.dma_semaphore, #tpu.memory_space<semaphore_mem>>) src(%dma_wait3A_337 : memref<10x40xi32, #tpu.memory_space<hbm>>) dst(%dma_wait3A_333 : memref<10x40xi32, #tpu.memory_space<vmem>>)
          %dma_wait3A_338 = arith.constant 0 : i32
          %dma_wait3A_339 = arith.constant 0 : i32
          %dma_wait3A_340 = arith.constant 1 : i32
          %dma_wait3A_341 = arith.constant 0 : i32
          %dma_wait3A_342 = arith.constant 0 : i32
          %dma_wait3A_343 = tpu.memref_slice %arg7[%dma_wait3A_339, %dma_wait3A_341, %dma_wait3A_342] : memref<2x10x40xi32, #tpu.memory_space<vmem>> -> memref<1x10x40xi32, #tpu.memory_space<vmem>>
          %dma_wait3A_344 = tpu.memref_squeeze %dma_wait3A_343 : memref<1x10x40xi32, #tpu.memory_space<vmem>> -> memref<10x40xi32, #tpu.memory_space<vmem>>
          %dma_wait3A_345 = arith.constant 0 : i32
          %dma_wait3A_346 = arith.constant 0 : i32
          %dma_wait3A_347 = tpu.memref_slice %arg4[%add3A, %dma_wait3A_338, %dma_wait3A_345, %dma_wait3A_346] : memref<32x25x10x40xi32, #tpu.memory_space<hbm>> -> memref<1x1x10x40xi32, #tpu.memory_space<hbm>>
          %dma_wait3A_348 = tpu.memref_squeeze %dma_wait3A_347 : memref<1x1x10x40xi32, #tpu.memory_space<hbm>> -> memref<10x40xi32, #tpu.memory_space<hbm>>
          %dma_wait3A_349 = tpu.memref_slice %arg12[%dma_wait3A_340] : memref<2x!tpu.dma_semaphore, #tpu.memory_space<semaphore_mem>> -> memref<1x!tpu.dma_semaphore, #tpu.memory_space<semaphore_mem>>
          %dma_wait3A_350 = tpu.memref_squeeze %dma_wait3A_349 : memref<1x!tpu.dma_semaphore, #tpu.memory_space<semaphore_mem>> -> memref<!tpu.dma_semaphore, #tpu.memory_space<semaphore_mem>>
          %dma_wait3A_351 = arith.constant 0 : i32
          %dma_wait3A_352 = arith.constant 0 : i32
          %dma_wait3A_353 = tpu.memref_slice %arg7[%dma_wait3A_339, %dma_wait3A_351, %dma_wait3A_352] : memref<2x10x40xi32, #tpu.memory_space<vmem>> -> memref<1x10x40xi32, #tpu.memory_space<vmem>>
          %dma_wait3A_354 = tpu.memref_squeeze %dma_wait3A_353 : memref<1x10x40xi32, #tpu.memory_space<vmem>> -> memref<10x40xi32, #tpu.memory_space<vmem>>
          %dma_wait3A_355 = arith.constant 0 : i32
          %dma_wait3A_356 = arith.constant 0 : i32
          %dma_wait3A_357 = tpu.memref_slice %arg4[%add3A, %dma_wait3A_338, %dma_wait3A_355, %dma_wait3A_356] : memref<32x25x10x40xi32, #tpu.memory_space<hbm>> -> memref<1x1x10x40xi32, #tpu.memory_space<hbm>>
          %dma_wait3A_358 = tpu.memref_squeeze %dma_wait3A_357 : memref<1x1x10x40xi32, #tpu.memory_space<hbm>> -> memref<10x40xi32, #tpu.memory_space<hbm>>
          tpu.wait_dma2 semaphore(%dma_wait3A_350 : memref<!tpu.dma_semaphore, #tpu.memory_space<semaphore_mem>>) src(%dma_wait3A_358 : memref<10x40xi32, #tpu.memory_space<hbm>>) dst(%dma_wait3A_354 : memref<10x40xi32, #tpu.memory_space<vmem>>)
        } else {
        }
        %dma_start3A_305 = arith.constant 0 : i32
        %dma_start3A_306 = arith.constant 0 : i32
        %dma_start3A_307 = tpu.memref_slice %arg8[%rem3A_272, %dma_start3A_305, %dma_start3A_306] : memref<7x40x128xf32, #tpu.memory_space<vmem>> -> memref<1x40x128xf32, #tpu.memory_space<vmem>>
        %dma_start3A_308 = tpu.memref_squeeze %dma_start3A_307 : memref<1x40x128xf32, #tpu.memory_space<vmem>> -> memref<40x128xf32, #tpu.memory_space<vmem>>
        %dma_start3A_309 = arith.constant 0 : i32
        %dma_start3A_310 = tpu.memref_slice %arg6[%rem3A_299, %rem3A_295, %dma_start3A_309] : memref<2x10x40xi32, #tpu.memory_space<vmem>> -> memref<1x1x40xi32, #tpu.memory_space<vmem>>
        %dma_start3A_311 = tpu.memref_squeeze %dma_start3A_310 : memref<1x1x40xi32, #tpu.memory_space<vmem>> -> memref<40xi32, #tpu.memory_space<vmem>>
        %dma_start3A_312 = arith.constant 0 : i32
        %dma_start3A_313 = arith.constant 0 : i32
        %dma_start3A_314 = tpu.memref_slice %arg2[%dma_start3A_312, %dma_start3A_313] : memref<10000x128xf32, #tpu.memory_space<hbm>> -> memref<10000x128xf32, #tpu.memory_space<hbm>>
        %dma_start3A_315 = tpu.memref_slice %arg10[%rem3A_272] : memref<7x!tpu.dma_semaphore, #tpu.memory_space<semaphore_mem>> -> memref<1x!tpu.dma_semaphore, #tpu.memory_space<semaphore_mem>>
        %dma_start3A_316 = tpu.memref_squeeze %dma_start3A_315 : memref<1x!tpu.dma_semaphore, #tpu.memory_space<semaphore_mem>> -> memref<!tpu.dma_semaphore, #tpu.memory_space<semaphore_mem>>
        tpu.enqueue_indirect_dma source(%dma_start3A_314 : memref<10000x128xf32, #tpu.memory_space<hbm>>) target(%dma_start3A_308 : memref<40x128xf32, #tpu.memory_space<vmem>>) offsets(%dma_start3A_311 : memref<40xi32, #tpu.memory_space<vmem>>) semaphore(%dma_start3A_316 : memref<!tpu.dma_semaphore, #tpu.memory_space<semaphore_mem>>)
      } else {
      }
    }
    %scan3A_206 = arith.constant 250 : i32
    %rem3A = arith.constant 249 : i32
    %rem3A_207 = arith.constant 7 : i32
    %rem3A_208 = arith.remsi %rem3A, %rem3A_207 : i32
    %rem3A_209 = arith.constant 249 : i32
    %rem3A_210 = arith.constant 7 : i32
    %rem3A_211 = arith.remsi %rem3A_209, %rem3A_210 : i32
    %dma_wait3A_212 = arith.constant 0 : i32
    %dma_wait3A_213 = arith.constant 0 : i32
    %dma_wait3A_214 = arith.constant 0 : i32
    %dma_wait3A_215 = arith.constant 0 : i32
    %dma_wait3A_216 = tpu.memref_slice %arg8[%rem3A_208, %dma_wait3A_214, %dma_wait3A_215] : memref<7x40x128xf32, #tpu.memory_space<vmem>> -> memref<1x40x128xf32, #tpu.memory_space<vmem>>
    %dma_wait3A_217 = tpu.memref_squeeze %dma_wait3A_216 : memref<1x40x128xf32, #tpu.memory_space<vmem>> -> memref<40x128xf32, #tpu.memory_space<vmem>>
    %dma_wait3A_218 = arith.constant 0 : i32
    %dma_wait3A_219 = tpu.memref_slice %arg7[%dma_wait3A_212, %dma_wait3A_213, %dma_wait3A_218] : memref<2x10x40xi32, #tpu.memory_space<vmem>> -> memref<1x1x40xi32, #tpu.memory_space<vmem>>
    %dma_wait3A_220 = tpu.memref_squeeze %dma_wait3A_219 : memref<1x1x40xi32, #tpu.memory_space<vmem>> -> memref<40xi32, #tpu.memory_space<vmem>>
    %dma_wait3A_221 = arith.constant 0 : i32
    %dma_wait3A_222 = arith.constant 0 : i32
    %dma_wait3A_223 = tpu.memref_slice %arg9[%dma_wait3A_221, %dma_wait3A_222] : memref<10000x128xf32, #tpu.memory_space<vmem_shared>> -> memref<10000x128xf32, #tpu.memory_space<vmem_shared>>
    %dma_wait3A_224 = tpu.memref_slice %arg11[%rem3A_211] : memref<7x!tpu.dma_semaphore, #tpu.memory_space<semaphore_mem>> -> memref<1x!tpu.dma_semaphore, #tpu.memory_space<semaphore_mem>>
    %dma_wait3A_225 = tpu.memref_squeeze %dma_wait3A_224 : memref<1x!tpu.dma_semaphore, #tpu.memory_space<semaphore_mem>> -> memref<!tpu.dma_semaphore, #tpu.memory_space<semaphore_mem>>
    tpu.wait_indirect_dma semaphore(%dma_wait3A_225 : memref<!tpu.dma_semaphore, #tpu.memory_space<semaphore_mem>>) src(%dma_wait3A_217 : memref<40x128xf32, #tpu.memory_space<vmem>>) dst(%dma_wait3A_223 : memref<10000x128xf32, #tpu.memory_space<vmem_shared>>)
    %barrier3A_226 = arith.constant 0 : index
    tpu.barrier barrier_id(%barrier3A_226)
    %mul3A_227 = arith.constant 624 : i32
    %mul3A_228 = arith.muli %arg1, %mul3A_227 : i32
    %mul3A_229 = arith.constant 624 : i32
    %mul3A_230 = arith.muli %arg1, %mul3A_229 : i32
    "tpu.region"() ({
      %run_scoped3A = tpu.sem_alloc : memref<!tpu.dma_semaphore, #tpu.memory_space<semaphore_mem>>
      %dma_start3A_236 = arith.constant 0 : i32
      %dma_start3A_237 = tpu.memref_slice %arg5[%arg0, %mul3A_230, %dma_start3A_236] : memref<2x10000x128xf32, #tpu.memory_space<hbm>> -> memref<1x624x128xf32, #tpu.memory_space<hbm>>
      %dma_start3A_238 = tpu.memref_squeeze %dma_start3A_237 : memref<1x624x128xf32, #tpu.memory_space<hbm>> -> memref<624x128xf32, #tpu.memory_space<hbm>>
      %dma_start3A_239 = arith.constant 0 : i32
      %dma_start3A_240 = tpu.memref_slice %arg9[%mul3A_228, %dma_start3A_239] : memref<10000x128xf32, #tpu.memory_space<vmem_shared>> -> memref<624x128xf32, #tpu.memory_space<vmem_shared>>
      tpu.enqueue_dma source(%dma_start3A_240 : memref<624x128xf32, #tpu.memory_space<vmem_shared>>) target(%dma_start3A_238 : memref<624x128xf32, #tpu.memory_space<hbm>>) target_semaphore(%run_scoped3A : memref<!tpu.dma_semaphore, #tpu.memory_space<semaphore_mem>>)
      %dma_wait3A_241 = arith.constant 0 : i32
      %dma_wait3A_242 = tpu.memref_slice %arg5[%arg0, %mul3A_230, %dma_wait3A_241] : memref<2x10000x128xf32, #tpu.memory_space<hbm>> -> memref<1x624x128xf32, #tpu.memory_space<hbm>>
      %dma_wait3A_243 = tpu.memref_squeeze %dma_wait3A_242 : memref<1x624x128xf32, #tpu.memory_space<hbm>> -> memref<624x128xf32, #tpu.memory_space<hbm>>
      %dma_wait3A_244 = arith.constant 0 : i32
      %dma_wait3A_245 = tpu.memref_slice %arg9[%mul3A_228, %dma_wait3A_244] : memref<10000x128xf32, #tpu.memory_space<vmem_shared>> -> memref<624x128xf32, #tpu.memory_space<vmem_shared>>
      tpu.wait_dma2 semaphore(%run_scoped3A : memref<!tpu.dma_semaphore, #tpu.memory_space<semaphore_mem>>) src(%dma_wait3A_245 : memref<624x128xf32, #tpu.memory_space<vmem_shared>>) dst(%dma_wait3A_243 : memref<624x128xf32, #tpu.memory_space<hbm>>)
      tpu.yield
    }) : () -> ()
    %eq3A_231 = arith.constant 0 : i32
    %eq3A_232 = arith.cmpi eq, %arg1, %eq3A_231 : i32
    %convert_element_type3A_233 = arith.extui %eq3A_232 : i1 to i32
    %cond3A_234 = arith.constant 0 : i32
    %cond3A_235 = arith.cmpi ne, %convert_element_type3A_233, %cond3A_234 : i32
    scf.if %cond3A_235 {
      "tpu.region"() ({
        %run_scoped3A = tpu.sem_alloc : memref<!tpu.dma_semaphore, #tpu.memory_space<semaphore_mem>>
        %dma_start3A_236 = arith.constant 9984 : i32
        %dma_start3A_237 = arith.constant 0 : i32
        %dma_start3A_238 = tpu.memref_slice %arg5[%arg0, %dma_start3A_236, %dma_start3A_237] : memref<2x10000x128xf32, #tpu.memory_space<hbm>> -> memref<1x16x128xf32, #tpu.memory_space<hbm>>
        %dma_start3A_239 = tpu.memref_squeeze %dma_start3A_238 : memref<1x16x128xf32, #tpu.memory_space<hbm>> -> memref<16x128xf32, #tpu.memory_space<hbm>>
        %dma_start3A_240 = arith.constant 9984 : i32
        %dma_start3A_241 = arith.constant 0 : i32
        %dma_start3A_242 = tpu.memref_slice %arg9[%dma_start3A_240, %dma_start3A_241] : memref<10000x128xf32, #tpu.memory_space<vmem_shared>> -> memref<16x128xf32, #tpu.memory_space<vmem_shared>>
        tpu.enqueue_dma source(%dma_start3A_242 : memref<16x128xf32, #tpu.memory_space<vmem_shared>>) target(%dma_start3A_239 : memref<16x128xf32, #tpu.memory_space<hbm>>) target_semaphore(%run_scoped3A : memref<!tpu.dma_semaphore, #tpu.memory_space<semaphore_mem>>)
        %dma_wait3A_243 = arith.constant 9984 : i32
        %dma_wait3A_244 = arith.constant 0 : i32
        %dma_wait3A_245 = tpu.memref_slice %arg5[%arg0, %dma_wait3A_243, %dma_wait3A_244] : memref<2x10000x128xf32, #tpu.memory_space<hbm>> -> memref<1x16x128xf32, #tpu.memory_space<hbm>>
        %dma_wait3A_246 = tpu.memref_squeeze %dma_wait3A_245 : memref<1x16x128xf32, #tpu.memory_space<hbm>> -> memref<16x128xf32, #tpu.memory_space<hbm>>
        %dma_wait3A_247 = arith.constant 9984 : i32
        %dma_wait3A_248 = arith.constant 0 : i32
        %dma_wait3A_249 = tpu.memref_slice %arg9[%dma_wait3A_247, %dma_wait3A_248] : memref<10000x128xf32, #tpu.memory_space<vmem_shared>> -> memref<16x128xf32, #tpu.memory_space<vmem_shared>>
        tpu.wait_dma2 semaphore(%run_scoped3A : memref<!tpu.dma_semaphore, #tpu.memory_space<semaphore_mem>>) src(%dma_wait3A_249 : memref<16x128xf32, #tpu.memory_space<vmem_shared>>) dst(%dma_wait3A_246 : memref<16x128xf32, #tpu.memory_space<hbm>>)
        tpu.yield
      }) : () -> ()
    } else {
    }
    return
  }
}

#map = affine_map<(d0, d1) -> (0, 0, 0)>
#map1 = affine_map<(d0, d1) -> (0, 0)>
module attributes {stable_mosaic.version = 14 : i64} {
  func.func @_sc_degree(%arg0: i32, %arg1: i32, %arg2: memref<32x125x80xi32, #tpu.memory_space<hbm>>, %arg3: memref<2x10240xf32, #tpu.memory_space<hbm>>, %arg4: memref<125x80xi32, #tpu.memory_space<vmem>>, %arg5: memref<10240xf32, #tpu.memory_space<vmem>>, %arg6: memref<16x640xf32, #tpu.memory_space<vmem>>, %arg7: memref<16x10240xf32, #tpu.memory_space<vmem_shared>>) attributes {dimension_semantics = [#tpu.dimension_semantics<core_parallel>, #tpu.dimension_semantics<subcore_parallel>], iteration_bounds = array<i64: 2, 16>, scalar_prefetch = 0 : i64, scratch_operands = 4 : i64, tpu.core_type = #tpu.core_type<sc_vector_subcore>, window_params = [{transform_indices = #map}, {transform_indices = #map1}]} {
    %mul3A = arith.constant 2 : i32
    %mul3A_0 = arith.muli %arg1, %mul3A : i32
    %add3A = arith.addi %mul3A_0, %arg0 : i32
    "tpu.region"() ({
      %run_scoped3A = tpu.sem_alloc : memref<!tpu.dma_semaphore, #tpu.memory_space<semaphore_mem>>
      %dma_start3A = arith.constant 0 : i32
      %dma_start3A_23 = arith.constant 0 : i32
      %dma_start3A_24 = tpu.memref_slice %arg2[%add3A, %dma_start3A, %dma_start3A_23] : memref<32x125x80xi32, #tpu.memory_space<hbm>> -> memref<1x125x80xi32, #tpu.memory_space<hbm>>
      %dma_start3A_25 = tpu.memref_squeeze %dma_start3A_24 : memref<1x125x80xi32, #tpu.memory_space<hbm>> -> memref<125x80xi32, #tpu.memory_space<hbm>>
      %dma_start3A_26 = arith.constant 0 : i32
      %dma_start3A_27 = arith.constant 0 : i32
      %dma_start3A_28 = tpu.memref_slice %arg2[%add3A, %dma_start3A_26, %dma_start3A_27] : memref<32x125x80xi32, #tpu.memory_space<hbm>> -> memref<1x125x80xi32, #tpu.memory_space<hbm>>
      %dma_start3A_29 = tpu.memref_squeeze %dma_start3A_28 : memref<1x125x80xi32, #tpu.memory_space<hbm>> -> memref<125x80xi32, #tpu.memory_space<hbm>>
      tpu.enqueue_dma source(%dma_start3A_29 : memref<125x80xi32, #tpu.memory_space<hbm>>) target(%arg4 : memref<125x80xi32, #tpu.memory_space<vmem>>) target_semaphore(%run_scoped3A : memref<!tpu.dma_semaphore, #tpu.memory_space<semaphore_mem>>)
      %dma_wait3A = arith.constant 0 : i32
      %dma_wait3A_30 = arith.constant 0 : i32
      %dma_wait3A_31 = tpu.memref_slice %arg2[%add3A, %dma_wait3A, %dma_wait3A_30] : memref<32x125x80xi32, #tpu.memory_space<hbm>> -> memref<1x125x80xi32, #tpu.memory_space<hbm>>
      %dma_wait3A_32 = tpu.memref_squeeze %dma_wait3A_31 : memref<1x125x80xi32, #tpu.memory_space<hbm>> -> memref<125x80xi32, #tpu.memory_space<hbm>>
      %dma_wait3A_33 = arith.constant 0 : i32
      %dma_wait3A_34 = arith.constant 0 : i32
      %dma_wait3A_35 = tpu.memref_slice %arg2[%add3A, %dma_wait3A_33, %dma_wait3A_34] : memref<32x125x80xi32, #tpu.memory_space<hbm>> -> memref<1x125x80xi32, #tpu.memory_space<hbm>>
      %dma_wait3A_36 = tpu.memref_squeeze %dma_wait3A_35 : memref<1x125x80xi32, #tpu.memory_space<hbm>> -> memref<125x80xi32, #tpu.memory_space<hbm>>
      tpu.wait_dma2 semaphore(%run_scoped3A : memref<!tpu.dma_semaphore, #tpu.memory_space<semaphore_mem>>) src(%dma_wait3A_36 : memref<125x80xi32, #tpu.memory_space<hbm>>) dst(%arg4 : memref<125x80xi32, #tpu.memory_space<vmem>>)
      tpu.yield
    }) : () -> ()
    %scan3A = arith.constant 0 : i32
    %scan3A_1 = arith.constant 0 : i32
    %scan3A_2 = arith.constant 640 : i32
    %scan3A_3 = arith.addi %scan3A_1, %scan3A_2 : i32
    %scan3A_4 = arith.constant 1 : i32
    scf.for %scan3A_23 = %scan3A_1 to %scan3A_3 step %scan3A_4  : i32 {
      %broadcast_in_dim3A_24 = arith.constant 0.000000e+00 : f32
      %broadcast_in_dim3A_25 = vector.broadcast %broadcast_in_dim3A_24 : f32 to vector<16xf32>
      %mul3A_26 = arith.constant 16 : i32
      %mul3A_27 = arith.muli %scan3A_23, %mul3A_26 : i32
      %swap3A = arith.index_cast %mul3A_27 : i32 to index
      %swap3A_28 = tpu.vector_load %arg5[%swap3A] {strides = array<i32>} : memref<10240xf32, #tpu.memory_space<vmem>>, vector<16xf32>,
      tpu.vector_store %arg5[%swap3A], %broadcast_in_dim3A_25 {strides = array<i32>} : memref<10240xf32, #tpu.memory_space<vmem>>, vector<16xf32>,
    }
    %scan3A_5 = arith.constant 640 : i32
    %broadcast_in_dim3A = arith.constant 1.000000e+00 : f32
    %broadcast_in_dim3A_6 = vector.broadcast %broadcast_in_dim3A : f32 to vector<16xf32>
    %scan3A_7 = arith.constant 0 : i32
    %scan3A_8 = arith.constant 0 : i32
    %scan3A_9 = arith.constant 125 : i32
    %scan3A_10 = arith.addi %scan3A_8, %scan3A_9 : i32
    %scan3A_11 = arith.constant 1 : i32
    scf.for %scan3A_23 = %scan3A_8 to %scan3A_10 step %scan3A_11  : i32 {
      %get3A = arith.index_cast %scan3A_23 : i32 to index
      %get3A_24 = arith.constant 0 : index
      %get3A_25 = tpu.vector_load %arg4[%get3A, %get3A_24] {strides = array<i32>} : memref<125x80xi32, #tpu.memory_space<vmem>>, vector<16xi32>,
      tpu.vector_store_idx %arg5[%get3A_25], %broadcast_in_dim3A_6 {add = true} : memref<10240xf32, #tpu.memory_space<vmem>>[vector<16xi32>], vector<16xf32>,
      %get3A_26 = arith.index_cast %scan3A_23 : i32 to index
      %get3A_27 = arith.constant 16 : index
      %get3A_28 = tpu.vector_load %arg4[%get3A_26, %get3A_27] {strides = array<i32>} : memref<125x80xi32, #tpu.memory_space<vmem>>, vector<16xi32>,
      tpu.vector_store_idx %arg5[%get3A_28], %broadcast_in_dim3A_6 {add = true} : memref<10240xf32, #tpu.memory_space<vmem>>[vector<16xi32>], vector<16xf32>,
      %get3A_29 = arith.index_cast %scan3A_23 : i32 to index
      %get3A_30 = arith.constant 32 : index
      %get3A_31 = tpu.vector_load %arg4[%get3A_29, %get3A_30] {strides = array<i32>} : memref<125x80xi32, #tpu.memory_space<vmem>>, vector<16xi32>,
      tpu.vector_store_idx %arg5[%get3A_31], %broadcast_in_dim3A_6 {add = true} : memref<10240xf32, #tpu.memory_space<vmem>>[vector<16xi32>], vector<16xf32>,
      %get3A_32 = arith.index_cast %scan3A_23 : i32 to index
      %get3A_33 = arith.constant 48 : index
      %get3A_34 = tpu.vector_load %arg4[%get3A_32, %get3A_33] {strides = array<i32>} : memref<125x80xi32, #tpu.memory_space<vmem>>, vector<16xi32>,
      tpu.vector_store_idx %arg5[%get3A_34], %broadcast_in_dim3A_6 {add = true} : memref<10240xf32, #tpu.memory_space<vmem>>[vector<16xi32>], vector<16xf32>,
      %get3A_35 = arith.index_cast %scan3A_23 : i32 to index
      %get3A_36 = arith.constant 64 : index
      %get3A_37 = tpu.vector_load %arg4[%get3A_35, %get3A_36] {strides = array<i32>} : memref<125x80xi32, #tpu.memory_space<vmem>>, vector<16xi32>,
      tpu.vector_store_idx %arg5[%get3A_37], %broadcast_in_dim3A_6 {add = true} : memref<10240xf32, #tpu.memory_space<vmem>>[vector<16xi32>], vector<16xf32>,
    }
    %scan3A_12 = arith.constant 125 : i32
    "tpu.region"() ({
      %run_scoped3A = tpu.sem_alloc : memref<!tpu.dma_semaphore, #tpu.memory_space<semaphore_mem>>
      %dma_start3A = arith.constant 0 : i32
      %dma_start3A_23 = tpu.memref_slice %arg7[%arg1, %dma_start3A] : memref<16x10240xf32, #tpu.memory_space<vmem_shared>> -> memref<1x10240xf32, #tpu.memory_space<vmem_shared>>
      %dma_start3A_24 = tpu.memref_squeeze %dma_start3A_23 : memref<1x10240xf32, #tpu.memory_space<vmem_shared>> -> memref<10240xf32, #tpu.memory_space<vmem_shared>>
      %dma_start3A_25 = arith.constant 0 : i32
      %dma_start3A_26 = tpu.memref_slice %arg7[%arg1, %dma_start3A_25] : memref<16x10240xf32, #tpu.memory_space<vmem_shared>> -> memref<1x10240xf32, #tpu.memory_space<vmem_shared>>
      %dma_start3A_27 = tpu.memref_squeeze %dma_start3A_26 : memref<1x10240xf32, #tpu.memory_space<vmem_shared>> -> memref<10240xf32, #tpu.memory_space<vmem_shared>>
      tpu.enqueue_dma source(%arg5 : memref<10240xf32, #tpu.memory_space<vmem>>) target(%dma_start3A_27 : memref<10240xf32, #tpu.memory_space<vmem_shared>>) target_semaphore(%run_scoped3A : memref<!tpu.dma_semaphore, #tpu.memory_space<semaphore_mem>>)
      %dma_wait3A = arith.constant 0 : i32
      %dma_wait3A_28 = tpu.memref_slice %arg7[%arg1, %dma_wait3A] : memref<16x10240xf32, #tpu.memory_space<vmem_shared>> -> memref<1x10240xf32, #tpu.memory_space<vmem_shared>>
      %dma_wait3A_29 = tpu.memref_squeeze %dma_wait3A_28 : memref<1x10240xf32, #tpu.memory_space<vmem_shared>> -> memref<10240xf32, #tpu.memory_space<vmem_shared>>
      %dma_wait3A_30 = arith.constant 0 : i32
      %dma_wait3A_31 = tpu.memref_slice %arg7[%arg1, %dma_wait3A_30] : memref<16x10240xf32, #tpu.memory_space<vmem_shared>> -> memref<1x10240xf32, #tpu.memory_space<vmem_shared>>
      %dma_wait3A_32 = tpu.memref_squeeze %dma_wait3A_31 : memref<1x10240xf32, #tpu.memory_space<vmem_shared>> -> memref<10240xf32, #tpu.memory_space<vmem_shared>>
      tpu.wait_dma2 semaphore(%run_scoped3A : memref<!tpu.dma_semaphore, #tpu.memory_space<semaphore_mem>>) src(%arg5 : memref<10240xf32, #tpu.memory_space<vmem>>) dst(%dma_wait3A_32 : memref<10240xf32, #tpu.memory_space<vmem_shared>>)
      tpu.yield
    }) : () -> ()
    %barrier3A = arith.constant 0 : index
    tpu.barrier barrier_id(%barrier3A)
    %mul3A_13 = arith.constant 640 : i32
    %mul3A_14 = arith.muli %arg1, %mul3A_13 : i32
    "tpu.region"() ({
      %run_scoped3A = tpu.sem_alloc : memref<!tpu.dma_semaphore, #tpu.memory_space<semaphore_mem>>
      %dma_start3A = arith.constant 0 : i32
      %dma_start3A_23 = tpu.memref_slice %arg7[%dma_start3A, %mul3A_14] : memref<16x10240xf32, #tpu.memory_space<vmem_shared>> -> memref<16x640xf32, #tpu.memory_space<vmem_shared>>
      %dma_start3A_24 = arith.constant 0 : i32
      %dma_start3A_25 = tpu.memref_slice %arg7[%dma_start3A_24, %mul3A_14] : memref<16x10240xf32, #tpu.memory_space<vmem_shared>> -> memref<16x640xf32, #tpu.memory_space<vmem_shared>>
      tpu.enqueue_dma source(%dma_start3A_25 : memref<16x640xf32, #tpu.memory_space<vmem_shared>>) target(%arg6 : memref<16x640xf32, #tpu.memory_space<vmem>>) target_semaphore(%run_scoped3A : memref<!tpu.dma_semaphore, #tpu.memory_space<semaphore_mem>>)
      %dma_wait3A = arith.constant 0 : i32
      %dma_wait3A_26 = tpu.memref_slice %arg7[%dma_wait3A, %mul3A_14] : memref<16x10240xf32, #tpu.memory_space<vmem_shared>> -> memref<16x640xf32, #tpu.memory_space<vmem_shared>>
      %dma_wait3A_27 = arith.constant 0 : i32
      %dma_wait3A_28 = tpu.memref_slice %arg7[%dma_wait3A_27, %mul3A_14] : memref<16x10240xf32, #tpu.memory_space<vmem_shared>> -> memref<16x640xf32, #tpu.memory_space<vmem_shared>>
      tpu.wait_dma2 semaphore(%run_scoped3A : memref<!tpu.dma_semaphore, #tpu.memory_space<semaphore_mem>>) src(%dma_wait3A_28 : memref<16x640xf32, #tpu.memory_space<vmem_shared>>) dst(%arg6 : memref<16x640xf32, #tpu.memory_space<vmem>>)
      tpu.yield
    }) : () -> ()
    %scan3A_15 = arith.constant 0 : i32
    %scan3A_16 = arith.constant 0 : i32
    %scan3A_17 = arith.constant 40 : i32
    %scan3A_18 = arith.addi %scan3A_16, %scan3A_17 : i32
    %scan3A_19 = arith.constant 1 : i32
    scf.for %scan3A_23 = %scan3A_16 to %scan3A_18 step %scan3A_19  : i32 {
      %broadcast_in_dim3A_24 = arith.constant 0.000000e+00 : f32
      %broadcast_in_dim3A_25 = vector.broadcast %broadcast_in_dim3A_24 : f32 to vector<16xf32>
      %mul3A_26 = arith.constant 16 : i32
      %mul3A_27 = arith.muli %scan3A_23, %mul3A_26 : i32
      %get3A = arith.constant 0 : i32
      %get3A_28 = arith.index_cast %get3A : i32 to index
      %get3A_29 = arith.index_cast %mul3A_27 : i32 to index
      %get3A_30 = tpu.vector_load %arg6[%get3A_28, %get3A_29] {strides = array<i32>} : memref<16x640xf32, #tpu.memory_space<vmem>>, vector<16xf32>,
      %add3A_31 = arith.addf %broadcast_in_dim3A_25, %get3A_30 : vector<16xf32>
      %mul3A_32 = arith.constant 16 : i32
      %mul3A_33 = arith.muli %scan3A_23, %mul3A_32 : i32
      %get3A_34 = arith.constant 1 : i32
      %get3A_35 = arith.index_cast %get3A_34 : i32 to index
      %get3A_36 = arith.index_cast %mul3A_33 : i32 to index
      %get3A_37 = tpu.vector_load %arg6[%get3A_35, %get3A_36] {strides = array<i32>} : memref<16x640xf32, #tpu.memory_space<vmem>>, vector<16xf32>,
      %add3A_38 = arith.addf %add3A_31, %get3A_37 : vector<16xf32>
      %mul3A_39 = arith.constant 16 : i32
      %mul3A_40 = arith.muli %scan3A_23, %mul3A_39 : i32
      %get3A_41 = arith.constant 2 : i32
      %get3A_42 = arith.index_cast %get3A_41 : i32 to index
      %get3A_43 = arith.index_cast %mul3A_40 : i32 to index
      %get3A_44 = tpu.vector_load %arg6[%get3A_42, %get3A_43] {strides = array<i32>} : memref<16x640xf32, #tpu.memory_space<vmem>>, vector<16xf32>,
      %add3A_45 = arith.addf %add3A_38, %get3A_44 : vector<16xf32>
      %mul3A_46 = arith.constant 16 : i32
      %mul3A_47 = arith.muli %scan3A_23, %mul3A_46 : i32
      %get3A_48 = arith.constant 3 : i32
      %get3A_49 = arith.index_cast %get3A_48 : i32 to index
      %get3A_50 = arith.index_cast %mul3A_47 : i32 to index
      %get3A_51 = tpu.vector_load %arg6[%get3A_49, %get3A_50] {strides = array<i32>} : memref<16x640xf32, #tpu.memory_space<vmem>>, vector<16xf32>,
      %add3A_52 = arith.addf %add3A_45, %get3A_51 : vector<16xf32>
      %mul3A_53 = arith.constant 16 : i32
      %mul3A_54 = arith.muli %scan3A_23, %mul3A_53 : i32
      %get3A_55 = arith.constant 4 : i32
      %get3A_56 = arith.index_cast %get3A_55 : i32 to index
      %get3A_57 = arith.index_cast %mul3A_54 : i32 to index
      %get3A_58 = tpu.vector_load %arg6[%get3A_56, %get3A_57] {strides = array<i32>} : memref<16x640xf32, #tpu.memory_space<vmem>>, vector<16xf32>,
      %add3A_59 = arith.addf %add3A_52, %get3A_58 : vector<16xf32>
      %mul3A_60 = arith.constant 16 : i32
      %mul3A_61 = arith.muli %scan3A_23, %mul3A_60 : i32
      %get3A_62 = arith.constant 5 : i32
      %get3A_63 = arith.index_cast %get3A_62 : i32 to index
      %get3A_64 = arith.index_cast %mul3A_61 : i32 to index
      %get3A_65 = tpu.vector_load %arg6[%get3A_63, %get3A_64] {strides = array<i32>} : memref<16x640xf32, #tpu.memory_space<vmem>>, vector<16xf32>,
      %add3A_66 = arith.addf %add3A_59, %get3A_65 : vector<16xf32>
      %mul3A_67 = arith.constant 16 : i32
      %mul3A_68 = arith.muli %scan3A_23, %mul3A_67 : i32
      %get3A_69 = arith.constant 6 : i32
      %get3A_70 = arith.index_cast %get3A_69 : i32 to index
      %get3A_71 = arith.index_cast %mul3A_68 : i32 to index
      %get3A_72 = tpu.vector_load %arg6[%get3A_70, %get3A_71] {strides = array<i32>} : memref<16x640xf32, #tpu.memory_space<vmem>>, vector<16xf32>,
      %add3A_73 = arith.addf %add3A_66, %get3A_72 : vector<16xf32>
      %mul3A_74 = arith.constant 16 : i32
      %mul3A_75 = arith.muli %scan3A_23, %mul3A_74 : i32
      %get3A_76 = arith.constant 7 : i32
      %get3A_77 = arith.index_cast %get3A_76 : i32 to index
      %get3A_78 = arith.index_cast %mul3A_75 : i32 to index
      %get3A_79 = tpu.vector_load %arg6[%get3A_77, %get3A_78] {strides = array<i32>} : memref<16x640xf32, #tpu.memory_space<vmem>>, vector<16xf32>,
      %add3A_80 = arith.addf %add3A_73, %get3A_79 : vector<16xf32>
      %mul3A_81 = arith.constant 16 : i32
      %mul3A_82 = arith.muli %scan3A_23, %mul3A_81 : i32
      %get3A_83 = arith.constant 8 : i32
      %get3A_84 = arith.index_cast %get3A_83 : i32 to index
      %get3A_85 = arith.index_cast %mul3A_82 : i32 to index
      %get3A_86 = tpu.vector_load %arg6[%get3A_84, %get3A_85] {strides = array<i32>} : memref<16x640xf32, #tpu.memory_space<vmem>>, vector<16xf32>,
      %add3A_87 = arith.addf %add3A_80, %get3A_86 : vector<16xf32>
      %mul3A_88 = arith.constant 16 : i32
      %mul3A_89 = arith.muli %scan3A_23, %mul3A_88 : i32
      %get3A_90 = arith.constant 9 : i32
      %get3A_91 = arith.index_cast %get3A_90 : i32 to index
      %get3A_92 = arith.index_cast %mul3A_89 : i32 to index
      %get3A_93 = tpu.vector_load %arg6[%get3A_91, %get3A_92] {strides = array<i32>} : memref<16x640xf32, #tpu.memory_space<vmem>>, vector<16xf32>,
      %add3A_94 = arith.addf %add3A_87, %get3A_93 : vector<16xf32>
      %mul3A_95 = arith.constant 16 : i32
      %mul3A_96 = arith.muli %scan3A_23, %mul3A_95 : i32
      %get3A_97 = arith.constant 10 : i32
      %get3A_98 = arith.index_cast %get3A_97 : i32 to index
      %get3A_99 = arith.index_cast %mul3A_96 : i32 to index
      %get3A_100 = tpu.vector_load %arg6[%get3A_98, %get3A_99] {strides = array<i32>} : memref<16x640xf32, #tpu.memory_space<vmem>>, vector<16xf32>,
      %add3A_101 = arith.addf %add3A_94, %get3A_100 : vector<16xf32>
      %mul3A_102 = arith.constant 16 : i32
      %mul3A_103 = arith.muli %scan3A_23, %mul3A_102 : i32
      %get3A_104 = arith.constant 11 : i32
      %get3A_105 = arith.index_cast %get3A_104 : i32 to index
      %get3A_106 = arith.index_cast %mul3A_103 : i32 to index
      %get3A_107 = tpu.vector_load %arg6[%get3A_105, %get3A_106] {strides = array<i32>} : memref<16x640xf32, #tpu.memory_space<vmem>>, vector<16xf32>,
      %add3A_108 = arith.addf %add3A_101, %get3A_107 : vector<16xf32>
      %mul3A_109 = arith.constant 16 : i32
      %mul3A_110 = arith.muli %scan3A_23, %mul3A_109 : i32
      %get3A_111 = arith.constant 12 : i32
      %get3A_112 = arith.index_cast %get3A_111 : i32 to index
      %get3A_113 = arith.index_cast %mul3A_110 : i32 to index
      %get3A_114 = tpu.vector_load %arg6[%get3A_112, %get3A_113] {strides = array<i32>} : memref<16x640xf32, #tpu.memory_space<vmem>>, vector<16xf32>,
      %add3A_115 = arith.addf %add3A_108, %get3A_114 : vector<16xf32>
      %mul3A_116 = arith.constant 16 : i32
      %mul3A_117 = arith.muli %scan3A_23, %mul3A_116 : i32
      %get3A_118 = arith.constant 13 : i32
      %get3A_119 = arith.index_cast %get3A_118 : i32 to index
      %get3A_120 = arith.index_cast %mul3A_117 : i32 to index
      %get3A_121 = tpu.vector_load %arg6[%get3A_119, %get3A_120] {strides = array<i32>} : memref<16x640xf32, #tpu.memory_space<vmem>>, vector<16xf32>,
      %add3A_122 = arith.addf %add3A_115, %get3A_121 : vector<16xf32>
      %mul3A_123 = arith.constant 16 : i32
      %mul3A_124 = arith.muli %scan3A_23, %mul3A_123 : i32
      %get3A_125 = arith.constant 14 : i32
      %get3A_126 = arith.index_cast %get3A_125 : i32 to index
      %get3A_127 = arith.index_cast %mul3A_124 : i32 to index
      %get3A_128 = tpu.vector_load %arg6[%get3A_126, %get3A_127] {strides = array<i32>} : memref<16x640xf32, #tpu.memory_space<vmem>>, vector<16xf32>,
      %add3A_129 = arith.addf %add3A_122, %get3A_128 : vector<16xf32>
      %mul3A_130 = arith.constant 16 : i32
      %mul3A_131 = arith.muli %scan3A_23, %mul3A_130 : i32
      %get3A_132 = arith.constant 15 : i32
      %get3A_133 = arith.index_cast %get3A_132 : i32 to index
      %get3A_134 = arith.index_cast %mul3A_131 : i32 to index
      %get3A_135 = tpu.vector_load %arg6[%get3A_133, %get3A_134] {strides = array<i32>} : memref<16x640xf32, #tpu.memory_space<vmem>>, vector<16xf32>,
      %add3A_136 = arith.addf %add3A_129, %get3A_135 : vector<16xf32>
      %mul3A_137 = arith.constant 16 : i32
      %mul3A_138 = arith.muli %scan3A_23, %mul3A_137 : i32
      %swap3A = arith.index_cast %mul3A_138 : i32 to index
      %swap3A_139 = tpu.vector_load %arg5[%swap3A] {strides = array<i32>} : memref<10240xf32, #tpu.memory_space<vmem>>, vector<16xf32>,
      tpu.vector_store %arg5[%swap3A], %add3A_136 {strides = array<i32>} : memref<10240xf32, #tpu.memory_space<vmem>>, vector<16xf32>,
    }
    %scan3A_20 = arith.constant 40 : i32
    %mul3A_21 = arith.constant 640 : i32
    %mul3A_22 = arith.muli %arg1, %mul3A_21 : i32
    "tpu.region"() ({
      %run_scoped3A = tpu.sem_alloc : memref<!tpu.dma_semaphore, #tpu.memory_space<semaphore_mem>>
      %dma_start3A = arith.constant 0 : i32
      %dma_start3A_23 = tpu.memref_slice %arg5[%dma_start3A] : memref<10240xf32, #tpu.memory_space<vmem>> -> memref<640xf32, #tpu.memory_space<vmem>>
      %dma_start3A_24 = tpu.memref_slice %arg3[%arg0, %mul3A_22] : memref<2x10240xf32, #tpu.memory_space<hbm>> -> memref<1x640xf32, #tpu.memory_space<hbm>>
      %dma_start3A_25 = tpu.memref_squeeze %dma_start3A_24 : memref<1x640xf32, #tpu.memory_space<hbm>> -> memref<640xf32, #tpu.memory_space<hbm>>
      %dma_start3A_26 = tpu.memref_slice %arg3[%arg0, %mul3A_22] : memref<2x10240xf32, #tpu.memory_space<hbm>> -> memref<1x640xf32, #tpu.memory_space<hbm>>
      %dma_start3A_27 = tpu.memref_squeeze %dma_start3A_26 : memref<1x640xf32, #tpu.memory_space<hbm>> -> memref<640xf32, #tpu.memory_space<hbm>>
      %dma_start3A_28 = arith.constant 0 : i32
      %dma_start3A_29 = tpu.memref_slice %arg5[%dma_start3A_28] : memref<10240xf32, #tpu.memory_space<vmem>> -> memref<640xf32, #tpu.memory_space<vmem>>
      tpu.enqueue_dma source(%dma_start3A_29 : memref<640xf32, #tpu.memory_space<vmem>>) target(%dma_start3A_27 : memref<640xf32, #tpu.memory_space<hbm>>) target_semaphore(%run_scoped3A : memref<!tpu.dma_semaphore, #tpu.memory_space<semaphore_mem>>)
      %dma_wait3A = arith.constant 0 : i32
      %dma_wait3A_30 = tpu.memref_slice %arg5[%dma_wait3A] : memref<10240xf32, #tpu.memory_space<vmem>> -> memref<640xf32, #tpu.memory_space<vmem>>
      %dma_wait3A_31 = tpu.memref_slice %arg3[%arg0, %mul3A_22] : memref<2x10240xf32, #tpu.memory_space<hbm>> -> memref<1x640xf32, #tpu.memory_space<hbm>>
      %dma_wait3A_32 = tpu.memref_squeeze %dma_wait3A_31 : memref<1x640xf32, #tpu.memory_space<hbm>> -> memref<640xf32, #tpu.memory_space<hbm>>
      %dma_wait3A_33 = tpu.memref_slice %arg3[%arg0, %mul3A_22] : memref<2x10240xf32, #tpu.memory_space<hbm>> -> memref<1x640xf32, #tpu.memory_space<hbm>>
      %dma_wait3A_34 = tpu.memref_squeeze %dma_wait3A_33 : memref<1x640xf32, #tpu.memory_space<hbm>> -> memref<640xf32, #tpu.memory_space<hbm>>
      %dma_wait3A_35 = arith.constant 0 : i32
      %dma_wait3A_36 = tpu.memref_slice %arg5[%dma_wait3A_35] : memref<10240xf32, #tpu.memory_space<vmem>> -> memref<640xf32, #tpu.memory_space<vmem>>
      tpu.wait_dma2 semaphore(%run_scoped3A : memref<!tpu.dma_semaphore, #tpu.memory_space<semaphore_mem>>) src(%dma_wait3A_36 : memref<640xf32, #tpu.memory_space<vmem>>) dst(%dma_wait3A_34 : memref<640xf32, #tpu.memory_space<hbm>>)
      tpu.yield
    }) : () -> ()
    return
  }
}

#map = affine_map<(d0, d1) -> (0, 0)>
#map1 = affine_map<(d0, d1) -> (0, 0, 0, 0)>
#map2 = affine_map<(d0, d1) -> (0, 0, 0)>
module attributes {stable_mosaic.version = 14 : i64} {
  func.func @agg(%arg0: i32, %arg1: i32, %arg2: memref<10000x128xf32, #tpu.memory_space<hbm>>, %arg3: memref<32x25x10x40xi32, #tpu.memory_space<hbm>>, %arg4: memref<32x25x10x40xi32, #tpu.memory_space<hbm>>, %arg5: memref<2x10000x128xf32, #tpu.memory_space<hbm>>, %arg6: memref<2x10x40xi32, #tpu.memory_space<vmem>>, %arg7: memref<2x10x40xi32, #tpu.memory_space<vmem>>, %arg8: memref<7x40x128xf32, #tpu.memory_space<vmem>>, %arg9: memref<10000x128xf32, #tpu.memory_space<vmem_shared>>, %arg10: memref<7x!tpu.dma_semaphore, #tpu.memory_space<semaphore_mem>>, %arg11: memref<7x!tpu.dma_semaphore, #tpu.memory_space<semaphore_mem>>, %arg12: memref<2x!tpu.dma_semaphore, #tpu.memory_space<semaphore_mem>>, %arg13: memref<!tpu.dma_semaphore, #tpu.memory_space<semaphore_mem>>) attributes {dimension_semantics = [#tpu.dimension_semantics<core_parallel>, #tpu.dimension_semantics<subcore_parallel>], iteration_bounds = array<i64: 2, 16>, scalar_prefetch = 0 : i64, scratch_operands = 8 : i64, tpu.core_type = #tpu.core_type<sc_vector_subcore>, window_params = [{transform_indices = #map}, {transform_indices = #map1}, {transform_indices = #map1}, {transform_indices = #map2}]} {
    %mul3A = arith.constant 2 : i32
    %mul3A_0 = arith.muli %arg1, %mul3A : i32
    %add3A = arith.addi %mul3A_0, %arg0 : i32
    %mul3A_1 = arith.constant 624 : i32
    %mul3A_2 = arith.muli %arg1, %mul3A_1 : i32
    %mul3A_3 = arith.constant 624 : i32
    %mul3A_4 = arith.muli %arg1, %mul3A_3 : i32
    %dma_start3A = arith.constant 0 : i32
    %dma_start3A_5 = tpu.memref_slice %arg9[%mul3A_4, %dma_start3A] : memref<10000x128xf32, #tpu.memory_space<vmem_shared>> -> memref<624x128xf32, #tpu.memory_space<vmem_shared>>
    %dma_start3A_6 = arith.constant 0 : i32
    %dma_start3A_7 = tpu.memref_slice %arg2[%mul3A_2, %dma_start3A_6] : memref<10000x128xf32, #tpu.memory_space<hbm>> -> memref<624x128xf32, #tpu.memory_space<hbm>>
    tpu.enqueue_dma source(%dma_start3A_7 : memref<624x128xf32, #tpu.memory_space<hbm>>) target(%dma_start3A_5 : memref<624x128xf32, #tpu.memory_space<vmem_shared>>) target_semaphore(%arg13 : memref<!tpu.dma_semaphore, #tpu.memory_space<semaphore_mem>>)
    %eq3A = arith.constant 0 : i32
    %eq3A_8 = arith.cmpi eq, %arg1, %eq3A : i32
    %convert_element_type3A = arith.extui %eq3A_8 : i1 to i32
    %cond3A = arith.constant 0 : i32
    %cond3A_9 = arith.cmpi ne, %convert_element_type3A, %cond3A : i32
    scf.if %cond3A_9 {
      %dma_start3A_236 = arith.constant 9984 : i32
      %dma_start3A_237 = arith.constant 0 : i32
      %dma_start3A_238 = tpu.memref_slice %arg9[%dma_start3A_236, %dma_start3A_237] : memref<10000x128xf32, #tpu.memory_space<vmem_shared>> -> memref<16x128xf32, #tpu.memory_space<vmem_shared>>
      %dma_start3A_239 = arith.constant 9984 : i32
      %dma_start3A_240 = arith.constant 0 : i32
      %dma_start3A_241 = tpu.memref_slice %arg2[%dma_start3A_239, %dma_start3A_240] : memref<10000x128xf32, #tpu.memory_space<hbm>> -> memref<16x128xf32, #tpu.memory_space<hbm>>
      tpu.enqueue_dma source(%dma_start3A_241 : memref<16x128xf32, #tpu.memory_space<hbm>>) target(%dma_start3A_238 : memref<16x128xf32, #tpu.memory_space<vmem_shared>>) target_semaphore(%arg13 : memref<!tpu.dma_semaphore, #tpu.memory_space<semaphore_mem>>)
    } else {
    }
    %dma_start3A_10 = arith.constant 0 : i32
    %dma_start3A_11 = arith.constant 0 : i32
    %dma_start3A_12 = arith.constant 0 : i32
    %dma_start3A_13 = arith.constant 0 : i32
    %dma_start3A_14 = arith.constant 0 : i32
    %dma_start3A_15 = tpu.memref_slice %arg6[%dma_start3A_11, %dma_start3A_13, %dma_start3A_14] : memref<2x10x40xi32, #tpu.memory_space<vmem>> -> memref<1x10x40xi32, #tpu.memory_space<vmem>>
    %dma_start3A_16 = tpu.memref_squeeze %dma_start3A_15 : memref<1x10x40xi32, #tpu.memory_space<vmem>> -> memref<10x40xi32, #tpu.memory_space<vmem>>
    %dma_start3A_17 = arith.constant 0 : i32
    %dma_start3A_18 = arith.constant 0 : i32
    %dma_start3A_19 = tpu.memref_slice %arg3[%add3A, %dma_start3A_10, %dma_start3A_17, %dma_start3A_18] : memref<32x25x10x40xi32, #tpu.memory_space<hbm>> -> memref<1x1x10x40xi32, #tpu.memory_space<hbm>>
    %dma_start3A_20 = tpu.memref_squeeze %dma_start3A_19 : memref<1x1x10x40xi32, #tpu.memory_space<hbm>> -> memref<10x40xi32, #tpu.memory_space<hbm>>
    %dma_start3A_21 = tpu.memref_slice %arg12[%dma_start3A_12] : memref<2x!tpu.dma_semaphore, #tpu.memory_space<semaphore_mem>> -> memref<1x!tpu.dma_semaphore, #tpu.memory_space<semaphore_mem>>
    %dma_start3A_22 = tpu.memref_squeeze %dma_start3A_21 : memref<1x!tpu.dma_semaphore, #tpu.memory_space<semaphore_mem>> -> memref<!tpu.dma_semaphore, #tpu.memory_space<semaphore_mem>>
    %dma_start3A_23 = arith.constant 0 : i32
    %dma_start3A_24 = arith.constant 0 : i32
    %dma_start3A_25 = tpu.memref_slice %arg6[%dma_start3A_11, %dma_start3A_23, %dma_start3A_24] : memref<2x10x40xi32, #tpu.memory_space<vmem>> -> memref<1x10x40xi32, #tpu.memory_space<vmem>>
    %dma_start3A_26 = tpu.memref_squeeze %dma_start3A_25 : memref<1x10x40xi32, #tpu.memory_space<vmem>> -> memref<10x40xi32, #tpu.memory_space<vmem>>
    %dma_start3A_27 = arith.constant 0 : i32
    %dma_start3A_28 = arith.constant 0 : i32
    %dma_start3A_29 = tpu.memref_slice %arg3[%add3A, %dma_start3A_10, %dma_start3A_27, %dma_start3A_28] : memref<32x25x10x40xi32, #tpu.memory_space<hbm>> -> memref<1x1x10x40xi32, #tpu.memory_space<hbm>>
    %dma_start3A_30 = tpu.memref_squeeze %dma_start3A_29 : memref<1x1x10x40xi32, #tpu.memory_space<hbm>> -> memref<10x40xi32, #tpu.memory_space<hbm>>
    tpu.enqueue_dma source(%dma_start3A_30 : memref<10x40xi32, #tpu.memory_space<hbm>>) target(%dma_start3A_26 : memref<10x40xi32, #tpu.memory_space<vmem>>) target_semaphore(%dma_start3A_22 : memref<!tpu.dma_semaphore, #tpu.memory_space<semaphore_mem>>)
    %dma_start3A_31 = arith.constant 0 : i32
    %dma_start3A_32 = arith.constant 0 : i32
    %dma_start3A_33 = arith.constant 1 : i32
    %dma_start3A_34 = arith.constant 0 : i32
    %dma_start3A_35 = arith.constant 0 : i32
    %dma_start3A_36 = tpu.memref_slice %arg7[%dma_start3A_32, %dma_start3A_34, %dma_start3A_35] : memref<2x10x40xi32, #tpu.memory_space<vmem>> -> memref<1x10x40xi32, #tpu.memory_space<vmem>>
    %dma_start3A_37 = tpu.memref_squeeze %dma_start3A_36 : memref<1x10x40xi32, #tpu.memory_space<vmem>> -> memref<10x40xi32, #tpu.memory_space<vmem>>
    %dma_start3A_38 = arith.constant 0 : i32
    %dma_start3A_39 = arith.constant 0 : i32
    %dma_start3A_40 = tpu.memref_slice %arg4[%add3A, %dma_start3A_31, %dma_start3A_38, %dma_start3A_39] : memref<32x25x10x40xi32, #tpu.memory_space<hbm>> -> memref<1x1x10x40xi32, #tpu.memory_space<hbm>>
    %dma_start3A_41 = tpu.memref_squeeze %dma_start3A_40 : memref<1x1x10x40xi32, #tpu.memory_space<hbm>> -> memref<10x40xi32, #tpu.memory_space<hbm>>
    %dma_start3A_42 = tpu.memref_slice %arg12[%dma_start3A_33] : memref<2x!tpu.dma_semaphore, #tpu.memory_space<semaphore_mem>> -> memref<1x!tpu.dma_semaphore, #tpu.memory_space<semaphore_mem>>
    %dma_start3A_43 = tpu.memref_squeeze %dma_start3A_42 : memref<1x!tpu.dma_semaphore, #tpu.memory_space<semaphore_mem>> -> memref<!tpu.dma_semaphore, #tpu.memory_space<semaphore_mem>>
    %dma_start3A_44 = arith.constant 0 : i32
    %dma_start3A_45 = arith.constant 0 : i32
    %dma_start3A_46 = tpu.memref_slice %arg7[%dma_start3A_32, %dma_start3A_44, %dma_start3A_45] : memref<2x10x40xi32, #tpu.memory_space<vmem>> -> memref<1x10x40xi32, #tpu.memory_space<vmem>>
    %dma_start3A_47 = tpu.memref_squeeze %dma_start3A_46 : memref<1x10x40xi32, #tpu.memory_space<vmem>> -> memref<10x40xi32, #tpu.memory_space<vmem>>
    %dma_start3A_48 = arith.constant 0 : i32
    %dma_start3A_49 = arith.constant 0 : i32
    %dma_start3A_50 = tpu.memref_slice %arg4[%add3A, %dma_start3A_31, %dma_start3A_48, %dma_start3A_49] : memref<32x25x10x40xi32, #tpu.memory_space<hbm>> -> memref<1x1x10x40xi32, #tpu.memory_space<hbm>>
    %dma_start3A_51 = tpu.memref_squeeze %dma_start3A_50 : memref<1x1x10x40xi32, #tpu.memory_space<hbm>> -> memref<10x40xi32, #tpu.memory_space<hbm>>
    tpu.enqueue_dma source(%dma_start3A_51 : memref<10x40xi32, #tpu.memory_space<hbm>>) target(%dma_start3A_47 : memref<10x40xi32, #tpu.memory_space<vmem>>) target_semaphore(%dma_start3A_43 : memref<!tpu.dma_semaphore, #tpu.memory_space<semaphore_mem>>)
    %dma_wait3A = arith.constant 0 : i32
    %dma_wait3A_52 = arith.constant 0 : i32
    %dma_wait3A_53 = arith.constant 0 : i32
    %dma_wait3A_54 = arith.constant 0 : i32
    %dma_wait3A_55 = arith.constant 0 : i32
    %dma_wait3A_56 = tpu.memref_slice %arg6[%dma_wait3A_52, %dma_wait3A_54, %dma_wait3A_55] : memref<2x10x40xi32, #tpu.memory_space<vmem>> -> memref<1x10x40xi32, #tpu.memory_space<vmem>>
    %dma_wait3A_57 = tpu.memref_squeeze %dma_wait3A_56 : memref<1x10x40xi32, #tpu.memory_space<vmem>> -> memref<10x40xi32, #tpu.memory_space<vmem>>
    %dma_wait3A_58 = arith.constant 0 : i32
    %dma_wait3A_59 = arith.constant 0 : i32
    %dma_wait3A_60 = tpu.memref_slice %arg3[%add3A, %dma_wait3A, %dma_wait3A_58, %dma_wait3A_59] : memref<32x25x10x40xi32, #tpu.memory_space<hbm>> -> memref<1x1x10x40xi32, #tpu.memory_space<hbm>>
    %dma_wait3A_61 = tpu.memref_squeeze %dma_wait3A_60 : memref<1x1x10x40xi32, #tpu.memory_space<hbm>> -> memref<10x40xi32, #tpu.memory_space<hbm>>
    %dma_wait3A_62 = tpu.memref_slice %arg12[%dma_wait3A_53] : memref<2x!tpu.dma_semaphore, #tpu.memory_space<semaphore_mem>> -> memref<1x!tpu.dma_semaphore, #tpu.memory_space<semaphore_mem>>
    %dma_wait3A_63 = tpu.memref_squeeze %dma_wait3A_62 : memref<1x!tpu.dma_semaphore, #tpu.memory_space<semaphore_mem>> -> memref<!tpu.dma_semaphore, #tpu.memory_space<semaphore_mem>>
    %dma_wait3A_64 = arith.constant 0 : i32
    %dma_wait3A_65 = arith.constant 0 : i32
    %dma_wait3A_66 = tpu.memref_slice %arg6[%dma_wait3A_52, %dma_wait3A_64, %dma_wait3A_65] : memref<2x10x40xi32, #tpu.memory_space<vmem>> -> memref<1x10x40xi32, #tpu.memory_space<vmem>>
    %dma_wait3A_67 = tpu.memref_squeeze %dma_wait3A_66 : memref<1x10x40xi32, #tpu.memory_space<vmem>> -> memref<10x40xi32, #tpu.memory_space<vmem>>
    %dma_wait3A_68 = arith.constant 0 : i32
    %dma_wait3A_69 = arith.constant 0 : i32
    %dma_wait3A_70 = tpu.memref_slice %arg3[%add3A, %dma_wait3A, %dma_wait3A_68, %dma_wait3A_69] : memref<32x25x10x40xi32, #tpu.memory_space<hbm>> -> memref<1x1x10x40xi32, #tpu.memory_space<hbm>>
    %dma_wait3A_71 = tpu.memref_squeeze %dma_wait3A_70 : memref<1x1x10x40xi32, #tpu.memory_space<hbm>> -> memref<10x40xi32, #tpu.memory_space<hbm>>
    tpu.wait_dma2 semaphore(%dma_wait3A_63 : memref<!tpu.dma_semaphore, #tpu.memory_space<semaphore_mem>>) src(%dma_wait3A_71 : memref<10x40xi32, #tpu.memory_space<hbm>>) dst(%dma_wait3A_67 : memref<10x40xi32, #tpu.memory_space<vmem>>)
    %dma_wait3A_72 = arith.constant 0 : i32
    %dma_wait3A_73 = arith.constant 0 : i32
    %dma_wait3A_74 = arith.constant 1 : i32
    %dma_wait3A_75 = arith.constant 0 : i32
    %dma_wait3A_76 = arith.constant 0 : i32
    %dma_wait3A_77 = tpu.memref_slice %arg7[%dma_wait3A_73, %dma_wait3A_75, %dma_wait3A_76] : memref<2x10x40xi32, #tpu.memory_space<vmem>> -> memref<1x10x40xi32, #tpu.memory_space<vmem>>
    %dma_wait3A_78 = tpu.memref_squeeze %dma_wait3A_77 : memref<1x10x40xi32, #tpu.memory_space<vmem>> -> memref<10x40xi32, #tpu.memory_space<vmem>>
    %dma_wait3A_79 = arith.constant 0 : i32
    %dma_wait3A_80 = arith.constant 0 : i32
    %dma_wait3A_81 = tpu.memref_slice %arg4[%add3A, %dma_wait3A_72, %dma_wait3A_79, %dma_wait3A_80] : memref<32x25x10x40xi32, #tpu.memory_space<hbm>> -> memref<1x1x10x40xi32, #tpu.memory_space<hbm>>
    %dma_wait3A_82 = tpu.memref_squeeze %dma_wait3A_81 : memref<1x1x10x40xi32, #tpu.memory_space<hbm>> -> memref<10x40xi32, #tpu.memory_space<hbm>>
    %dma_wait3A_83 = tpu.memref_slice %arg12[%dma_wait3A_74] : memref<2x!tpu.dma_semaphore, #tpu.memory_space<semaphore_mem>> -> memref<1x!tpu.dma_semaphore, #tpu.memory_space<semaphore_mem>>
    %dma_wait3A_84 = tpu.memref_squeeze %dma_wait3A_83 : memref<1x!tpu.dma_semaphore, #tpu.memory_space<semaphore_mem>> -> memref<!tpu.dma_semaphore, #tpu.memory_space<semaphore_mem>>
    %dma_wait3A_85 = arith.constant 0 : i32
    %dma_wait3A_86 = arith.constant 0 : i32
    %dma_wait3A_87 = tpu.memref_slice %arg7[%dma_wait3A_73, %dma_wait3A_85, %dma_wait3A_86] : memref<2x10x40xi32, #tpu.memory_space<vmem>> -> memref<1x10x40xi32, #tpu.memory_space<vmem>>
    %dma_wait3A_88 = tpu.memref_squeeze %dma_wait3A_87 : memref<1x10x40xi32, #tpu.memory_space<vmem>> -> memref<10x40xi32, #tpu.memory_space<vmem>>
    %dma_wait3A_89 = arith.constant 0 : i32
    %dma_wait3A_90 = arith.constant 0 : i32
    %dma_wait3A_91 = tpu.memref_slice %arg4[%add3A, %dma_wait3A_72, %dma_wait3A_89, %dma_wait3A_90] : memref<32x25x10x40xi32, #tpu.memory_space<hbm>> -> memref<1x1x10x40xi32, #tpu.memory_space<hbm>>
    %dma_wait3A_92 = tpu.memref_squeeze %dma_wait3A_91 : memref<1x1x10x40xi32, #tpu.memory_space<hbm>> -> memref<10x40xi32, #tpu.memory_space<hbm>>
    tpu.wait_dma2 semaphore(%dma_wait3A_84 : memref<!tpu.dma_semaphore, #tpu.memory_space<semaphore_mem>>) src(%dma_wait3A_92 : memref<10x40xi32, #tpu.memory_space<hbm>>) dst(%dma_wait3A_88 : memref<10x40xi32, #tpu.memory_space<vmem>>)
    %dma_start3A_93 = arith.constant 0 : i32
    %dma_start3A_94 = arith.constant 0 : i32
    %dma_start3A_95 = arith.constant 0 : i32
    %dma_start3A_96 = arith.constant 0 : i32
    %dma_start3A_97 = arith.constant 0 : i32
    %dma_start3A_98 = arith.constant 0 : i32
    %dma_start3A_99 = tpu.memref_slice %arg8[%dma_start3A_95, %dma_start3A_97, %dma_start3A_98] : memref<7x40x128xf32, #tpu.memory_space<vmem>> -> memref<1x40x128xf32, #tpu.memory_space<vmem>>
    %dma_start3A_100 = tpu.memref_squeeze %dma_start3A_99 : memref<1x40x128xf32, #tpu.memory_space<vmem>> -> memref<40x128xf32, #tpu.memory_space<vmem>>
    %dma_start3A_101 = arith.constant 0 : i32
    %dma_start3A_102 = tpu.memref_slice %arg6[%dma_start3A_93, %dma_start3A_94, %dma_start3A_101] : memref<2x10x40xi32, #tpu.memory_space<vmem>> -> memref<1x1x40xi32, #tpu.memory_space<vmem>>
    %dma_start3A_103 = tpu.memref_squeeze %dma_start3A_102 : memref<1x1x40xi32, #tpu.memory_space<vmem>> -> memref<40xi32, #tpu.memory_space<vmem>>
    %dma_start3A_104 = arith.constant 0 : i32
    %dma_start3A_105 = arith.constant 0 : i32
    %dma_start3A_106 = tpu.memref_slice %arg2[%dma_start3A_104, %dma_start3A_105] : memref<10000x128xf32, #tpu.memory_space<hbm>> -> memref<10000x128xf32, #tpu.memory_space<hbm>>
    %dma_start3A_107 = tpu.memref_slice %arg10[%dma_start3A_96] : memref<7x!tpu.dma_semaphore, #tpu.memory_space<semaphore_mem>> -> memref<1x!tpu.dma_semaphore, #tpu.memory_space<semaphore_mem>>
    %dma_start3A_108 = tpu.memref_squeeze %dma_start3A_107 : memref<1x!tpu.dma_semaphore, #tpu.memory_space<semaphore_mem>> -> memref<!tpu.dma_semaphore, #tpu.memory_space<semaphore_mem>>
    tpu.enqueue_indirect_dma source(%dma_start3A_106 : memref<10000x128xf32, #tpu.memory_space<hbm>>) target(%dma_start3A_100 : memref<40x128xf32, #tpu.memory_space<vmem>>) offsets(%dma_start3A_103 : memref<40xi32, #tpu.memory_space<vmem>>) semaphore(%dma_start3A_108 : memref<!tpu.dma_semaphore, #tpu.memory_space<semaphore_mem>>)
    %dma_start3A_109 = arith.constant 0 : i32
    %dma_start3A_110 = arith.constant 1 : i32
    %dma_start3A_111 = arith.constant 1 : i32
    %dma_start3A_112 = arith.constant 1 : i32
    %dma_start3A_113 = arith.constant 0 : i32
    %dma_start3A_114 = arith.constant 0 : i32
    %dma_start3A_115 = tpu.memref_slice %arg8[%dma_start3A_111, %dma_start3A_113, %dma_start3A_114] : memref<7x40x128xf32, #tpu.memory_space<vmem>> -> memref<1x40x128xf32, #tpu.memory_space<vmem>>
    %dma_start3A_116 = tpu.memref_squeeze %dma_start3A_115 : memref<1x40x128xf32, #tpu.memory_space<vmem>> -> memref<40x128xf32, #tpu.memory_space<vmem>>
    %dma_start3A_117 = arith.constant 0 : i32
    %dma_start3A_118 = tpu.memref_slice %arg6[%dma_start3A_109, %dma_start3A_110, %dma_start3A_117] : memref<2x10x40xi32, #tpu.memory_space<vmem>> -> memref<1x1x40xi32, #tpu.memory_space<vmem>>
    %dma_start3A_119 = tpu.memref_squeeze %dma_start3A_118 : memref<1x1x40xi32, #tpu.memory_space<vmem>> -> memref<40xi32, #tpu.memory_space<vmem>>
    %dma_start3A_120 = arith.constant 0 : i32
    %dma_start3A_121 = arith.constant 0 : i32
    %dma_start3A_122 = tpu.memref_slice %arg2[%dma_start3A_120, %dma_start3A_121] : memref<10000x128xf32, #tpu.memory_space<hbm>> -> memref<10000x128xf32, #tpu.memory_space<hbm>>
    %dma_start3A_123 = tpu.memref_slice %arg10[%dma_start3A_112] : memref<7x!tpu.dma_semaphore, #tpu.memory_space<semaphore_mem>> -> memref<1x!tpu.dma_semaphore, #tpu.memory_space<semaphore_mem>>
    %dma_start3A_124 = tpu.memref_squeeze %dma_start3A_123 : memref<1x!tpu.dma_semaphore, #tpu.memory_space<semaphore_mem>> -> memref<!tpu.dma_semaphore, #tpu.memory_space<semaphore_mem>>
    tpu.enqueue_indirect_dma source(%dma_start3A_122 : memref<10000x128xf32, #tpu.memory_space<hbm>>) target(%dma_start3A_116 : memref<40x128xf32, #tpu.memory_space<vmem>>) offsets(%dma_start3A_119 : memref<40xi32, #tpu.memory_space<vmem>>) semaphore(%dma_start3A_124 : memref<!tpu.dma_semaphore, #tpu.memory_space<semaphore_mem>>)
    %dma_start3A_125 = arith.constant 0 : i32
    %dma_start3A_126 = arith.constant 2 : i32
    %dma_start3A_127 = arith.constant 2 : i32
    %dma_start3A_128 = arith.constant 2 : i32
    %dma_start3A_129 = arith.constant 0 : i32
    %dma_start3A_130 = arith.constant 0 : i32
    %dma_start3A_131 = tpu.memref_slice %arg8[%dma_start3A_127, %dma_start3A_129, %dma_start3A_130] : memref<7x40x128xf32, #tpu.memory_space<vmem>> -> memref<1x40x128xf32, #tpu.memory_space<vmem>>
    %dma_start3A_132 = tpu.memref_squeeze %dma_start3A_131 : memref<1x40x128xf32, #tpu.memory_space<vmem>> -> memref<40x128xf32, #tpu.memory_space<vmem>>
    %dma_start3A_133 = arith.constant 0 : i32
    %dma_start3A_134 = tpu.memref_slice %arg6[%dma_start3A_125, %dma_start3A_126, %dma_start3A_133] : memref<2x10x40xi32, #tpu.memory_space<vmem>> -> memref<1x1x40xi32, #tpu.memory_space<vmem>>
    %dma_start3A_135 = tpu.memref_squeeze %dma_start3A_134 : memref<1x1x40xi32, #tpu.memory_space<vmem>> -> memref<40xi32, #tpu.memory_space<vmem>>
    %dma_start3A_136 = arith.constant 0 : i32
    %dma_start3A_137 = arith.constant 0 : i32
    %dma_start3A_138 = tpu.memref_slice %arg2[%dma_start3A_136, %dma_start3A_137] : memref<10000x128xf32, #tpu.memory_space<hbm>> -> memref<10000x128xf32, #tpu.memory_space<hbm>>
    %dma_start3A_139 = tpu.memref_slice %arg10[%dma_start3A_128] : memref<7x!tpu.dma_semaphore, #tpu.memory_space<semaphore_mem>> -> memref<1x!tpu.dma_semaphore, #tpu.memory_space<semaphore_mem>>
    %dma_start3A_140 = tpu.memref_squeeze %dma_start3A_139 : memref<1x!tpu.dma_semaphore, #tpu.memory_space<semaphore_mem>> -> memref<!tpu.dma_semaphore, #tpu.memory_space<semaphore_mem>>
    tpu.enqueue_indirect_dma source(%dma_start3A_138 : memref<10000x128xf32, #tpu.memory_space<hbm>>) target(%dma_start3A_132 : memref<40x128xf32, #tpu.memory_space<vmem>>) offsets(%dma_start3A_135 : memref<40xi32, #tpu.memory_space<vmem>>) semaphore(%dma_start3A_140 : memref<!tpu.dma_semaphore, #tpu.memory_space<semaphore_mem>>)
    %dma_start3A_141 = arith.constant 0 : i32
    %dma_start3A_142 = arith.constant 3 : i32
    %dma_start3A_143 = arith.constant 3 : i32
    %dma_start3A_144 = arith.constant 3 : i32
    %dma_start3A_145 = arith.constant 0 : i32
    %dma_start3A_146 = arith.constant 0 : i32
    %dma_start3A_147 = tpu.memref_slice %arg8[%dma_start3A_143, %dma_start3A_145, %dma_start3A_146] : memref<7x40x128xf32, #tpu.memory_space<vmem>> -> memref<1x40x128xf32, #tpu.memory_space<vmem>>
    %dma_start3A_148 = tpu.memref_squeeze %dma_start3A_147 : memref<1x40x128xf32, #tpu.memory_space<vmem>> -> memref<40x128xf32, #tpu.memory_space<vmem>>
    %dma_start3A_149 = arith.constant 0 : i32
    %dma_start3A_150 = tpu.memref_slice %arg6[%dma_start3A_141, %dma_start3A_142, %dma_start3A_149] : memref<2x10x40xi32, #tpu.memory_space<vmem>> -> memref<1x1x40xi32, #tpu.memory_space<vmem>>
    %dma_start3A_151 = tpu.memref_squeeze %dma_start3A_150 : memref<1x1x40xi32, #tpu.memory_space<vmem>> -> memref<40xi32, #tpu.memory_space<vmem>>
    %dma_start3A_152 = arith.constant 0 : i32
    %dma_start3A_153 = arith.constant 0 : i32
    %dma_start3A_154 = tpu.memref_slice %arg2[%dma_start3A_152, %dma_start3A_153] : memref<10000x128xf32, #tpu.memory_space<hbm>> -> memref<10000x128xf32, #tpu.memory_space<hbm>>
    %dma_start3A_155 = tpu.memref_slice %arg10[%dma_start3A_144] : memref<7x!tpu.dma_semaphore, #tpu.memory_space<semaphore_mem>> -> memref<1x!tpu.dma_semaphore, #tpu.memory_space<semaphore_mem>>
    %dma_start3A_156 = tpu.memref_squeeze %dma_start3A_155 : memref<1x!tpu.dma_semaphore, #tpu.memory_space<semaphore_mem>> -> memref<!tpu.dma_semaphore, #tpu.memory_space<semaphore_mem>>
    tpu.enqueue_indirect_dma source(%dma_start3A_154 : memref<10000x128xf32, #tpu.memory_space<hbm>>) target(%dma_start3A_148 : memref<40x128xf32, #tpu.memory_space<vmem>>) offsets(%dma_start3A_151 : memref<40xi32, #tpu.memory_space<vmem>>) semaphore(%dma_start3A_156 : memref<!tpu.dma_semaphore, #tpu.memory_space<semaphore_mem>>)
    %dma_start3A_157 = arith.constant 0 : i32
    %dma_start3A_158 = arith.constant 4 : i32
    %dma_start3A_159 = arith.constant 4 : i32
    %dma_start3A_160 = arith.constant 4 : i32
    %dma_start3A_161 = arith.constant 0 : i32
    %dma_start3A_162 = arith.constant 0 : i32
    %dma_start3A_163 = tpu.memref_slice %arg8[%dma_start3A_159, %dma_start3A_161, %dma_start3A_162] : memref<7x40x128xf32, #tpu.memory_space<vmem>> -> memref<1x40x128xf32, #tpu.memory_space<vmem>>
    %dma_start3A_164 = tpu.memref_squeeze %dma_start3A_163 : memref<1x40x128xf32, #tpu.memory_space<vmem>> -> memref<40x128xf32, #tpu.memory_space<vmem>>
    %dma_start3A_165 = arith.constant 0 : i32
    %dma_start3A_166 = tpu.memref_slice %arg6[%dma_start3A_157, %dma_start3A_158, %dma_start3A_165] : memref<2x10x40xi32, #tpu.memory_space<vmem>> -> memref<1x1x40xi32, #tpu.memory_space<vmem>>
    %dma_start3A_167 = tpu.memref_squeeze %dma_start3A_166 : memref<1x1x40xi32, #tpu.memory_space<vmem>> -> memref<40xi32, #tpu.memory_space<vmem>>
    %dma_start3A_168 = arith.constant 0 : i32
    %dma_start3A_169 = arith.constant 0 : i32
    %dma_start3A_170 = tpu.memref_slice %arg2[%dma_start3A_168, %dma_start3A_169] : memref<10000x128xf32, #tpu.memory_space<hbm>> -> memref<10000x128xf32, #tpu.memory_space<hbm>>
    %dma_start3A_171 = tpu.memref_slice %arg10[%dma_start3A_160] : memref<7x!tpu.dma_semaphore, #tpu.memory_space<semaphore_mem>> -> memref<1x!tpu.dma_semaphore, #tpu.memory_space<semaphore_mem>>
    %dma_start3A_172 = tpu.memref_squeeze %dma_start3A_171 : memref<1x!tpu.dma_semaphore, #tpu.memory_space<semaphore_mem>> -> memref<!tpu.dma_semaphore, #tpu.memory_space<semaphore_mem>>
    tpu.enqueue_indirect_dma source(%dma_start3A_170 : memref<10000x128xf32, #tpu.memory_space<hbm>>) target(%dma_start3A_164 : memref<40x128xf32, #tpu.memory_space<vmem>>) offsets(%dma_start3A_167 : memref<40xi32, #tpu.memory_space<vmem>>) semaphore(%dma_start3A_172 : memref<!tpu.dma_semaphore, #tpu.memory_space<semaphore_mem>>)
    %dma_start3A_173 = arith.constant 0 : i32
    %dma_start3A_174 = arith.constant 5 : i32
    %dma_start3A_175 = arith.constant 5 : i32
    %dma_start3A_176 = arith.constant 5 : i32
    %dma_start3A_177 = arith.constant 0 : i32
    %dma_start3A_178 = arith.constant 0 : i32
    %dma_start3A_179 = tpu.memref_slice %arg8[%dma_start3A_175, %dma_start3A_177, %dma_start3A_178] : memref<7x40x128xf32, #tpu.memory_space<vmem>> -> memref<1x40x128xf32, #tpu.memory_space<vmem>>
    %dma_start3A_180 = tpu.memref_squeeze %dma_start3A_179 : memref<1x40x128xf32, #tpu.memory_space<vmem>> -> memref<40x128xf32, #tpu.memory_space<vmem>>
    %dma_start3A_181 = arith.constant 0 : i32
    %dma_start3A_182 = tpu.memref_slice %arg6[%dma_start3A_173, %dma_start3A_174, %dma_start3A_181] : memref<2x10x40xi32, #tpu.memory_space<vmem>> -> memref<1x1x40xi32, #tpu.memory_space<vmem>>
    %dma_start3A_183 = tpu.memref_squeeze %dma_start3A_182 : memref<1x1x40xi32, #tpu.memory_space<vmem>> -> memref<40xi32, #tpu.memory_space<vmem>>
    %dma_start3A_184 = arith.constant 0 : i32
    %dma_start3A_185 = arith.constant 0 : i32
    %dma_start3A_186 = tpu.memref_slice %arg2[%dma_start3A_184, %dma_start3A_185] : memref<10000x128xf32, #tpu.memory_space<hbm>> -> memref<10000x128xf32, #tpu.memory_space<hbm>>
    %dma_start3A_187 = tpu.memref_slice %arg10[%dma_start3A_176] : memref<7x!tpu.dma_semaphore, #tpu.memory_space<semaphore_mem>> -> memref<1x!tpu.dma_semaphore, #tpu.memory_space<semaphore_mem>>
    %dma_start3A_188 = tpu.memref_squeeze %dma_start3A_187 : memref<1x!tpu.dma_semaphore, #tpu.memory_space<semaphore_mem>> -> memref<!tpu.dma_semaphore, #tpu.memory_space<semaphore_mem>>
    tpu.enqueue_indirect_dma source(%dma_start3A_186 : memref<10000x128xf32, #tpu.memory_space<hbm>>) target(%dma_start3A_180 : memref<40x128xf32, #tpu.memory_space<vmem>>) offsets(%dma_start3A_183 : memref<40xi32, #tpu.memory_space<vmem>>) semaphore(%dma_start3A_188 : memref<!tpu.dma_semaphore, #tpu.memory_space<semaphore_mem>>)
    %mul3A_189 = arith.constant 624 : i32
    %mul3A_190 = arith.muli %arg1, %mul3A_189 : i32
    %mul3A_191 = arith.constant 624 : i32
    %mul3A_192 = arith.muli %arg1, %mul3A_191 : i32
    %dma_wait3A_193 = arith.constant 0 : i32
    %dma_wait3A_194 = tpu.memref_slice %arg9[%mul3A_192, %dma_wait3A_193] : memref<10000x128xf32, #tpu.memory_space<vmem_shared>> -> memref<624x128xf32, #tpu.memory_space<vmem_shared>>
    %dma_wait3A_195 = arith.constant 0 : i32
    %dma_wait3A_196 = tpu.memref_slice %arg2[%mul3A_190, %dma_wait3A_195] : memref<10000x128xf32, #tpu.memory_space<hbm>> -> memref<624x128xf32, #tpu.memory_space<hbm>>
    tpu.wait_dma2 semaphore(%arg13 : memref<!tpu.dma_semaphore, #tpu.memory_space<semaphore_mem>>) src(%dma_wait3A_196 : memref<624x128xf32, #tpu.memory_space<hbm>>) dst(%dma_wait3A_194 : memref<624x128xf32, #tpu.memory_space<vmem_shared>>)
    %eq3A_197 = arith.constant 0 : i32
    %eq3A_198 = arith.cmpi eq, %arg1, %eq3A_197 : i32
    %convert_element_type3A_199 = arith.extui %eq3A_198 : i1 to i32
    %cond3A_200 = arith.constant 0 : i32
    %cond3A_201 = arith.cmpi ne, %convert_element_type3A_199, %cond3A_200 : i32
    scf.if %cond3A_201 {
      %dma_wait3A_236 = arith.constant 9984 : i32
      %dma_wait3A_237 = arith.constant 0 : i32
      %dma_wait3A_238 = tpu.memref_slice %arg9[%dma_wait3A_236, %dma_wait3A_237] : memref<10000x128xf32, #tpu.memory_space<vmem_shared>> -> memref<16x128xf32, #tpu.memory_space<vmem_shared>>
      %dma_wait3A_239 = arith.constant 9984 : i32
      %dma_wait3A_240 = arith.constant 0 : i32
      %dma_wait3A_241 = tpu.memref_slice %arg2[%dma_wait3A_239, %dma_wait3A_240] : memref<10000x128xf32, #tpu.memory_space<hbm>> -> memref<16x128xf32, #tpu.memory_space<hbm>>
      tpu.wait_dma2 semaphore(%arg13 : memref<!tpu.dma_semaphore, #tpu.memory_space<semaphore_mem>>) src(%dma_wait3A_241 : memref<16x128xf32, #tpu.memory_space<hbm>>) dst(%dma_wait3A_238 : memref<16x128xf32, #tpu.memory_space<vmem_shared>>)
    } else {
    }
    %barrier3A = arith.constant 0 : index
    tpu.barrier barrier_id(%barrier3A)
    %scan3A = arith.constant 0 : i32
    %scan3A_202 = arith.constant 0 : i32
    %scan3A_203 = arith.constant 250 : i32
    %scan3A_204 = arith.addi %scan3A_202, %scan3A_203 : i32
    %scan3A_205 = arith.constant 1 : i32
    scf.for %scan3A_236 = %scan3A_202 to %scan3A_204 step %scan3A_205  : i32 {
      %rem3A_237 = arith.constant 7 : i32
      %rem3A_238 = arith.remsi %scan3A_236, %rem3A_237 : i32
      %rem3A_239 = arith.constant 10 : i32
      %rem3A_240 = arith.remsi %scan3A_236, %rem3A_239 : i32
      %div3A = arith.constant 10 : i32
      %div3A_241 = arith.divsi %scan3A_236, %div3A : i32
      %rem3A_242 = arith.constant 2 : i32
      %rem3A_243 = arith.remsi %div3A_241, %rem3A_242 : i32
      %dma_wait3A_244 = arith.constant 0 : i32
      %dma_wait3A_245 = arith.constant 0 : i32
      %dma_wait3A_246 = tpu.memref_slice %arg8[%rem3A_238, %dma_wait3A_244, %dma_wait3A_245] : memref<7x40x128xf32, #tpu.memory_space<vmem>> -> memref<1x40x128xf32, #tpu.memory_space<vmem>>
      %dma_wait3A_247 = tpu.memref_squeeze %dma_wait3A_246 : memref<1x40x128xf32, #tpu.memory_space<vmem>> -> memref<40x128xf32, #tpu.memory_space<vmem>>
      %dma_wait3A_248 = arith.constant 0 : i32
      %dma_wait3A_249 = tpu.memref_slice %arg6[%rem3A_243, %rem3A_240, %dma_wait3A_248] : memref<2x10x40xi32, #tpu.memory_space<vmem>> -> memref<1x1x40xi32, #tpu.memory_space<vmem>>
      %dma_wait3A_250 = tpu.memref_squeeze %dma_wait3A_249 : memref<1x1x40xi32, #tpu.memory_space<vmem>> -> memref<40xi32, #tpu.memory_space<vmem>>
      %dma_wait3A_251 = arith.constant 0 : i32
      %dma_wait3A_252 = arith.constant 0 : i32
      %dma_wait3A_253 = tpu.memref_slice %arg2[%dma_wait3A_251, %dma_wait3A_252] : memref<10000x128xf32, #tpu.memory_space<hbm>> -> memref<10000x128xf32, #tpu.memory_space<hbm>>
      %dma_wait3A_254 = tpu.memref_slice %arg10[%rem3A_238] : memref<7x!tpu.dma_semaphore, #tpu.memory_space<semaphore_mem>> -> memref<1x!tpu.dma_semaphore, #tpu.memory_space<semaphore_mem>>
      %dma_wait3A_255 = tpu.memref_squeeze %dma_wait3A_254 : memref<1x!tpu.dma_semaphore, #tpu.memory_space<semaphore_mem>> -> memref<!tpu.dma_semaphore, #tpu.memory_space<semaphore_mem>>
      tpu.wait_indirect_dma semaphore(%dma_wait3A_255 : memref<!tpu.dma_semaphore, #tpu.memory_space<semaphore_mem>>) src(%dma_wait3A_253 : memref<10000x128xf32, #tpu.memory_space<hbm>>) dst(%dma_wait3A_247 : memref<40x128xf32, #tpu.memory_space<vmem>>)
      %dma_start3A_256 = arith.constant 0 : i32
      %dma_start3A_257 = arith.constant 0 : i32
      %dma_start3A_258 = tpu.memref_slice %arg8[%rem3A_238, %dma_start3A_256, %dma_start3A_257] : memref<7x40x128xf32, #tpu.memory_space<vmem>> -> memref<1x40x128xf32, #tpu.memory_space<vmem>>
      %dma_start3A_259 = tpu.memref_squeeze %dma_start3A_258 : memref<1x40x128xf32, #tpu.memory_space<vmem>> -> memref<40x128xf32, #tpu.memory_space<vmem>>
      %dma_start3A_260 = arith.constant 0 : i32
      %dma_start3A_261 = tpu.memref_slice %arg7[%rem3A_243, %rem3A_240, %dma_start3A_260] : memref<2x10x40xi32, #tpu.memory_space<vmem>> -> memref<1x1x40xi32, #tpu.memory_space<vmem>>
      %dma_start3A_262 = tpu.memref_squeeze %dma_start3A_261 : memref<1x1x40xi32, #tpu.memory_space<vmem>> -> memref<40xi32, #tpu.memory_space<vmem>>
      %dma_start3A_263 = arith.constant 0 : i32
      %dma_start3A_264 = arith.constant 0 : i32
      %dma_start3A_265 = tpu.memref_slice %arg9[%dma_start3A_263, %dma_start3A_264] : memref<10000x128xf32, #tpu.memory_space<vmem_shared>> -> memref<10000x128xf32, #tpu.memory_space<vmem_shared>>
      %dma_start3A_266 = tpu.memref_slice %arg11[%rem3A_238] : memref<7x!tpu.dma_semaphore, #tpu.memory_space<semaphore_mem>> -> memref<1x!tpu.dma_semaphore, #tpu.memory_space<semaphore_mem>>
      %dma_start3A_267 = tpu.memref_squeeze %dma_start3A_266 : memref<1x!tpu.dma_semaphore, #tpu.memory_space<semaphore_mem>> -> memref<!tpu.dma_semaphore, #tpu.memory_space<semaphore_mem>>
      tpu.enqueue_indirect_dma source(%dma_start3A_259 : memref<40x128xf32, #tpu.memory_space<vmem>>) target(%dma_start3A_265 : memref<10000x128xf32, #tpu.memory_space<vmem_shared>>) offsets(%dma_start3A_262 : memref<40xi32, #tpu.memory_space<vmem>>) semaphore(%dma_start3A_267 : memref<!tpu.dma_semaphore, #tpu.memory_space<semaphore_mem>>) {add = true}
      %add3A_268 = arith.constant 7 : i32
      %add3A_269 = arith.addi %scan3A_236, %add3A_268 : i32
      %sub3A = arith.constant 1 : i32
      %sub3A_270 = arith.subi %add3A_269, %sub3A : i32
      %rem3A_271 = arith.constant 7 : i32
      %rem3A_272 = arith.remsi %sub3A_270, %rem3A_271 : i32
      %gt3A = arith.constant 0 : i32
      %gt3A_273 = arith.cmpi sgt, %scan3A_236, %gt3A : i32
      %convert_element_type3A_274 = arith.extui %gt3A_273 : i1 to i32
      %cond3A_275 = arith.constant 0 : i32
      %cond3A_276 = arith.cmpi ne, %convert_element_type3A_274, %cond3A_275 : i32
      scf.if %cond3A_276 {
        %dma_wait3A_294 = arith.constant 0 : i32
        %dma_wait3A_295 = arith.constant 0 : i32
        %dma_wait3A_296 = tpu.memref_slice %arg8[%rem3A_272, %dma_wait3A_294, %dma_wait3A_295] : memref<7x40x128xf32, #tpu.memory_space<vmem>> -> memref<1x40x128xf32, #tpu.memory_space<vmem>>
        %dma_wait3A_297 = tpu.memref_squeeze %dma_wait3A_296 : memref<1x40x128xf32, #tpu.memory_space<vmem>> -> memref<40x128xf32, #tpu.memory_space<vmem>>
        %dma_wait3A_298 = arith.constant 0 : i32
        %dma_wait3A_299 = tpu.memref_slice %arg7[%rem3A_243, %rem3A_240, %dma_wait3A_298] : memref<2x10x40xi32, #tpu.memory_space<vmem>> -> memref<1x1x40xi32, #tpu.memory_space<vmem>>
        %dma_wait3A_300 = tpu.memref_squeeze %dma_wait3A_299 : memref<1x1x40xi32, #tpu.memory_space<vmem>> -> memref<40xi32, #tpu.memory_space<vmem>>
        %dma_wait3A_301 = arith.constant 0 : i32
        %dma_wait3A_302 = arith.constant 0 : i32
        %dma_wait3A_303 = tpu.memref_slice %arg9[%dma_wait3A_301, %dma_wait3A_302] : memref<10000x128xf32, #tpu.memory_space<vmem_shared>> -> memref<10000x128xf32, #tpu.memory_space<vmem_shared>>
        %dma_wait3A_304 = tpu.memref_slice %arg11[%rem3A_272] : memref<7x!tpu.dma_semaphore, #tpu.memory_space<semaphore_mem>> -> memref<1x!tpu.dma_semaphore, #tpu.memory_space<semaphore_mem>>
        %dma_wait3A_305 = tpu.memref_squeeze %dma_wait3A_304 : memref<1x!tpu.dma_semaphore, #tpu.memory_space<semaphore_mem>> -> memref<!tpu.dma_semaphore, #tpu.memory_space<semaphore_mem>>
        tpu.wait_indirect_dma semaphore(%dma_wait3A_305 : memref<!tpu.dma_semaphore, #tpu.memory_space<semaphore_mem>>) src(%dma_wait3A_297 : memref<40x128xf32, #tpu.memory_space<vmem>>) dst(%dma_wait3A_303 : memref<10000x128xf32, #tpu.memory_space<vmem_shared>>)
      } else {
      }
      %eq3A_277 = arith.constant 0 : i32
      %eq3A_278 = arith.cmpi eq, %rem3A_240, %eq3A_277 : i32
      %add3A_279 = arith.constant 10 : i32
      %add3A_280 = arith.addi %scan3A_236, %add3A_279 : i32
      %lt3A = arith.constant 250 : i32
      %lt3A_281 = arith.cmpi slt, %add3A_280, %lt3A : i32
      %and3A = arith.andi %eq3A_278, %lt3A_281 : i1
      %convert_element_type3A_282 = arith.extui %and3A : i1 to i32
      %cond3A_283 = arith.constant 0 : i32
      %cond3A_284 = arith.cmpi ne, %convert_element_type3A_282, %cond3A_283 : i32
      scf.if %cond3A_284 {
        %div3A_294 = arith.constant 10 : i32
        %div3A_295 = arith.divsi %scan3A_236, %div3A_294 : i32
        %add3A_296 = arith.constant 1 : i32
        %add3A_297 = arith.addi %div3A_295, %add3A_296 : i32
        %sub3A_298 = arith.constant 1 : i32
        %sub3A_299 = arith.subi %sub3A_298, %rem3A_243 : i32
        %dma_start3A_300 = arith.constant 0 : i32
        %dma_start3A_301 = arith.constant 0 : i32
        %dma_start3A_302 = arith.constant 0 : i32
        %dma_start3A_303 = tpu.memref_slice %arg6[%sub3A_299, %dma_start3A_301, %dma_start3A_302] : memref<2x10x40xi32, #tpu.memory_space<vmem>> -> memref<1x10x40xi32, #tpu.memory_space<vmem>>
        %dma_start3A_304 = tpu.memref_squeeze %dma_start3A_303 : memref<1x10x40xi32, #tpu.memory_space<vmem>> -> memref<10x40xi32, #tpu.memory_space<vmem>>
        %dma_start3A_305 = arith.constant 0 : i32
        %dma_start3A_306 = arith.constant 0 : i32
        %dma_start3A_307 = tpu.memref_slice %arg3[%add3A, %add3A_297, %dma_start3A_305, %dma_start3A_306] : memref<32x25x10x40xi32, #tpu.memory_space<hbm>> -> memref<1x1x10x40xi32, #tpu.memory_space<hbm>>
        %dma_start3A_308 = tpu.memref_squeeze %dma_start3A_307 : memref<1x1x10x40xi32, #tpu.memory_space<hbm>> -> memref<10x40xi32, #tpu.memory_space<hbm>>
        %dma_start3A_309 = tpu.memref_slice %arg12[%dma_start3A_300] : memref<2x!tpu.dma_semaphore, #tpu.memory_space<semaphore_mem>> -> memref<1x!tpu.dma_semaphore, #tpu.memory_space<semaphore_mem>>
        %dma_start3A_310 = tpu.memref_squeeze %dma_start3A_309 : memref<1x!tpu.dma_semaphore, #tpu.memory_space<semaphore_mem>> -> memref<!tpu.dma_semaphore, #tpu.memory_space<semaphore_mem>>
        %dma_start3A_311 = arith.constant 0 : i32
        %dma_start3A_312 = arith.constant 0 : i32
        %dma_start3A_313 = tpu.memref_slice %arg6[%sub3A_299, %dma_start3A_311, %dma_start3A_312] : memref<2x10x40xi32, #tpu.memory_space<vmem>> -> memref<1x10x40xi32, #tpu.memory_space<vmem>>
        %dma_start3A_314 = tpu.memref_squeeze %dma_start3A_313 : memref<1x10x40xi32, #tpu.memory_space<vmem>> -> memref<10x40xi32, #tpu.memory_space<vmem>>
        %dma_start3A_315 = arith.constant 0 : i32
        %dma_start3A_316 = arith.constant 0 : i32
        %dma_start3A_317 = tpu.memref_slice %arg3[%add3A, %add3A_297, %dma_start3A_315, %dma_start3A_316] : memref<32x25x10x40xi32, #tpu.memory_space<hbm>> -> memref<1x1x10x40xi32, #tpu.memory_space<hbm>>
        %dma_start3A_318 = tpu.memref_squeeze %dma_start3A_317 : memref<1x1x10x40xi32, #tpu.memory_space<hbm>> -> memref<10x40xi32, #tpu.memory_space<hbm>>
        tpu.enqueue_dma source(%dma_start3A_318 : memref<10x40xi32, #tpu.memory_space<hbm>>) target(%dma_start3A_314 : memref<10x40xi32, #tpu.memory_space<vmem>>) target_semaphore(%dma_start3A_310 : memref<!tpu.dma_semaphore, #tpu.memory_space<semaphore_mem>>)
        %add3A_319 = arith.constant 1 : i32
        %add3A_320 = arith.addi %div3A_295, %add3A_319 : i32
        %sub3A_321 = arith.constant 1 : i32
        %sub3A_322 = arith.subi %sub3A_321, %rem3A_243 : i32
        %dma_start3A_323 = arith.constant 1 : i32
        %dma_start3A_324 = arith.constant 0 : i32
        %dma_start3A_325 = arith.constant 0 : i32
        %dma_start3A_326 = tpu.memref_slice %arg7[%sub3A_322, %dma_start3A_324, %dma_start3A_325] : memref<2x10x40xi32, #tpu.memory_space<vmem>> -> memref<1x10x40xi32, #tpu.memory_space<vmem>>
        %dma_start3A_327 = tpu.memref_squeeze %dma_start3A_326 : memref<1x10x40xi32, #tpu.memory_space<vmem>> -> memref<10x40xi32, #tpu.memory_space<vmem>>
        %dma_start3A_328 = arith.constant 0 : i32
        %dma_start3A_329 = arith.constant 0 : i32
        %dma_start3A_330 = tpu.memref_slice %arg4[%add3A, %add3A_320, %dma_start3A_328, %dma_start3A_329] : memref<32x25x10x40xi32, #tpu.memory_space<hbm>> -> memref<1x1x10x40xi32, #tpu.memory_space<hbm>>
        %dma_start3A_331 = tpu.memref_squeeze %dma_start3A_330 : memref<1x1x10x40xi32, #tpu.memory_space<hbm>> -> memref<10x40xi32, #tpu.memory_space<hbm>>
        %dma_start3A_332 = tpu.memref_slice %arg12[%dma_start3A_323] : memref<2x!tpu.dma_semaphore, #tpu.memory_space<semaphore_mem>> -> memref<1x!tpu.dma_semaphore, #tpu.memory_space<semaphore_mem>>
        %dma_start3A_333 = tpu.memref_squeeze %dma_start3A_332 : memref<1x!tpu.dma_semaphore, #tpu.memory_space<semaphore_mem>> -> memref<!tpu.dma_semaphore, #tpu.memory_space<semaphore_mem>>
        %dma_start3A_334 = arith.constant 0 : i32
        %dma_start3A_335 = arith.constant 0 : i32
        %dma_start3A_336 = tpu.memref_slice %arg7[%sub3A_322, %dma_start3A_334, %dma_start3A_335] : memref<2x10x40xi32, #tpu.memory_space<vmem>> -> memref<1x10x40xi32, #tpu.memory_space<vmem>>
        %dma_start3A_337 = tpu.memref_squeeze %dma_start3A_336 : memref<1x10x40xi32, #tpu.memory_space<vmem>> -> memref<10x40xi32, #tpu.memory_space<vmem>>
        %dma_start3A_338 = arith.constant 0 : i32
        %dma_start3A_339 = arith.constant 0 : i32
        %dma_start3A_340 = tpu.memref_slice %arg4[%add3A, %add3A_320, %dma_start3A_338, %dma_start3A_339] : memref<32x25x10x40xi32, #tpu.memory_space<hbm>> -> memref<1x1x10x40xi32, #tpu.memory_space<hbm>>
        %dma_start3A_341 = tpu.memref_squeeze %dma_start3A_340 : memref<1x1x10x40xi32, #tpu.memory_space<hbm>> -> memref<10x40xi32, #tpu.memory_space<hbm>>
        tpu.enqueue_dma source(%dma_start3A_341 : memref<10x40xi32, #tpu.memory_space<hbm>>) target(%dma_start3A_337 : memref<10x40xi32, #tpu.memory_space<vmem>>) target_semaphore(%dma_start3A_333 : memref<!tpu.dma_semaphore, #tpu.memory_space<semaphore_mem>>)
      } else {
      }
      %add3A_285 = arith.constant 7 : i32
      %add3A_286 = arith.addi %scan3A_236, %add3A_285 : i32
      %sub3A_287 = arith.constant 1 : i32
      %sub3A_288 = arith.subi %add3A_286, %sub3A_287 : i32
      %lt3A_289 = arith.constant 250 : i32
      %lt3A_290 = arith.cmpi slt, %sub3A_288, %lt3A_289 : i32
      %convert_element_type3A_291 = arith.extui %lt3A_290 : i1 to i32
      %cond3A_292 = arith.constant 0 : i32
      %cond3A_293 = arith.cmpi ne, %convert_element_type3A_291, %cond3A_292 : i32
      scf.if %cond3A_293 {
        %rem3A_294 = arith.constant 10 : i32
        %rem3A_295 = arith.remsi %sub3A_288, %rem3A_294 : i32
        %div3A_296 = arith.constant 10 : i32
        %div3A_297 = arith.divsi %sub3A_288, %div3A_296 : i32
        %rem3A_298 = arith.constant 2 : i32
        %rem3A_299 = arith.remsi %div3A_297, %rem3A_298 : i32
        %eq3A_300 = arith.constant 0 : i32
        %eq3A_301 = arith.cmpi eq, %rem3A_295, %eq3A_300 : i32
        %convert_element_type3A_302 = arith.extui %eq3A_301 : i1 to i32
        %cond3A_303 = arith.constant 0 : i32
        %cond3A_304 = arith.cmpi ne, %convert_element_type3A_302, %cond3A_303 : i32
        scf.if %cond3A_304 {
          %dma_wait3A_317 = arith.constant 0 : i32
          %dma_wait3A_318 = arith.constant 0 : i32
          %dma_wait3A_319 = arith.constant 0 : i32
          %dma_wait3A_320 = arith.constant 0 : i32
          %dma_wait3A_321 = arith.constant 0 : i32
          %dma_wait3A_322 = tpu.memref_slice %arg6[%dma_wait3A_318, %dma_wait3A_320, %dma_wait3A_321] : memref<2x10x40xi32, #tpu.memory_space<vmem>> -> memref<1x10x40xi32, #tpu.memory_space<vmem>>
          %dma_wait3A_323 = tpu.memref_squeeze %dma_wait3A_322 : memref<1x10x40xi32, #tpu.memory_space<vmem>> -> memref<10x40xi32, #tpu.memory_space<vmem>>
          %dma_wait3A_324 = arith.constant 0 : i32
          %dma_wait3A_325 = arith.constant 0 : i32
          %dma_wait3A_326 = tpu.memref_slice %arg3[%add3A, %dma_wait3A_317, %dma_wait3A_324, %dma_wait3A_325] : memref<32x25x10x40xi32, #tpu.memory_space<hbm>> -> memref<1x1x10x40xi32, #tpu.memory_space<hbm>>
          %dma_wait3A_327 = tpu.memref_squeeze %dma_wait3A_326 : memref<1x1x10x40xi32, #tpu.memory_space<hbm>> -> memref<10x40xi32, #tpu.memory_space<hbm>>
          %dma_wait3A_328 = tpu.memref_slice %arg12[%dma_wait3A_319] : memref<2x!tpu.dma_semaphore, #tpu.memory_space<semaphore_mem>> -> memref<1x!tpu.dma_semaphore, #tpu.memory_space<semaphore_mem>>
          %dma_wait3A_329 = tpu.memref_squeeze %dma_wait3A_328 : memref<1x!tpu.dma_semaphore, #tpu.memory_space<semaphore_mem>> -> memref<!tpu.dma_semaphore, #tpu.memory_space<semaphore_mem>>
          %dma_wait3A_330 = arith.constant 0 : i32
          %dma_wait3A_331 = arith.constant 0 : i32
          %dma_wait3A_332 = tpu.memref_slice %arg6[%dma_wait3A_318, %dma_wait3A_330, %dma_wait3A_331] : memref<2x10x40xi32, #tpu.memory_space<vmem>> -> memref<1x10x40xi32, #tpu.memory_space<vmem>>
          %dma_wait3A_333 = tpu.memref_squeeze %dma_wait3A_332 : memref<1x10x40xi32, #tpu.memory_space<vmem>> -> memref<10x40xi32, #tpu.memory_space<vmem>>
          %dma_wait3A_334 = arith.constant 0 : i32
          %dma_wait3A_335 = arith.constant 0 : i32
          %dma_wait3A_336 = tpu.memref_slice %arg3[%add3A, %dma_wait3A_317, %dma_wait3A_334, %dma_wait3A_335] : memref<32x25x10x40xi32, #tpu.memory_space<hbm>> -> memref<1x1x10x40xi32, #tpu.memory_space<hbm>>
          %dma_wait3A_337 = tpu.memref_squeeze %dma_wait3A_336 : memref<1x1x10x40xi32, #tpu.memory_space<hbm>> -> memref<10x40xi32, #tpu.memory_space<hbm>>
          tpu.wait_dma2 semaphore(%dma_wait3A_329 : memref<!tpu.dma_semaphore, #tpu.memory_space<semaphore_mem>>) src(%dma_wait3A_337 : memref<10x40xi32, #tpu.memory_space<hbm>>) dst(%dma_wait3A_333 : memref<10x40xi32, #tpu.memory_space<vmem>>)
          %dma_wait3A_338 = arith.constant 0 : i32
          %dma_wait3A_339 = arith.constant 0 : i32
          %dma_wait3A_340 = arith.constant 1 : i32
          %dma_wait3A_341 = arith.constant 0 : i32
          %dma_wait3A_342 = arith.constant 0 : i32
          %dma_wait3A_343 = tpu.memref_slice %arg7[%dma_wait3A_339, %dma_wait3A_341, %dma_wait3A_342] : memref<2x10x40xi32, #tpu.memory_space<vmem>> -> memref<1x10x40xi32, #tpu.memory_space<vmem>>
          %dma_wait3A_344 = tpu.memref_squeeze %dma_wait3A_343 : memref<1x10x40xi32, #tpu.memory_space<vmem>> -> memref<10x40xi32, #tpu.memory_space<vmem>>
          %dma_wait3A_345 = arith.constant 0 : i32
          %dma_wait3A_346 = arith.constant 0 : i32
          %dma_wait3A_347 = tpu.memref_slice %arg4[%add3A, %dma_wait3A_338, %dma_wait3A_345, %dma_wait3A_346] : memref<32x25x10x40xi32, #tpu.memory_space<hbm>> -> memref<1x1x10x40xi32, #tpu.memory_space<hbm>>
          %dma_wait3A_348 = tpu.memref_squeeze %dma_wait3A_347 : memref<1x1x10x40xi32, #tpu.memory_space<hbm>> -> memref<10x40xi32, #tpu.memory_space<hbm>>
          %dma_wait3A_349 = tpu.memref_slice %arg12[%dma_wait3A_340] : memref<2x!tpu.dma_semaphore, #tpu.memory_space<semaphore_mem>> -> memref<1x!tpu.dma_semaphore, #tpu.memory_space<semaphore_mem>>
          %dma_wait3A_350 = tpu.memref_squeeze %dma_wait3A_349 : memref<1x!tpu.dma_semaphore, #tpu.memory_space<semaphore_mem>> -> memref<!tpu.dma_semaphore, #tpu.memory_space<semaphore_mem>>
          %dma_wait3A_351 = arith.constant 0 : i32
          %dma_wait3A_352 = arith.constant 0 : i32
          %dma_wait3A_353 = tpu.memref_slice %arg7[%dma_wait3A_339, %dma_wait3A_351, %dma_wait3A_352] : memref<2x10x40xi32, #tpu.memory_space<vmem>> -> memref<1x10x40xi32, #tpu.memory_space<vmem>>
          %dma_wait3A_354 = tpu.memref_squeeze %dma_wait3A_353 : memref<1x10x40xi32, #tpu.memory_space<vmem>> -> memref<10x40xi32, #tpu.memory_space<vmem>>
          %dma_wait3A_355 = arith.constant 0 : i32
          %dma_wait3A_356 = arith.constant 0 : i32
          %dma_wait3A_357 = tpu.memref_slice %arg4[%add3A, %dma_wait3A_338, %dma_wait3A_355, %dma_wait3A_356] : memref<32x25x10x40xi32, #tpu.memory_space<hbm>> -> memref<1x1x10x40xi32, #tpu.memory_space<hbm>>
          %dma_wait3A_358 = tpu.memref_squeeze %dma_wait3A_357 : memref<1x1x10x40xi32, #tpu.memory_space<hbm>> -> memref<10x40xi32, #tpu.memory_space<hbm>>
          tpu.wait_dma2 semaphore(%dma_wait3A_350 : memref<!tpu.dma_semaphore, #tpu.memory_space<semaphore_mem>>) src(%dma_wait3A_358 : memref<10x40xi32, #tpu.memory_space<hbm>>) dst(%dma_wait3A_354 : memref<10x40xi32, #tpu.memory_space<vmem>>)
        } else {
        }
        %dma_start3A_305 = arith.constant 0 : i32
        %dma_start3A_306 = arith.constant 0 : i32
        %dma_start3A_307 = tpu.memref_slice %arg8[%rem3A_272, %dma_start3A_305, %dma_start3A_306] : memref<7x40x128xf32, #tpu.memory_space<vmem>> -> memref<1x40x128xf32, #tpu.memory_space<vmem>>
        %dma_start3A_308 = tpu.memref_squeeze %dma_start3A_307 : memref<1x40x128xf32, #tpu.memory_space<vmem>> -> memref<40x128xf32, #tpu.memory_space<vmem>>
        %dma_start3A_309 = arith.constant 0 : i32
        %dma_start3A_310 = tpu.memref_slice %arg6[%rem3A_299, %rem3A_295, %dma_start3A_309] : memref<2x10x40xi32, #tpu.memory_space<vmem>> -> memref<1x1x40xi32, #tpu.memory_space<vmem>>
        %dma_start3A_311 = tpu.memref_squeeze %dma_start3A_310 : memref<1x1x40xi32, #tpu.memory_space<vmem>> -> memref<40xi32, #tpu.memory_space<vmem>>
        %dma_start3A_312 = arith.constant 0 : i32
        %dma_start3A_313 = arith.constant 0 : i32
        %dma_start3A_314 = tpu.memref_slice %arg2[%dma_start3A_312, %dma_start3A_313] : memref<10000x128xf32, #tpu.memory_space<hbm>> -> memref<10000x128xf32, #tpu.memory_space<hbm>>
        %dma_start3A_315 = tpu.memref_slice %arg10[%rem3A_272] : memref<7x!tpu.dma_semaphore, #tpu.memory_space<semaphore_mem>> -> memref<1x!tpu.dma_semaphore, #tpu.memory_space<semaphore_mem>>
        %dma_start3A_316 = tpu.memref_squeeze %dma_start3A_315 : memref<1x!tpu.dma_semaphore, #tpu.memory_space<semaphore_mem>> -> memref<!tpu.dma_semaphore, #tpu.memory_space<semaphore_mem>>
        tpu.enqueue_indirect_dma source(%dma_start3A_314 : memref<10000x128xf32, #tpu.memory_space<hbm>>) target(%dma_start3A_308 : memref<40x128xf32, #tpu.memory_space<vmem>>) offsets(%dma_start3A_311 : memref<40xi32, #tpu.memory_space<vmem>>) semaphore(%dma_start3A_316 : memref<!tpu.dma_semaphore, #tpu.memory_space<semaphore_mem>>)
      } else {
      }
    }
    %scan3A_206 = arith.constant 250 : i32
    %rem3A = arith.constant 249 : i32
    %rem3A_207 = arith.constant 7 : i32
    %rem3A_208 = arith.remsi %rem3A, %rem3A_207 : i32
    %rem3A_209 = arith.constant 249 : i32
    %rem3A_210 = arith.constant 7 : i32
    %rem3A_211 = arith.remsi %rem3A_209, %rem3A_210 : i32
    %dma_wait3A_212 = arith.constant 0 : i32
    %dma_wait3A_213 = arith.constant 0 : i32
    %dma_wait3A_214 = arith.constant 0 : i32
    %dma_wait3A_215 = arith.constant 0 : i32
    %dma_wait3A_216 = tpu.memref_slice %arg8[%rem3A_208, %dma_wait3A_214, %dma_wait3A_215] : memref<7x40x128xf32, #tpu.memory_space<vmem>> -> memref<1x40x128xf32, #tpu.memory_space<vmem>>
    %dma_wait3A_217 = tpu.memref_squeeze %dma_wait3A_216 : memref<1x40x128xf32, #tpu.memory_space<vmem>> -> memref<40x128xf32, #tpu.memory_space<vmem>>
    %dma_wait3A_218 = arith.constant 0 : i32
    %dma_wait3A_219 = tpu.memref_slice %arg7[%dma_wait3A_212, %dma_wait3A_213, %dma_wait3A_218] : memref<2x10x40xi32, #tpu.memory_space<vmem>> -> memref<1x1x40xi32, #tpu.memory_space<vmem>>
    %dma_wait3A_220 = tpu.memref_squeeze %dma_wait3A_219 : memref<1x1x40xi32, #tpu.memory_space<vmem>> -> memref<40xi32, #tpu.memory_space<vmem>>
    %dma_wait3A_221 = arith.constant 0 : i32
    %dma_wait3A_222 = arith.constant 0 : i32
    %dma_wait3A_223 = tpu.memref_slice %arg9[%dma_wait3A_221, %dma_wait3A_222] : memref<10000x128xf32, #tpu.memory_space<vmem_shared>> -> memref<10000x128xf32, #tpu.memory_space<vmem_shared>>
    %dma_wait3A_224 = tpu.memref_slice %arg11[%rem3A_211] : memref<7x!tpu.dma_semaphore, #tpu.memory_space<semaphore_mem>> -> memref<1x!tpu.dma_semaphore, #tpu.memory_space<semaphore_mem>>
    %dma_wait3A_225 = tpu.memref_squeeze %dma_wait3A_224 : memref<1x!tpu.dma_semaphore, #tpu.memory_space<semaphore_mem>> -> memref<!tpu.dma_semaphore, #tpu.memory_space<semaphore_mem>>
    tpu.wait_indirect_dma semaphore(%dma_wait3A_225 : memref<!tpu.dma_semaphore, #tpu.memory_space<semaphore_mem>>) src(%dma_wait3A_217 : memref<40x128xf32, #tpu.memory_space<vmem>>) dst(%dma_wait3A_223 : memref<10000x128xf32, #tpu.memory_space<vmem_shared>>)
    %barrier3A_226 = arith.constant 0 : index
    tpu.barrier barrier_id(%barrier3A_226)
    %mul3A_227 = arith.constant 624 : i32
    %mul3A_228 = arith.muli %arg1, %mul3A_227 : i32
    %mul3A_229 = arith.constant 624 : i32
    %mul3A_230 = arith.muli %arg1, %mul3A_229 : i32
    "tpu.region"() ({
      %run_scoped3A = tpu.sem_alloc : memref<!tpu.dma_semaphore, #tpu.memory_space<semaphore_mem>>
      %dma_start3A_236 = arith.constant 0 : i32
      %dma_start3A_237 = tpu.memref_slice %arg5[%arg0, %mul3A_230, %dma_start3A_236] : memref<2x10000x128xf32, #tpu.memory_space<hbm>> -> memref<1x624x128xf32, #tpu.memory_space<hbm>>
      %dma_start3A_238 = tpu.memref_squeeze %dma_start3A_237 : memref<1x624x128xf32, #tpu.memory_space<hbm>> -> memref<624x128xf32, #tpu.memory_space<hbm>>
      %dma_start3A_239 = arith.constant 0 : i32
      %dma_start3A_240 = tpu.memref_slice %arg9[%mul3A_228, %dma_start3A_239] : memref<10000x128xf32, #tpu.memory_space<vmem_shared>> -> memref<624x128xf32, #tpu.memory_space<vmem_shared>>
      tpu.enqueue_dma source(%dma_start3A_240 : memref<624x128xf32, #tpu.memory_space<vmem_shared>>) target(%dma_start3A_238 : memref<624x128xf32, #tpu.memory_space<hbm>>) target_semaphore(%run_scoped3A : memref<!tpu.dma_semaphore, #tpu.memory_space<semaphore_mem>>)
      %dma_wait3A_241 = arith.constant 0 : i32
      %dma_wait3A_242 = tpu.memref_slice %arg5[%arg0, %mul3A_230, %dma_wait3A_241] : memref<2x10000x128xf32, #tpu.memory_space<hbm>> -> memref<1x624x128xf32, #tpu.memory_space<hbm>>
      %dma_wait3A_243 = tpu.memref_squeeze %dma_wait3A_242 : memref<1x624x128xf32, #tpu.memory_space<hbm>> -> memref<624x128xf32, #tpu.memory_space<hbm>>
      %dma_wait3A_244 = arith.constant 0 : i32
      %dma_wait3A_245 = tpu.memref_slice %arg9[%mul3A_228, %dma_wait3A_244] : memref<10000x128xf32, #tpu.memory_space<vmem_shared>> -> memref<624x128xf32, #tpu.memory_space<vmem_shared>>
      tpu.wait_dma2 semaphore(%run_scoped3A : memref<!tpu.dma_semaphore, #tpu.memory_space<semaphore_mem>>) src(%dma_wait3A_245 : memref<624x128xf32, #tpu.memory_space<vmem_shared>>) dst(%dma_wait3A_243 : memref<624x128xf32, #tpu.memory_space<hbm>>)
      tpu.yield
    }) : () -> ()
    %eq3A_231 = arith.constant 0 : i32
    %eq3A_232 = arith.cmpi eq, %arg1, %eq3A_231 : i32
    %convert_element_type3A_233 = arith.extui %eq3A_232 : i1 to i32
    %cond3A_234 = arith.constant 0 : i32
    %cond3A_235 = arith.cmpi ne, %convert_element_type3A_233, %cond3A_234 : i32
    scf.if %cond3A_235 {
      "tpu.region"() ({
        %run_scoped3A = tpu.sem_alloc : memref<!tpu.dma_semaphore, #tpu.memory_space<semaphore_mem>>
        %dma_start3A_236 = arith.constant 9984 : i32
        %dma_start3A_237 = arith.constant 0 : i32
        %dma_start3A_238 = tpu.memref_slice %arg5[%arg0, %dma_start3A_236, %dma_start3A_237] : memref<2x10000x128xf32, #tpu.memory_space<hbm>> -> memref<1x16x128xf32, #tpu.memory_space<hbm>>
        %dma_start3A_239 = tpu.memref_squeeze %dma_start3A_238 : memref<1x16x128xf32, #tpu.memory_space<hbm>> -> memref<16x128xf32, #tpu.memory_space<hbm>>
        %dma_start3A_240 = arith.constant 9984 : i32
        %dma_start3A_241 = arith.constant 0 : i32
        %dma_start3A_242 = tpu.memref_slice %arg9[%dma_start3A_240, %dma_start3A_241] : memref<10000x128xf32, #tpu.memory_space<vmem_shared>> -> memref<16x128xf32, #tpu.memory_space<vmem_shared>>
        tpu.enqueue_dma source(%dma_start3A_242 : memref<16x128xf32, #tpu.memory_space<vmem_shared>>) target(%dma_start3A_239 : memref<16x128xf32, #tpu.memory_space<hbm>>) target_semaphore(%run_scoped3A : memref<!tpu.dma_semaphore, #tpu.memory_space<semaphore_mem>>)
        %dma_wait3A_243 = arith.constant 9984 : i32
        %dma_wait3A_244 = arith.constant 0 : i32
        %dma_wait3A_245 = tpu.memref_slice %arg5[%arg0, %dma_wait3A_243, %dma_wait3A_244] : memref<2x10000x128xf32, #tpu.memory_space<hbm>> -> memref<1x16x128xf32, #tpu.memory_space<hbm>>
        %dma_wait3A_246 = tpu.memref_squeeze %dma_wait3A_245 : memref<1x16x128xf32, #tpu.memory_space<hbm>> -> memref<16x128xf32, #tpu.memory_space<hbm>>
        %dma_wait3A_247 = arith.constant 9984 : i32
        %dma_wait3A_248 = arith.constant 0 : i32
        %dma_wait3A_249 = tpu.memref_slice %arg9[%dma_wait3A_247, %dma_wait3A_248] : memref<10000x128xf32, #tpu.memory_space<vmem_shared>> -> memref<16x128xf32, #tpu.memory_space<vmem_shared>>
        tpu.wait_dma2 semaphore(%run_scoped3A : memref<!tpu.dma_semaphore, #tpu.memory_space<semaphore_mem>>) src(%dma_wait3A_249 : memref<16x128xf32, #tpu.memory_space<vmem_shared>>) dst(%dma_wait3A_246 : memref<16x128xf32, #tpu.memory_space<hbm>>)
        tpu.yield
      }) : () -> ()
    } else {
    }
    return
  }
}

#map = affine_map<(d0, d1) -> (0, 0)>
#map1 = affine_map<(d0, d1) -> (0, 0, 0, 0)>
#map2 = affine_map<(d0, d1) -> (0, 0, 0)>
module attributes {stable_mosaic.version = 14 : i64} {
  func.func @agg(%arg0: i32, %arg1: i32, %arg2: memref<10000x128xf32, #tpu.memory_space<hbm>>, %arg3: memref<32x25x10x40xi32, #tpu.memory_space<hbm>>, %arg4: memref<32x25x10x40xi32, #tpu.memory_space<hbm>>, %arg5: memref<2x10000x128xf32, #tpu.memory_space<hbm>>, %arg6: memref<2x10x40xi32, #tpu.memory_space<vmem>>, %arg7: memref<2x10x40xi32, #tpu.memory_space<vmem>>, %arg8: memref<7x40x128xf32, #tpu.memory_space<vmem>>, %arg9: memref<10000x128xf32, #tpu.memory_space<vmem_shared>>, %arg10: memref<7x!tpu.dma_semaphore, #tpu.memory_space<semaphore_mem>>, %arg11: memref<7x!tpu.dma_semaphore, #tpu.memory_space<semaphore_mem>>, %arg12: memref<2x!tpu.dma_semaphore, #tpu.memory_space<semaphore_mem>>, %arg13: memref<!tpu.dma_semaphore, #tpu.memory_space<semaphore_mem>>) attributes {dimension_semantics = [#tpu.dimension_semantics<core_parallel>, #tpu.dimension_semantics<subcore_parallel>], iteration_bounds = array<i64: 2, 16>, scalar_prefetch = 0 : i64, scratch_operands = 8 : i64, tpu.core_type = #tpu.core_type<sc_vector_subcore>, window_params = [{transform_indices = #map}, {transform_indices = #map1}, {transform_indices = #map1}, {transform_indices = #map2}]} {
    %mul3A = arith.constant 2 : i32
    %mul3A_0 = arith.muli %arg1, %mul3A : i32
    %add3A = arith.addi %mul3A_0, %arg0 : i32
    %mul3A_1 = arith.constant 624 : i32
    %mul3A_2 = arith.muli %arg1, %mul3A_1 : i32
    %mul3A_3 = arith.constant 624 : i32
    %mul3A_4 = arith.muli %arg1, %mul3A_3 : i32
    %dma_start3A = arith.constant 0 : i32
    %dma_start3A_5 = tpu.memref_slice %arg9[%mul3A_4, %dma_start3A] : memref<10000x128xf32, #tpu.memory_space<vmem_shared>> -> memref<624x128xf32, #tpu.memory_space<vmem_shared>>
    %dma_start3A_6 = arith.constant 0 : i32
    %dma_start3A_7 = tpu.memref_slice %arg2[%mul3A_2, %dma_start3A_6] : memref<10000x128xf32, #tpu.memory_space<hbm>> -> memref<624x128xf32, #tpu.memory_space<hbm>>
    tpu.enqueue_dma source(%dma_start3A_7 : memref<624x128xf32, #tpu.memory_space<hbm>>) target(%dma_start3A_5 : memref<624x128xf32, #tpu.memory_space<vmem_shared>>) target_semaphore(%arg13 : memref<!tpu.dma_semaphore, #tpu.memory_space<semaphore_mem>>)
    %eq3A = arith.constant 0 : i32
    %eq3A_8 = arith.cmpi eq, %arg1, %eq3A : i32
    %convert_element_type3A = arith.extui %eq3A_8 : i1 to i32
    %cond3A = arith.constant 0 : i32
    %cond3A_9 = arith.cmpi ne, %convert_element_type3A, %cond3A : i32
    scf.if %cond3A_9 {
      %dma_start3A_236 = arith.constant 9984 : i32
      %dma_start3A_237 = arith.constant 0 : i32
      %dma_start3A_238 = tpu.memref_slice %arg9[%dma_start3A_236, %dma_start3A_237] : memref<10000x128xf32, #tpu.memory_space<vmem_shared>> -> memref<16x128xf32, #tpu.memory_space<vmem_shared>>
      %dma_start3A_239 = arith.constant 9984 : i32
      %dma_start3A_240 = arith.constant 0 : i32
      %dma_start3A_241 = tpu.memref_slice %arg2[%dma_start3A_239, %dma_start3A_240] : memref<10000x128xf32, #tpu.memory_space<hbm>> -> memref<16x128xf32, #tpu.memory_space<hbm>>
      tpu.enqueue_dma source(%dma_start3A_241 : memref<16x128xf32, #tpu.memory_space<hbm>>) target(%dma_start3A_238 : memref<16x128xf32, #tpu.memory_space<vmem_shared>>) target_semaphore(%arg13 : memref<!tpu.dma_semaphore, #tpu.memory_space<semaphore_mem>>)
    } else {
    }
    %dma_start3A_10 = arith.constant 0 : i32
    %dma_start3A_11 = arith.constant 0 : i32
    %dma_start3A_12 = arith.constant 0 : i32
    %dma_start3A_13 = arith.constant 0 : i32
    %dma_start3A_14 = arith.constant 0 : i32
    %dma_start3A_15 = tpu.memref_slice %arg6[%dma_start3A_11, %dma_start3A_13, %dma_start3A_14] : memref<2x10x40xi32, #tpu.memory_space<vmem>> -> memref<1x10x40xi32, #tpu.memory_space<vmem>>
    %dma_start3A_16 = tpu.memref_squeeze %dma_start3A_15 : memref<1x10x40xi32, #tpu.memory_space<vmem>> -> memref<10x40xi32, #tpu.memory_space<vmem>>
    %dma_start3A_17 = arith.constant 0 : i32
    %dma_start3A_18 = arith.constant 0 : i32
    %dma_start3A_19 = tpu.memref_slice %arg3[%add3A, %dma_start3A_10, %dma_start3A_17, %dma_start3A_18] : memref<32x25x10x40xi32, #tpu.memory_space<hbm>> -> memref<1x1x10x40xi32, #tpu.memory_space<hbm>>
    %dma_start3A_20 = tpu.memref_squeeze %dma_start3A_19 : memref<1x1x10x40xi32, #tpu.memory_space<hbm>> -> memref<10x40xi32, #tpu.memory_space<hbm>>
    %dma_start3A_21 = tpu.memref_slice %arg12[%dma_start3A_12] : memref<2x!tpu.dma_semaphore, #tpu.memory_space<semaphore_mem>> -> memref<1x!tpu.dma_semaphore, #tpu.memory_space<semaphore_mem>>
    %dma_start3A_22 = tpu.memref_squeeze %dma_start3A_21 : memref<1x!tpu.dma_semaphore, #tpu.memory_space<semaphore_mem>> -> memref<!tpu.dma_semaphore, #tpu.memory_space<semaphore_mem>>
    %dma_start3A_23 = arith.constant 0 : i32
    %dma_start3A_24 = arith.constant 0 : i32
    %dma_start3A_25 = tpu.memref_slice %arg6[%dma_start3A_11, %dma_start3A_23, %dma_start3A_24] : memref<2x10x40xi32, #tpu.memory_space<vmem>> -> memref<1x10x40xi32, #tpu.memory_space<vmem>>
    %dma_start3A_26 = tpu.memref_squeeze %dma_start3A_25 : memref<1x10x40xi32, #tpu.memory_space<vmem>> -> memref<10x40xi32, #tpu.memory_space<vmem>>
    %dma_start3A_27 = arith.constant 0 : i32
    %dma_start3A_28 = arith.constant 0 : i32
    %dma_start3A_29 = tpu.memref_slice %arg3[%add3A, %dma_start3A_10, %dma_start3A_27, %dma_start3A_28] : memref<32x25x10x40xi32, #tpu.memory_space<hbm>> -> memref<1x1x10x40xi32, #tpu.memory_space<hbm>>
    %dma_start3A_30 = tpu.memref_squeeze %dma_start3A_29 : memref<1x1x10x40xi32, #tpu.memory_space<hbm>> -> memref<10x40xi32, #tpu.memory_space<hbm>>
    tpu.enqueue_dma source(%dma_start3A_30 : memref<10x40xi32, #tpu.memory_space<hbm>>) target(%dma_start3A_26 : memref<10x40xi32, #tpu.memory_space<vmem>>) target_semaphore(%dma_start3A_22 : memref<!tpu.dma_semaphore, #tpu.memory_space<semaphore_mem>>)
    %dma_start3A_31 = arith.constant 0 : i32
    %dma_start3A_32 = arith.constant 0 : i32
    %dma_start3A_33 = arith.constant 1 : i32
    %dma_start3A_34 = arith.constant 0 : i32
    %dma_start3A_35 = arith.constant 0 : i32
    %dma_start3A_36 = tpu.memref_slice %arg7[%dma_start3A_32, %dma_start3A_34, %dma_start3A_35] : memref<2x10x40xi32, #tpu.memory_space<vmem>> -> memref<1x10x40xi32, #tpu.memory_space<vmem>>
    %dma_start3A_37 = tpu.memref_squeeze %dma_start3A_36 : memref<1x10x40xi32, #tpu.memory_space<vmem>> -> memref<10x40xi32, #tpu.memory_space<vmem>>
    %dma_start3A_38 = arith.constant 0 : i32
    %dma_start3A_39 = arith.constant 0 : i32
    %dma_start3A_40 = tpu.memref_slice %arg4[%add3A, %dma_start3A_31, %dma_start3A_38, %dma_start3A_39] : memref<32x25x10x40xi32, #tpu.memory_space<hbm>> -> memref<1x1x10x40xi32, #tpu.memory_space<hbm>>
    %dma_start3A_41 = tpu.memref_squeeze %dma_start3A_40 : memref<1x1x10x40xi32, #tpu.memory_space<hbm>> -> memref<10x40xi32, #tpu.memory_space<hbm>>
    %dma_start3A_42 = tpu.memref_slice %arg12[%dma_start3A_33] : memref<2x!tpu.dma_semaphore, #tpu.memory_space<semaphore_mem>> -> memref<1x!tpu.dma_semaphore, #tpu.memory_space<semaphore_mem>>
    %dma_start3A_43 = tpu.memref_squeeze %dma_start3A_42 : memref<1x!tpu.dma_semaphore, #tpu.memory_space<semaphore_mem>> -> memref<!tpu.dma_semaphore, #tpu.memory_space<semaphore_mem>>
    %dma_start3A_44 = arith.constant 0 : i32
    %dma_start3A_45 = arith.constant 0 : i32
    %dma_start3A_46 = tpu.memref_slice %arg7[%dma_start3A_32, %dma_start3A_44, %dma_start3A_45] : memref<2x10x40xi32, #tpu.memory_space<vmem>> -> memref<1x10x40xi32, #tpu.memory_space<vmem>>
    %dma_start3A_47 = tpu.memref_squeeze %dma_start3A_46 : memref<1x10x40xi32, #tpu.memory_space<vmem>> -> memref<10x40xi32, #tpu.memory_space<vmem>>
    %dma_start3A_48 = arith.constant 0 : i32
    %dma_start3A_49 = arith.constant 0 : i32
    %dma_start3A_50 = tpu.memref_slice %arg4[%add3A, %dma_start3A_31, %dma_start3A_48, %dma_start3A_49] : memref<32x25x10x40xi32, #tpu.memory_space<hbm>> -> memref<1x1x10x40xi32, #tpu.memory_space<hbm>>
    %dma_start3A_51 = tpu.memref_squeeze %dma_start3A_50 : memref<1x1x10x40xi32, #tpu.memory_space<hbm>> -> memref<10x40xi32, #tpu.memory_space<hbm>>
    tpu.enqueue_dma source(%dma_start3A_51 : memref<10x40xi32, #tpu.memory_space<hbm>>) target(%dma_start3A_47 : memref<10x40xi32, #tpu.memory_space<vmem>>) target_semaphore(%dma_start3A_43 : memref<!tpu.dma_semaphore, #tpu.memory_space<semaphore_mem>>)
    %dma_wait3A = arith.constant 0 : i32
    %dma_wait3A_52 = arith.constant 0 : i32
    %dma_wait3A_53 = arith.constant 0 : i32
    %dma_wait3A_54 = arith.constant 0 : i32
    %dma_wait3A_55 = arith.constant 0 : i32
    %dma_wait3A_56 = tpu.memref_slice %arg6[%dma_wait3A_52, %dma_wait3A_54, %dma_wait3A_55] : memref<2x10x40xi32, #tpu.memory_space<vmem>> -> memref<1x10x40xi32, #tpu.memory_space<vmem>>
    %dma_wait3A_57 = tpu.memref_squeeze %dma_wait3A_56 : memref<1x10x40xi32, #tpu.memory_space<vmem>> -> memref<10x40xi32, #tpu.memory_space<vmem>>
    %dma_wait3A_58 = arith.constant 0 : i32
    %dma_wait3A_59 = arith.constant 0 : i32
    %dma_wait3A_60 = tpu.memref_slice %arg3[%add3A, %dma_wait3A, %dma_wait3A_58, %dma_wait3A_59] : memref<32x25x10x40xi32, #tpu.memory_space<hbm>> -> memref<1x1x10x40xi32, #tpu.memory_space<hbm>>
    %dma_wait3A_61 = tpu.memref_squeeze %dma_wait3A_60 : memref<1x1x10x40xi32, #tpu.memory_space<hbm>> -> memref<10x40xi32, #tpu.memory_space<hbm>>
    %dma_wait3A_62 = tpu.memref_slice %arg12[%dma_wait3A_53] : memref<2x!tpu.dma_semaphore, #tpu.memory_space<semaphore_mem>> -> memref<1x!tpu.dma_semaphore, #tpu.memory_space<semaphore_mem>>
    %dma_wait3A_63 = tpu.memref_squeeze %dma_wait3A_62 : memref<1x!tpu.dma_semaphore, #tpu.memory_space<semaphore_mem>> -> memref<!tpu.dma_semaphore, #tpu.memory_space<semaphore_mem>>
    %dma_wait3A_64 = arith.constant 0 : i32
    %dma_wait3A_65 = arith.constant 0 : i32
    %dma_wait3A_66 = tpu.memref_slice %arg6[%dma_wait3A_52, %dma_wait3A_64, %dma_wait3A_65] : memref<2x10x40xi32, #tpu.memory_space<vmem>> -> memref<1x10x40xi32, #tpu.memory_space<vmem>>
    %dma_wait3A_67 = tpu.memref_squeeze %dma_wait3A_66 : memref<1x10x40xi32, #tpu.memory_space<vmem>> -> memref<10x40xi32, #tpu.memory_space<vmem>>
    %dma_wait3A_68 = arith.constant 0 : i32
    %dma_wait3A_69 = arith.constant 0 : i32
    %dma_wait3A_70 = tpu.memref_slice %arg3[%add3A, %dma_wait3A, %dma_wait3A_68, %dma_wait3A_69] : memref<32x25x10x40xi32, #tpu.memory_space<hbm>> -> memref<1x1x10x40xi32, #tpu.memory_space<hbm>>
    %dma_wait3A_71 = tpu.memref_squeeze %dma_wait3A_70 : memref<1x1x10x40xi32, #tpu.memory_space<hbm>> -> memref<10x40xi32, #tpu.memory_space<hbm>>
    tpu.wait_dma2 semaphore(%dma_wait3A_63 : memref<!tpu.dma_semaphore, #tpu.memory_space<semaphore_mem>>) src(%dma_wait3A_71 : memref<10x40xi32, #tpu.memory_space<hbm>>) dst(%dma_wait3A_67 : memref<10x40xi32, #tpu.memory_space<vmem>>)
    %dma_wait3A_72 = arith.constant 0 : i32
    %dma_wait3A_73 = arith.constant 0 : i32
    %dma_wait3A_74 = arith.constant 1 : i32
    %dma_wait3A_75 = arith.constant 0 : i32
    %dma_wait3A_76 = arith.constant 0 : i32
    %dma_wait3A_77 = tpu.memref_slice %arg7[%dma_wait3A_73, %dma_wait3A_75, %dma_wait3A_76] : memref<2x10x40xi32, #tpu.memory_space<vmem>> -> memref<1x10x40xi32, #tpu.memory_space<vmem>>
    %dma_wait3A_78 = tpu.memref_squeeze %dma_wait3A_77 : memref<1x10x40xi32, #tpu.memory_space<vmem>> -> memref<10x40xi32, #tpu.memory_space<vmem>>
    %dma_wait3A_79 = arith.constant 0 : i32
    %dma_wait3A_80 = arith.constant 0 : i32
    %dma_wait3A_81 = tpu.memref_slice %arg4[%add3A, %dma_wait3A_72, %dma_wait3A_79, %dma_wait3A_80] : memref<32x25x10x40xi32, #tpu.memory_space<hbm>> -> memref<1x1x10x40xi32, #tpu.memory_space<hbm>>
    %dma_wait3A_82 = tpu.memref_squeeze %dma_wait3A_81 : memref<1x1x10x40xi32, #tpu.memory_space<hbm>> -> memref<10x40xi32, #tpu.memory_space<hbm>>
    %dma_wait3A_83 = tpu.memref_slice %arg12[%dma_wait3A_74] : memref<2x!tpu.dma_semaphore, #tpu.memory_space<semaphore_mem>> -> memref<1x!tpu.dma_semaphore, #tpu.memory_space<semaphore_mem>>
    %dma_wait3A_84 = tpu.memref_squeeze %dma_wait3A_83 : memref<1x!tpu.dma_semaphore, #tpu.memory_space<semaphore_mem>> -> memref<!tpu.dma_semaphore, #tpu.memory_space<semaphore_mem>>
    %dma_wait3A_85 = arith.constant 0 : i32
    %dma_wait3A_86 = arith.constant 0 : i32
    %dma_wait3A_87 = tpu.memref_slice %arg7[%dma_wait3A_73, %dma_wait3A_85, %dma_wait3A_86] : memref<2x10x40xi32, #tpu.memory_space<vmem>> -> memref<1x10x40xi32, #tpu.memory_space<vmem>>
    %dma_wait3A_88 = tpu.memref_squeeze %dma_wait3A_87 : memref<1x10x40xi32, #tpu.memory_space<vmem>> -> memref<10x40xi32, #tpu.memory_space<vmem>>
    %dma_wait3A_89 = arith.constant 0 : i32
    %dma_wait3A_90 = arith.constant 0 : i32
    %dma_wait3A_91 = tpu.memref_slice %arg4[%add3A, %dma_wait3A_72, %dma_wait3A_89, %dma_wait3A_90] : memref<32x25x10x40xi32, #tpu.memory_space<hbm>> -> memref<1x1x10x40xi32, #tpu.memory_space<hbm>>
    %dma_wait3A_92 = tpu.memref_squeeze %dma_wait3A_91 : memref<1x1x10x40xi32, #tpu.memory_space<hbm>> -> memref<10x40xi32, #tpu.memory_space<hbm>>
    tpu.wait_dma2 semaphore(%dma_wait3A_84 : memref<!tpu.dma_semaphore, #tpu.memory_space<semaphore_mem>>) src(%dma_wait3A_92 : memref<10x40xi32, #tpu.memory_space<hbm>>) dst(%dma_wait3A_88 : memref<10x40xi32, #tpu.memory_space<vmem>>)
    %dma_start3A_93 = arith.constant 0 : i32
    %dma_start3A_94 = arith.constant 0 : i32
    %dma_start3A_95 = arith.constant 0 : i32
    %dma_start3A_96 = arith.constant 0 : i32
    %dma_start3A_97 = arith.constant 0 : i32
    %dma_start3A_98 = arith.constant 0 : i32
    %dma_start3A_99 = tpu.memref_slice %arg8[%dma_start3A_95, %dma_start3A_97, %dma_start3A_98] : memref<7x40x128xf32, #tpu.memory_space<vmem>> -> memref<1x40x128xf32, #tpu.memory_space<vmem>>
    %dma_start3A_100 = tpu.memref_squeeze %dma_start3A_99 : memref<1x40x128xf32, #tpu.memory_space<vmem>> -> memref<40x128xf32, #tpu.memory_space<vmem>>
    %dma_start3A_101 = arith.constant 0 : i32
    %dma_start3A_102 = tpu.memref_slice %arg6[%dma_start3A_93, %dma_start3A_94, %dma_start3A_101] : memref<2x10x40xi32, #tpu.memory_space<vmem>> -> memref<1x1x40xi32, #tpu.memory_space<vmem>>
    %dma_start3A_103 = tpu.memref_squeeze %dma_start3A_102 : memref<1x1x40xi32, #tpu.memory_space<vmem>> -> memref<40xi32, #tpu.memory_space<vmem>>
    %dma_start3A_104 = arith.constant 0 : i32
    %dma_start3A_105 = arith.constant 0 : i32
    %dma_start3A_106 = tpu.memref_slice %arg2[%dma_start3A_104, %dma_start3A_105] : memref<10000x128xf32, #tpu.memory_space<hbm>> -> memref<10000x128xf32, #tpu.memory_space<hbm>>
    %dma_start3A_107 = tpu.memref_slice %arg10[%dma_start3A_96] : memref<7x!tpu.dma_semaphore, #tpu.memory_space<semaphore_mem>> -> memref<1x!tpu.dma_semaphore, #tpu.memory_space<semaphore_mem>>
    %dma_start3A_108 = tpu.memref_squeeze %dma_start3A_107 : memref<1x!tpu.dma_semaphore, #tpu.memory_space<semaphore_mem>> -> memref<!tpu.dma_semaphore, #tpu.memory_space<semaphore_mem>>
    tpu.enqueue_indirect_dma source(%dma_start3A_106 : memref<10000x128xf32, #tpu.memory_space<hbm>>) target(%dma_start3A_100 : memref<40x128xf32, #tpu.memory_space<vmem>>) offsets(%dma_start3A_103 : memref<40xi32, #tpu.memory_space<vmem>>) semaphore(%dma_start3A_108 : memref<!tpu.dma_semaphore, #tpu.memory_space<semaphore_mem>>)
    %dma_start3A_109 = arith.constant 0 : i32
    %dma_start3A_110 = arith.constant 1 : i32
    %dma_start3A_111 = arith.constant 1 : i32
    %dma_start3A_112 = arith.constant 1 : i32
    %dma_start3A_113 = arith.constant 0 : i32
    %dma_start3A_114 = arith.constant 0 : i32
    %dma_start3A_115 = tpu.memref_slice %arg8[%dma_start3A_111, %dma_start3A_113, %dma_start3A_114] : memref<7x40x128xf32, #tpu.memory_space<vmem>> -> memref<1x40x128xf32, #tpu.memory_space<vmem>>
    %dma_start3A_116 = tpu.memref_squeeze %dma_start3A_115 : memref<1x40x128xf32, #tpu.memory_space<vmem>> -> memref<40x128xf32, #tpu.memory_space<vmem>>
    %dma_start3A_117 = arith.constant 0 : i32
    %dma_start3A_118 = tpu.memref_slice %arg6[%dma_start3A_109, %dma_start3A_110, %dma_start3A_117] : memref<2x10x40xi32, #tpu.memory_space<vmem>> -> memref<1x1x40xi32, #tpu.memory_space<vmem>>
    %dma_start3A_119 = tpu.memref_squeeze %dma_start3A_118 : memref<1x1x40xi32, #tpu.memory_space<vmem>> -> memref<40xi32, #tpu.memory_space<vmem>>
    %dma_start3A_120 = arith.constant 0 : i32
    %dma_start3A_121 = arith.constant 0 : i32
    %dma_start3A_122 = tpu.memref_slice %arg2[%dma_start3A_120, %dma_start3A_121] : memref<10000x128xf32, #tpu.memory_space<hbm>> -> memref<10000x128xf32, #tpu.memory_space<hbm>>
    %dma_start3A_123 = tpu.memref_slice %arg10[%dma_start3A_112] : memref<7x!tpu.dma_semaphore, #tpu.memory_space<semaphore_mem>> -> memref<1x!tpu.dma_semaphore, #tpu.memory_space<semaphore_mem>>
    %dma_start3A_124 = tpu.memref_squeeze %dma_start3A_123 : memref<1x!tpu.dma_semaphore, #tpu.memory_space<semaphore_mem>> -> memref<!tpu.dma_semaphore, #tpu.memory_space<semaphore_mem>>
    tpu.enqueue_indirect_dma source(%dma_start3A_122 : memref<10000x128xf32, #tpu.memory_space<hbm>>) target(%dma_start3A_116 : memref<40x128xf32, #tpu.memory_space<vmem>>) offsets(%dma_start3A_119 : memref<40xi32, #tpu.memory_space<vmem>>) semaphore(%dma_start3A_124 : memref<!tpu.dma_semaphore, #tpu.memory_space<semaphore_mem>>)
    %dma_start3A_125 = arith.constant 0 : i32
    %dma_start3A_126 = arith.constant 2 : i32
    %dma_start3A_127 = arith.constant 2 : i32
    %dma_start3A_128 = arith.constant 2 : i32
    %dma_start3A_129 = arith.constant 0 : i32
    %dma_start3A_130 = arith.constant 0 : i32
    %dma_start3A_131 = tpu.memref_slice %arg8[%dma_start3A_127, %dma_start3A_129, %dma_start3A_130] : memref<7x40x128xf32, #tpu.memory_space<vmem>> -> memref<1x40x128xf32, #tpu.memory_space<vmem>>
    %dma_start3A_132 = tpu.memref_squeeze %dma_start3A_131 : memref<1x40x128xf32, #tpu.memory_space<vmem>> -> memref<40x128xf32, #tpu.memory_space<vmem>>
    %dma_start3A_133 = arith.constant 0 : i32
    %dma_start3A_134 = tpu.memref_slice %arg6[%dma_start3A_125, %dma_start3A_126, %dma_start3A_133] : memref<2x10x40xi32, #tpu.memory_space<vmem>> -> memref<1x1x40xi32, #tpu.memory_space<vmem>>
    %dma_start3A_135 = tpu.memref_squeeze %dma_start3A_134 : memref<1x1x40xi32, #tpu.memory_space<vmem>> -> memref<40xi32, #tpu.memory_space<vmem>>
    %dma_start3A_136 = arith.constant 0 : i32
    %dma_start3A_137 = arith.constant 0 : i32
    %dma_start3A_138 = tpu.memref_slice %arg2[%dma_start3A_136, %dma_start3A_137] : memref<10000x128xf32, #tpu.memory_space<hbm>> -> memref<10000x128xf32, #tpu.memory_space<hbm>>
    %dma_start3A_139 = tpu.memref_slice %arg10[%dma_start3A_128] : memref<7x!tpu.dma_semaphore, #tpu.memory_space<semaphore_mem>> -> memref<1x!tpu.dma_semaphore, #tpu.memory_space<semaphore_mem>>
    %dma_start3A_140 = tpu.memref_squeeze %dma_start3A_139 : memref<1x!tpu.dma_semaphore, #tpu.memory_space<semaphore_mem>> -> memref<!tpu.dma_semaphore, #tpu.memory_space<semaphore_mem>>
    tpu.enqueue_indirect_dma source(%dma_start3A_138 : memref<10000x128xf32, #tpu.memory_space<hbm>>) target(%dma_start3A_132 : memref<40x128xf32, #tpu.memory_space<vmem>>) offsets(%dma_start3A_135 : memref<40xi32, #tpu.memory_space<vmem>>) semaphore(%dma_start3A_140 : memref<!tpu.dma_semaphore, #tpu.memory_space<semaphore_mem>>)
    %dma_start3A_141 = arith.constant 0 : i32
    %dma_start3A_142 = arith.constant 3 : i32
    %dma_start3A_143 = arith.constant 3 : i32
    %dma_start3A_144 = arith.constant 3 : i32
    %dma_start3A_145 = arith.constant 0 : i32
    %dma_start3A_146 = arith.constant 0 : i32
    %dma_start3A_147 = tpu.memref_slice %arg8[%dma_start3A_143, %dma_start3A_145, %dma_start3A_146] : memref<7x40x128xf32, #tpu.memory_space<vmem>> -> memref<1x40x128xf32, #tpu.memory_space<vmem>>
    %dma_start3A_148 = tpu.memref_squeeze %dma_start3A_147 : memref<1x40x128xf32, #tpu.memory_space<vmem>> -> memref<40x128xf32, #tpu.memory_space<vmem>>
    %dma_start3A_149 = arith.constant 0 : i32
    %dma_start3A_150 = tpu.memref_slice %arg6[%dma_start3A_141, %dma_start3A_142, %dma_start3A_149] : memref<2x10x40xi32, #tpu.memory_space<vmem>> -> memref<1x1x40xi32, #tpu.memory_space<vmem>>
    %dma_start3A_151 = tpu.memref_squeeze %dma_start3A_150 : memref<1x1x40xi32, #tpu.memory_space<vmem>> -> memref<40xi32, #tpu.memory_space<vmem>>
    %dma_start3A_152 = arith.constant 0 : i32
    %dma_start3A_153 = arith.constant 0 : i32
    %dma_start3A_154 = tpu.memref_slice %arg2[%dma_start3A_152, %dma_start3A_153] : memref<10000x128xf32, #tpu.memory_space<hbm>> -> memref<10000x128xf32, #tpu.memory_space<hbm>>
    %dma_start3A_155 = tpu.memref_slice %arg10[%dma_start3A_144] : memref<7x!tpu.dma_semaphore, #tpu.memory_space<semaphore_mem>> -> memref<1x!tpu.dma_semaphore, #tpu.memory_space<semaphore_mem>>
    %dma_start3A_156 = tpu.memref_squeeze %dma_start3A_155 : memref<1x!tpu.dma_semaphore, #tpu.memory_space<semaphore_mem>> -> memref<!tpu.dma_semaphore, #tpu.memory_space<semaphore_mem>>
    tpu.enqueue_indirect_dma source(%dma_start3A_154 : memref<10000x128xf32, #tpu.memory_space<hbm>>) target(%dma_start3A_148 : memref<40x128xf32, #tpu.memory_space<vmem>>) offsets(%dma_start3A_151 : memref<40xi32, #tpu.memory_space<vmem>>) semaphore(%dma_start3A_156 : memref<!tpu.dma_semaphore, #tpu.memory_space<semaphore_mem>>)
    %dma_start3A_157 = arith.constant 0 : i32
    %dma_start3A_158 = arith.constant 4 : i32
    %dma_start3A_159 = arith.constant 4 : i32
    %dma_start3A_160 = arith.constant 4 : i32
    %dma_start3A_161 = arith.constant 0 : i32
    %dma_start3A_162 = arith.constant 0 : i32
    %dma_start3A_163 = tpu.memref_slice %arg8[%dma_start3A_159, %dma_start3A_161, %dma_start3A_162] : memref<7x40x128xf32, #tpu.memory_space<vmem>> -> memref<1x40x128xf32, #tpu.memory_space<vmem>>
    %dma_start3A_164 = tpu.memref_squeeze %dma_start3A_163 : memref<1x40x128xf32, #tpu.memory_space<vmem>> -> memref<40x128xf32, #tpu.memory_space<vmem>>
    %dma_start3A_165 = arith.constant 0 : i32
    %dma_start3A_166 = tpu.memref_slice %arg6[%dma_start3A_157, %dma_start3A_158, %dma_start3A_165] : memref<2x10x40xi32, #tpu.memory_space<vmem>> -> memref<1x1x40xi32, #tpu.memory_space<vmem>>
    %dma_start3A_167 = tpu.memref_squeeze %dma_start3A_166 : memref<1x1x40xi32, #tpu.memory_space<vmem>> -> memref<40xi32, #tpu.memory_space<vmem>>
    %dma_start3A_168 = arith.constant 0 : i32
    %dma_start3A_169 = arith.constant 0 : i32
    %dma_start3A_170 = tpu.memref_slice %arg2[%dma_start3A_168, %dma_start3A_169] : memref<10000x128xf32, #tpu.memory_space<hbm>> -> memref<10000x128xf32, #tpu.memory_space<hbm>>
    %dma_start3A_171 = tpu.memref_slice %arg10[%dma_start3A_160] : memref<7x!tpu.dma_semaphore, #tpu.memory_space<semaphore_mem>> -> memref<1x!tpu.dma_semaphore, #tpu.memory_space<semaphore_mem>>
    %dma_start3A_172 = tpu.memref_squeeze %dma_start3A_171 : memref<1x!tpu.dma_semaphore, #tpu.memory_space<semaphore_mem>> -> memref<!tpu.dma_semaphore, #tpu.memory_space<semaphore_mem>>
    tpu.enqueue_indirect_dma source(%dma_start3A_170 : memref<10000x128xf32, #tpu.memory_space<hbm>>) target(%dma_start3A_164 : memref<40x128xf32, #tpu.memory_space<vmem>>) offsets(%dma_start3A_167 : memref<40xi32, #tpu.memory_space<vmem>>) semaphore(%dma_start3A_172 : memref<!tpu.dma_semaphore, #tpu.memory_space<semaphore_mem>>)
    %dma_start3A_173 = arith.constant 0 : i32
    %dma_start3A_174 = arith.constant 5 : i32
    %dma_start3A_175 = arith.constant 5 : i32
    %dma_start3A_176 = arith.constant 5 : i32
    %dma_start3A_177 = arith.constant 0 : i32
    %dma_start3A_178 = arith.constant 0 : i32
    %dma_start3A_179 = tpu.memref_slice %arg8[%dma_start3A_175, %dma_start3A_177, %dma_start3A_178] : memref<7x40x128xf32, #tpu.memory_space<vmem>> -> memref<1x40x128xf32, #tpu.memory_space<vmem>>
    %dma_start3A_180 = tpu.memref_squeeze %dma_start3A_179 : memref<1x40x128xf32, #tpu.memory_space<vmem>> -> memref<40x128xf32, #tpu.memory_space<vmem>>
    %dma_start3A_181 = arith.constant 0 : i32
    %dma_start3A_182 = tpu.memref_slice %arg6[%dma_start3A_173, %dma_start3A_174, %dma_start3A_181] : memref<2x10x40xi32, #tpu.memory_space<vmem>> -> memref<1x1x40xi32, #tpu.memory_space<vmem>>
    %dma_start3A_183 = tpu.memref_squeeze %dma_start3A_182 : memref<1x1x40xi32, #tpu.memory_space<vmem>> -> memref<40xi32, #tpu.memory_space<vmem>>
    %dma_start3A_184 = arith.constant 0 : i32
    %dma_start3A_185 = arith.constant 0 : i32
    %dma_start3A_186 = tpu.memref_slice %arg2[%dma_start3A_184, %dma_start3A_185] : memref<10000x128xf32, #tpu.memory_space<hbm>> -> memref<10000x128xf32, #tpu.memory_space<hbm>>
    %dma_start3A_187 = tpu.memref_slice %arg10[%dma_start3A_176] : memref<7x!tpu.dma_semaphore, #tpu.memory_space<semaphore_mem>> -> memref<1x!tpu.dma_semaphore, #tpu.memory_space<semaphore_mem>>
    %dma_start3A_188 = tpu.memref_squeeze %dma_start3A_187 : memref<1x!tpu.dma_semaphore, #tpu.memory_space<semaphore_mem>> -> memref<!tpu.dma_semaphore, #tpu.memory_space<semaphore_mem>>
    tpu.enqueue_indirect_dma source(%dma_start3A_186 : memref<10000x128xf32, #tpu.memory_space<hbm>>) target(%dma_start3A_180 : memref<40x128xf32, #tpu.memory_space<vmem>>) offsets(%dma_start3A_183 : memref<40xi32, #tpu.memory_space<vmem>>) semaphore(%dma_start3A_188 : memref<!tpu.dma_semaphore, #tpu.memory_space<semaphore_mem>>)
    %mul3A_189 = arith.constant 624 : i32
    %mul3A_190 = arith.muli %arg1, %mul3A_189 : i32
    %mul3A_191 = arith.constant 624 : i32
    %mul3A_192 = arith.muli %arg1, %mul3A_191 : i32
    %dma_wait3A_193 = arith.constant 0 : i32
    %dma_wait3A_194 = tpu.memref_slice %arg9[%mul3A_192, %dma_wait3A_193] : memref<10000x128xf32, #tpu.memory_space<vmem_shared>> -> memref<624x128xf32, #tpu.memory_space<vmem_shared>>
    %dma_wait3A_195 = arith.constant 0 : i32
    %dma_wait3A_196 = tpu.memref_slice %arg2[%mul3A_190, %dma_wait3A_195] : memref<10000x128xf32, #tpu.memory_space<hbm>> -> memref<624x128xf32, #tpu.memory_space<hbm>>
    tpu.wait_dma2 semaphore(%arg13 : memref<!tpu.dma_semaphore, #tpu.memory_space<semaphore_mem>>) src(%dma_wait3A_196 : memref<624x128xf32, #tpu.memory_space<hbm>>) dst(%dma_wait3A_194 : memref<624x128xf32, #tpu.memory_space<vmem_shared>>)
    %eq3A_197 = arith.constant 0 : i32
    %eq3A_198 = arith.cmpi eq, %arg1, %eq3A_197 : i32
    %convert_element_type3A_199 = arith.extui %eq3A_198 : i1 to i32
    %cond3A_200 = arith.constant 0 : i32
    %cond3A_201 = arith.cmpi ne, %convert_element_type3A_199, %cond3A_200 : i32
    scf.if %cond3A_201 {
      %dma_wait3A_236 = arith.constant 9984 : i32
      %dma_wait3A_237 = arith.constant 0 : i32
      %dma_wait3A_238 = tpu.memref_slice %arg9[%dma_wait3A_236, %dma_wait3A_237] : memref<10000x128xf32, #tpu.memory_space<vmem_shared>> -> memref<16x128xf32, #tpu.memory_space<vmem_shared>>
      %dma_wait3A_239 = arith.constant 9984 : i32
      %dma_wait3A_240 = arith.constant 0 : i32
      %dma_wait3A_241 = tpu.memref_slice %arg2[%dma_wait3A_239, %dma_wait3A_240] : memref<10000x128xf32, #tpu.memory_space<hbm>> -> memref<16x128xf32, #tpu.memory_space<hbm>>
      tpu.wait_dma2 semaphore(%arg13 : memref<!tpu.dma_semaphore, #tpu.memory_space<semaphore_mem>>) src(%dma_wait3A_241 : memref<16x128xf32, #tpu.memory_space<hbm>>) dst(%dma_wait3A_238 : memref<16x128xf32, #tpu.memory_space<vmem_shared>>)
    } else {
    }
    %barrier3A = arith.constant 0 : index
    tpu.barrier barrier_id(%barrier3A)
    %scan3A = arith.constant 0 : i32
    %scan3A_202 = arith.constant 0 : i32
    %scan3A_203 = arith.constant 250 : i32
    %scan3A_204 = arith.addi %scan3A_202, %scan3A_203 : i32
    %scan3A_205 = arith.constant 1 : i32
    scf.for %scan3A_236 = %scan3A_202 to %scan3A_204 step %scan3A_205  : i32 {
      %rem3A_237 = arith.constant 7 : i32
      %rem3A_238 = arith.remsi %scan3A_236, %rem3A_237 : i32
      %rem3A_239 = arith.constant 10 : i32
      %rem3A_240 = arith.remsi %scan3A_236, %rem3A_239 : i32
      %div3A = arith.constant 10 : i32
      %div3A_241 = arith.divsi %scan3A_236, %div3A : i32
      %rem3A_242 = arith.constant 2 : i32
      %rem3A_243 = arith.remsi %div3A_241, %rem3A_242 : i32
      %dma_wait3A_244 = arith.constant 0 : i32
      %dma_wait3A_245 = arith.constant 0 : i32
      %dma_wait3A_246 = tpu.memref_slice %arg8[%rem3A_238, %dma_wait3A_244, %dma_wait3A_245] : memref<7x40x128xf32, #tpu.memory_space<vmem>> -> memref<1x40x128xf32, #tpu.memory_space<vmem>>
      %dma_wait3A_247 = tpu.memref_squeeze %dma_wait3A_246 : memref<1x40x128xf32, #tpu.memory_space<vmem>> -> memref<40x128xf32, #tpu.memory_space<vmem>>
      %dma_wait3A_248 = arith.constant 0 : i32
      %dma_wait3A_249 = tpu.memref_slice %arg6[%rem3A_243, %rem3A_240, %dma_wait3A_248] : memref<2x10x40xi32, #tpu.memory_space<vmem>> -> memref<1x1x40xi32, #tpu.memory_space<vmem>>
      %dma_wait3A_250 = tpu.memref_squeeze %dma_wait3A_249 : memref<1x1x40xi32, #tpu.memory_space<vmem>> -> memref<40xi32, #tpu.memory_space<vmem>>
      %dma_wait3A_251 = arith.constant 0 : i32
      %dma_wait3A_252 = arith.constant 0 : i32
      %dma_wait3A_253 = tpu.memref_slice %arg2[%dma_wait3A_251, %dma_wait3A_252] : memref<10000x128xf32, #tpu.memory_space<hbm>> -> memref<10000x128xf32, #tpu.memory_space<hbm>>
      %dma_wait3A_254 = tpu.memref_slice %arg10[%rem3A_238] : memref<7x!tpu.dma_semaphore, #tpu.memory_space<semaphore_mem>> -> memref<1x!tpu.dma_semaphore, #tpu.memory_space<semaphore_mem>>
      %dma_wait3A_255 = tpu.memref_squeeze %dma_wait3A_254 : memref<1x!tpu.dma_semaphore, #tpu.memory_space<semaphore_mem>> -> memref<!tpu.dma_semaphore, #tpu.memory_space<semaphore_mem>>
      tpu.wait_indirect_dma semaphore(%dma_wait3A_255 : memref<!tpu.dma_semaphore, #tpu.memory_space<semaphore_mem>>) src(%dma_wait3A_253 : memref<10000x128xf32, #tpu.memory_space<hbm>>) dst(%dma_wait3A_247 : memref<40x128xf32, #tpu.memory_space<vmem>>)
      %dma_start3A_256 = arith.constant 0 : i32
      %dma_start3A_257 = arith.constant 0 : i32
      %dma_start3A_258 = tpu.memref_slice %arg8[%rem3A_238, %dma_start3A_256, %dma_start3A_257] : memref<7x40x128xf32, #tpu.memory_space<vmem>> -> memref<1x40x128xf32, #tpu.memory_space<vmem>>
      %dma_start3A_259 = tpu.memref_squeeze %dma_start3A_258 : memref<1x40x128xf32, #tpu.memory_space<vmem>> -> memref<40x128xf32, #tpu.memory_space<vmem>>
      %dma_start3A_260 = arith.constant 0 : i32
      %dma_start3A_261 = tpu.memref_slice %arg7[%rem3A_243, %rem3A_240, %dma_start3A_260] : memref<2x10x40xi32, #tpu.memory_space<vmem>> -> memref<1x1x40xi32, #tpu.memory_space<vmem>>
      %dma_start3A_262 = tpu.memref_squeeze %dma_start3A_261 : memref<1x1x40xi32, #tpu.memory_space<vmem>> -> memref<40xi32, #tpu.memory_space<vmem>>
      %dma_start3A_263 = arith.constant 0 : i32
      %dma_start3A_264 = arith.constant 0 : i32
      %dma_start3A_265 = tpu.memref_slice %arg9[%dma_start3A_263, %dma_start3A_264] : memref<10000x128xf32, #tpu.memory_space<vmem_shared>> -> memref<10000x128xf32, #tpu.memory_space<vmem_shared>>
      %dma_start3A_266 = tpu.memref_slice %arg11[%rem3A_238] : memref<7x!tpu.dma_semaphore, #tpu.memory_space<semaphore_mem>> -> memref<1x!tpu.dma_semaphore, #tpu.memory_space<semaphore_mem>>
      %dma_start3A_267 = tpu.memref_squeeze %dma_start3A_266 : memref<1x!tpu.dma_semaphore, #tpu.memory_space<semaphore_mem>> -> memref<!tpu.dma_semaphore, #tpu.memory_space<semaphore_mem>>
      tpu.enqueue_indirect_dma source(%dma_start3A_259 : memref<40x128xf32, #tpu.memory_space<vmem>>) target(%dma_start3A_265 : memref<10000x128xf32, #tpu.memory_space<vmem_shared>>) offsets(%dma_start3A_262 : memref<40xi32, #tpu.memory_space<vmem>>) semaphore(%dma_start3A_267 : memref<!tpu.dma_semaphore, #tpu.memory_space<semaphore_mem>>) {add = true}
      %add3A_268 = arith.constant 7 : i32
      %add3A_269 = arith.addi %scan3A_236, %add3A_268 : i32
      %sub3A = arith.constant 1 : i32
      %sub3A_270 = arith.subi %add3A_269, %sub3A : i32
      %rem3A_271 = arith.constant 7 : i32
      %rem3A_272 = arith.remsi %sub3A_270, %rem3A_271 : i32
      %gt3A = arith.constant 0 : i32
      %gt3A_273 = arith.cmpi sgt, %scan3A_236, %gt3A : i32
      %convert_element_type3A_274 = arith.extui %gt3A_273 : i1 to i32
      %cond3A_275 = arith.constant 0 : i32
      %cond3A_276 = arith.cmpi ne, %convert_element_type3A_274, %cond3A_275 : i32
      scf.if %cond3A_276 {
        %dma_wait3A_294 = arith.constant 0 : i32
        %dma_wait3A_295 = arith.constant 0 : i32
        %dma_wait3A_296 = tpu.memref_slice %arg8[%rem3A_272, %dma_wait3A_294, %dma_wait3A_295] : memref<7x40x128xf32, #tpu.memory_space<vmem>> -> memref<1x40x128xf32, #tpu.memory_space<vmem>>
        %dma_wait3A_297 = tpu.memref_squeeze %dma_wait3A_296 : memref<1x40x128xf32, #tpu.memory_space<vmem>> -> memref<40x128xf32, #tpu.memory_space<vmem>>
        %dma_wait3A_298 = arith.constant 0 : i32
        %dma_wait3A_299 = tpu.memref_slice %arg7[%rem3A_243, %rem3A_240, %dma_wait3A_298] : memref<2x10x40xi32, #tpu.memory_space<vmem>> -> memref<1x1x40xi32, #tpu.memory_space<vmem>>
        %dma_wait3A_300 = tpu.memref_squeeze %dma_wait3A_299 : memref<1x1x40xi32, #tpu.memory_space<vmem>> -> memref<40xi32, #tpu.memory_space<vmem>>
        %dma_wait3A_301 = arith.constant 0 : i32
        %dma_wait3A_302 = arith.constant 0 : i32
        %dma_wait3A_303 = tpu.memref_slice %arg9[%dma_wait3A_301, %dma_wait3A_302] : memref<10000x128xf32, #tpu.memory_space<vmem_shared>> -> memref<10000x128xf32, #tpu.memory_space<vmem_shared>>
        %dma_wait3A_304 = tpu.memref_slice %arg11[%rem3A_272] : memref<7x!tpu.dma_semaphore, #tpu.memory_space<semaphore_mem>> -> memref<1x!tpu.dma_semaphore, #tpu.memory_space<semaphore_mem>>
        %dma_wait3A_305 = tpu.memref_squeeze %dma_wait3A_304 : memref<1x!tpu.dma_semaphore, #tpu.memory_space<semaphore_mem>> -> memref<!tpu.dma_semaphore, #tpu.memory_space<semaphore_mem>>
        tpu.wait_indirect_dma semaphore(%dma_wait3A_305 : memref<!tpu.dma_semaphore, #tpu.memory_space<semaphore_mem>>) src(%dma_wait3A_297 : memref<40x128xf32, #tpu.memory_space<vmem>>) dst(%dma_wait3A_303 : memref<10000x128xf32, #tpu.memory_space<vmem_shared>>)
      } else {
      }
      %eq3A_277 = arith.constant 0 : i32
      %eq3A_278 = arith.cmpi eq, %rem3A_240, %eq3A_277 : i32
      %add3A_279 = arith.constant 10 : i32
      %add3A_280 = arith.addi %scan3A_236, %add3A_279 : i32
      %lt3A = arith.constant 250 : i32
      %lt3A_281 = arith.cmpi slt, %add3A_280, %lt3A : i32
      %and3A = arith.andi %eq3A_278, %lt3A_281 : i1
      %convert_element_type3A_282 = arith.extui %and3A : i1 to i32
      %cond3A_283 = arith.constant 0 : i32
      %cond3A_284 = arith.cmpi ne, %convert_element_type3A_282, %cond3A_283 : i32
      scf.if %cond3A_284 {
        %div3A_294 = arith.constant 10 : i32
        %div3A_295 = arith.divsi %scan3A_236, %div3A_294 : i32
        %add3A_296 = arith.constant 1 : i32
        %add3A_297 = arith.addi %div3A_295, %add3A_296 : i32
        %sub3A_298 = arith.constant 1 : i32
        %sub3A_299 = arith.subi %sub3A_298, %rem3A_243 : i32
        %dma_start3A_300 = arith.constant 0 : i32
        %dma_start3A_301 = arith.constant 0 : i32
        %dma_start3A_302 = arith.constant 0 : i32
        %dma_start3A_303 = tpu.memref_slice %arg6[%sub3A_299, %dma_start3A_301, %dma_start3A_302] : memref<2x10x40xi32, #tpu.memory_space<vmem>> -> memref<1x10x40xi32, #tpu.memory_space<vmem>>
        %dma_start3A_304 = tpu.memref_squeeze %dma_start3A_303 : memref<1x10x40xi32, #tpu.memory_space<vmem>> -> memref<10x40xi32, #tpu.memory_space<vmem>>
        %dma_start3A_305 = arith.constant 0 : i32
        %dma_start3A_306 = arith.constant 0 : i32
        %dma_start3A_307 = tpu.memref_slice %arg3[%add3A, %add3A_297, %dma_start3A_305, %dma_start3A_306] : memref<32x25x10x40xi32, #tpu.memory_space<hbm>> -> memref<1x1x10x40xi32, #tpu.memory_space<hbm>>
        %dma_start3A_308 = tpu.memref_squeeze %dma_start3A_307 : memref<1x1x10x40xi32, #tpu.memory_space<hbm>> -> memref<10x40xi32, #tpu.memory_space<hbm>>
        %dma_start3A_309 = tpu.memref_slice %arg12[%dma_start3A_300] : memref<2x!tpu.dma_semaphore, #tpu.memory_space<semaphore_mem>> -> memref<1x!tpu.dma_semaphore, #tpu.memory_space<semaphore_mem>>
        %dma_start3A_310 = tpu.memref_squeeze %dma_start3A_309 : memref<1x!tpu.dma_semaphore, #tpu.memory_space<semaphore_mem>> -> memref<!tpu.dma_semaphore, #tpu.memory_space<semaphore_mem>>
        %dma_start3A_311 = arith.constant 0 : i32
        %dma_start3A_312 = arith.constant 0 : i32
        %dma_start3A_313 = tpu.memref_slice %arg6[%sub3A_299, %dma_start3A_311, %dma_start3A_312] : memref<2x10x40xi32, #tpu.memory_space<vmem>> -> memref<1x10x40xi32, #tpu.memory_space<vmem>>
        %dma_start3A_314 = tpu.memref_squeeze %dma_start3A_313 : memref<1x10x40xi32, #tpu.memory_space<vmem>> -> memref<10x40xi32, #tpu.memory_space<vmem>>
        %dma_start3A_315 = arith.constant 0 : i32
        %dma_start3A_316 = arith.constant 0 : i32
        %dma_start3A_317 = tpu.memref_slice %arg3[%add3A, %add3A_297, %dma_start3A_315, %dma_start3A_316] : memref<32x25x10x40xi32, #tpu.memory_space<hbm>> -> memref<1x1x10x40xi32, #tpu.memory_space<hbm>>
        %dma_start3A_318 = tpu.memref_squeeze %dma_start3A_317 : memref<1x1x10x40xi32, #tpu.memory_space<hbm>> -> memref<10x40xi32, #tpu.memory_space<hbm>>
        tpu.enqueue_dma source(%dma_start3A_318 : memref<10x40xi32, #tpu.memory_space<hbm>>) target(%dma_start3A_314 : memref<10x40xi32, #tpu.memory_space<vmem>>) target_semaphore(%dma_start3A_310 : memref<!tpu.dma_semaphore, #tpu.memory_space<semaphore_mem>>)
        %add3A_319 = arith.constant 1 : i32
        %add3A_320 = arith.addi %div3A_295, %add3A_319 : i32
        %sub3A_321 = arith.constant 1 : i32
        %sub3A_322 = arith.subi %sub3A_321, %rem3A_243 : i32
        %dma_start3A_323 = arith.constant 1 : i32
        %dma_start3A_324 = arith.constant 0 : i32
        %dma_start3A_325 = arith.constant 0 : i32
        %dma_start3A_326 = tpu.memref_slice %arg7[%sub3A_322, %dma_start3A_324, %dma_start3A_325] : memref<2x10x40xi32, #tpu.memory_space<vmem>> -> memref<1x10x40xi32, #tpu.memory_space<vmem>>
        %dma_start3A_327 = tpu.memref_squeeze %dma_start3A_326 : memref<1x10x40xi32, #tpu.memory_space<vmem>> -> memref<10x40xi32, #tpu.memory_space<vmem>>
        %dma_start3A_328 = arith.constant 0 : i32
        %dma_start3A_329 = arith.constant 0 : i32
        %dma_start3A_330 = tpu.memref_slice %arg4[%add3A, %add3A_320, %dma_start3A_328, %dma_start3A_329] : memref<32x25x10x40xi32, #tpu.memory_space<hbm>> -> memref<1x1x10x40xi32, #tpu.memory_space<hbm>>
        %dma_start3A_331 = tpu.memref_squeeze %dma_start3A_330 : memref<1x1x10x40xi32, #tpu.memory_space<hbm>> -> memref<10x40xi32, #tpu.memory_space<hbm>>
        %dma_start3A_332 = tpu.memref_slice %arg12[%dma_start3A_323] : memref<2x!tpu.dma_semaphore, #tpu.memory_space<semaphore_mem>> -> memref<1x!tpu.dma_semaphore, #tpu.memory_space<semaphore_mem>>
        %dma_start3A_333 = tpu.memref_squeeze %dma_start3A_332 : memref<1x!tpu.dma_semaphore, #tpu.memory_space<semaphore_mem>> -> memref<!tpu.dma_semaphore, #tpu.memory_space<semaphore_mem>>
        %dma_start3A_334 = arith.constant 0 : i32
        %dma_start3A_335 = arith.constant 0 : i32
        %dma_start3A_336 = tpu.memref_slice %arg7[%sub3A_322, %dma_start3A_334, %dma_start3A_335] : memref<2x10x40xi32, #tpu.memory_space<vmem>> -> memref<1x10x40xi32, #tpu.memory_space<vmem>>
        %dma_start3A_337 = tpu.memref_squeeze %dma_start3A_336 : memref<1x10x40xi32, #tpu.memory_space<vmem>> -> memref<10x40xi32, #tpu.memory_space<vmem>>
        %dma_start3A_338 = arith.constant 0 : i32
        %dma_start3A_339 = arith.constant 0 : i32
        %dma_start3A_340 = tpu.memref_slice %arg4[%add3A, %add3A_320, %dma_start3A_338, %dma_start3A_339] : memref<32x25x10x40xi32, #tpu.memory_space<hbm>> -> memref<1x1x10x40xi32, #tpu.memory_space<hbm>>
        %dma_start3A_341 = tpu.memref_squeeze %dma_start3A_340 : memref<1x1x10x40xi32, #tpu.memory_space<hbm>> -> memref<10x40xi32, #tpu.memory_space<hbm>>
        tpu.enqueue_dma source(%dma_start3A_341 : memref<10x40xi32, #tpu.memory_space<hbm>>) target(%dma_start3A_337 : memref<10x40xi32, #tpu.memory_space<vmem>>) target_semaphore(%dma_start3A_333 : memref<!tpu.dma_semaphore, #tpu.memory_space<semaphore_mem>>)
      } else {
      }
      %add3A_285 = arith.constant 7 : i32
      %add3A_286 = arith.addi %scan3A_236, %add3A_285 : i32
      %sub3A_287 = arith.constant 1 : i32
      %sub3A_288 = arith.subi %add3A_286, %sub3A_287 : i32
      %lt3A_289 = arith.constant 250 : i32
      %lt3A_290 = arith.cmpi slt, %sub3A_288, %lt3A_289 : i32
      %convert_element_type3A_291 = arith.extui %lt3A_290 : i1 to i32
      %cond3A_292 = arith.constant 0 : i32
      %cond3A_293 = arith.cmpi ne, %convert_element_type3A_291, %cond3A_292 : i32
      scf.if %cond3A_293 {
        %rem3A_294 = arith.constant 10 : i32
        %rem3A_295 = arith.remsi %sub3A_288, %rem3A_294 : i32
        %div3A_296 = arith.constant 10 : i32
        %div3A_297 = arith.divsi %sub3A_288, %div3A_296 : i32
        %rem3A_298 = arith.constant 2 : i32
        %rem3A_299 = arith.remsi %div3A_297, %rem3A_298 : i32
        %eq3A_300 = arith.constant 0 : i32
        %eq3A_301 = arith.cmpi eq, %rem3A_295, %eq3A_300 : i32
        %convert_element_type3A_302 = arith.extui %eq3A_301 : i1 to i32
        %cond3A_303 = arith.constant 0 : i32
        %cond3A_304 = arith.cmpi ne, %convert_element_type3A_302, %cond3A_303 : i32
        scf.if %cond3A_304 {
          %dma_wait3A_317 = arith.constant 0 : i32
          %dma_wait3A_318 = arith.constant 0 : i32
          %dma_wait3A_319 = arith.constant 0 : i32
          %dma_wait3A_320 = arith.constant 0 : i32
          %dma_wait3A_321 = arith.constant 0 : i32
          %dma_wait3A_322 = tpu.memref_slice %arg6[%dma_wait3A_318, %dma_wait3A_320, %dma_wait3A_321] : memref<2x10x40xi32, #tpu.memory_space<vmem>> -> memref<1x10x40xi32, #tpu.memory_space<vmem>>
          %dma_wait3A_323 = tpu.memref_squeeze %dma_wait3A_322 : memref<1x10x40xi32, #tpu.memory_space<vmem>> -> memref<10x40xi32, #tpu.memory_space<vmem>>
          %dma_wait3A_324 = arith.constant 0 : i32
          %dma_wait3A_325 = arith.constant 0 : i32
          %dma_wait3A_326 = tpu.memref_slice %arg3[%add3A, %dma_wait3A_317, %dma_wait3A_324, %dma_wait3A_325] : memref<32x25x10x40xi32, #tpu.memory_space<hbm>> -> memref<1x1x10x40xi32, #tpu.memory_space<hbm>>
          %dma_wait3A_327 = tpu.memref_squeeze %dma_wait3A_326 : memref<1x1x10x40xi32, #tpu.memory_space<hbm>> -> memref<10x40xi32, #tpu.memory_space<hbm>>
          %dma_wait3A_328 = tpu.memref_slice %arg12[%dma_wait3A_319] : memref<2x!tpu.dma_semaphore, #tpu.memory_space<semaphore_mem>> -> memref<1x!tpu.dma_semaphore, #tpu.memory_space<semaphore_mem>>
          %dma_wait3A_329 = tpu.memref_squeeze %dma_wait3A_328 : memref<1x!tpu.dma_semaphore, #tpu.memory_space<semaphore_mem>> -> memref<!tpu.dma_semaphore, #tpu.memory_space<semaphore_mem>>
          %dma_wait3A_330 = arith.constant 0 : i32
          %dma_wait3A_331 = arith.constant 0 : i32
          %dma_wait3A_332 = tpu.memref_slice %arg6[%dma_wait3A_318, %dma_wait3A_330, %dma_wait3A_331] : memref<2x10x40xi32, #tpu.memory_space<vmem>> -> memref<1x10x40xi32, #tpu.memory_space<vmem>>
          %dma_wait3A_333 = tpu.memref_squeeze %dma_wait3A_332 : memref<1x10x40xi32, #tpu.memory_space<vmem>> -> memref<10x40xi32, #tpu.memory_space<vmem>>
          %dma_wait3A_334 = arith.constant 0 : i32
          %dma_wait3A_335 = arith.constant 0 : i32
          %dma_wait3A_336 = tpu.memref_slice %arg3[%add3A, %dma_wait3A_317, %dma_wait3A_334, %dma_wait3A_335] : memref<32x25x10x40xi32, #tpu.memory_space<hbm>> -> memref<1x1x10x40xi32, #tpu.memory_space<hbm>>
          %dma_wait3A_337 = tpu.memref_squeeze %dma_wait3A_336 : memref<1x1x10x40xi32, #tpu.memory_space<hbm>> -> memref<10x40xi32, #tpu.memory_space<hbm>>
          tpu.wait_dma2 semaphore(%dma_wait3A_329 : memref<!tpu.dma_semaphore, #tpu.memory_space<semaphore_mem>>) src(%dma_wait3A_337 : memref<10x40xi32, #tpu.memory_space<hbm>>) dst(%dma_wait3A_333 : memref<10x40xi32, #tpu.memory_space<vmem>>)
          %dma_wait3A_338 = arith.constant 0 : i32
          %dma_wait3A_339 = arith.constant 0 : i32
          %dma_wait3A_340 = arith.constant 1 : i32
          %dma_wait3A_341 = arith.constant 0 : i32
          %dma_wait3A_342 = arith.constant 0 : i32
          %dma_wait3A_343 = tpu.memref_slice %arg7[%dma_wait3A_339, %dma_wait3A_341, %dma_wait3A_342] : memref<2x10x40xi32, #tpu.memory_space<vmem>> -> memref<1x10x40xi32, #tpu.memory_space<vmem>>
          %dma_wait3A_344 = tpu.memref_squeeze %dma_wait3A_343 : memref<1x10x40xi32, #tpu.memory_space<vmem>> -> memref<10x40xi32, #tpu.memory_space<vmem>>
          %dma_wait3A_345 = arith.constant 0 : i32
          %dma_wait3A_346 = arith.constant 0 : i32
          %dma_wait3A_347 = tpu.memref_slice %arg4[%add3A, %dma_wait3A_338, %dma_wait3A_345, %dma_wait3A_346] : memref<32x25x10x40xi32, #tpu.memory_space<hbm>> -> memref<1x1x10x40xi32, #tpu.memory_space<hbm>>
          %dma_wait3A_348 = tpu.memref_squeeze %dma_wait3A_347 : memref<1x1x10x40xi32, #tpu.memory_space<hbm>> -> memref<10x40xi32, #tpu.memory_space<hbm>>
          %dma_wait3A_349 = tpu.memref_slice %arg12[%dma_wait3A_340] : memref<2x!tpu.dma_semaphore, #tpu.memory_space<semaphore_mem>> -> memref<1x!tpu.dma_semaphore, #tpu.memory_space<semaphore_mem>>
          %dma_wait3A_350 = tpu.memref_squeeze %dma_wait3A_349 : memref<1x!tpu.dma_semaphore, #tpu.memory_space<semaphore_mem>> -> memref<!tpu.dma_semaphore, #tpu.memory_space<semaphore_mem>>
          %dma_wait3A_351 = arith.constant 0 : i32
          %dma_wait3A_352 = arith.constant 0 : i32
          %dma_wait3A_353 = tpu.memref_slice %arg7[%dma_wait3A_339, %dma_wait3A_351, %dma_wait3A_352] : memref<2x10x40xi32, #tpu.memory_space<vmem>> -> memref<1x10x40xi32, #tpu.memory_space<vmem>>
          %dma_wait3A_354 = tpu.memref_squeeze %dma_wait3A_353 : memref<1x10x40xi32, #tpu.memory_space<vmem>> -> memref<10x40xi32, #tpu.memory_space<vmem>>
          %dma_wait3A_355 = arith.constant 0 : i32
          %dma_wait3A_356 = arith.constant 0 : i32
          %dma_wait3A_357 = tpu.memref_slice %arg4[%add3A, %dma_wait3A_338, %dma_wait3A_355, %dma_wait3A_356] : memref<32x25x10x40xi32, #tpu.memory_space<hbm>> -> memref<1x1x10x40xi32, #tpu.memory_space<hbm>>
          %dma_wait3A_358 = tpu.memref_squeeze %dma_wait3A_357 : memref<1x1x10x40xi32, #tpu.memory_space<hbm>> -> memref<10x40xi32, #tpu.memory_space<hbm>>
          tpu.wait_dma2 semaphore(%dma_wait3A_350 : memref<!tpu.dma_semaphore, #tpu.memory_space<semaphore_mem>>) src(%dma_wait3A_358 : memref<10x40xi32, #tpu.memory_space<hbm>>) dst(%dma_wait3A_354 : memref<10x40xi32, #tpu.memory_space<vmem>>)
        } else {
        }
        %dma_start3A_305 = arith.constant 0 : i32
        %dma_start3A_306 = arith.constant 0 : i32
        %dma_start3A_307 = tpu.memref_slice %arg8[%rem3A_272, %dma_start3A_305, %dma_start3A_306] : memref<7x40x128xf32, #tpu.memory_space<vmem>> -> memref<1x40x128xf32, #tpu.memory_space<vmem>>
        %dma_start3A_308 = tpu.memref_squeeze %dma_start3A_307 : memref<1x40x128xf32, #tpu.memory_space<vmem>> -> memref<40x128xf32, #tpu.memory_space<vmem>>
        %dma_start3A_309 = arith.constant 0 : i32
        %dma_start3A_310 = tpu.memref_slice %arg6[%rem3A_299, %rem3A_295, %dma_start3A_309] : memref<2x10x40xi32, #tpu.memory_space<vmem>> -> memref<1x1x40xi32, #tpu.memory_space<vmem>>
        %dma_start3A_311 = tpu.memref_squeeze %dma_start3A_310 : memref<1x1x40xi32, #tpu.memory_space<vmem>> -> memref<40xi32, #tpu.memory_space<vmem>>
        %dma_start3A_312 = arith.constant 0 : i32
        %dma_start3A_313 = arith.constant 0 : i32
        %dma_start3A_314 = tpu.memref_slice %arg2[%dma_start3A_312, %dma_start3A_313] : memref<10000x128xf32, #tpu.memory_space<hbm>> -> memref<10000x128xf32, #tpu.memory_space<hbm>>
        %dma_start3A_315 = tpu.memref_slice %arg10[%rem3A_272] : memref<7x!tpu.dma_semaphore, #tpu.memory_space<semaphore_mem>> -> memref<1x!tpu.dma_semaphore, #tpu.memory_space<semaphore_mem>>
        %dma_start3A_316 = tpu.memref_squeeze %dma_start3A_315 : memref<1x!tpu.dma_semaphore, #tpu.memory_space<semaphore_mem>> -> memref<!tpu.dma_semaphore, #tpu.memory_space<semaphore_mem>>
        tpu.enqueue_indirect_dma source(%dma_start3A_314 : memref<10000x128xf32, #tpu.memory_space<hbm>>) target(%dma_start3A_308 : memref<40x128xf32, #tpu.memory_space<vmem>>) offsets(%dma_start3A_311 : memref<40xi32, #tpu.memory_space<vmem>>) semaphore(%dma_start3A_316 : memref<!tpu.dma_semaphore, #tpu.memory_space<semaphore_mem>>)
      } else {
      }
    }
    %scan3A_206 = arith.constant 250 : i32
    %rem3A = arith.constant 249 : i32
    %rem3A_207 = arith.constant 7 : i32
    %rem3A_208 = arith.remsi %rem3A, %rem3A_207 : i32
    %rem3A_209 = arith.constant 249 : i32
    %rem3A_210 = arith.constant 7 : i32
    %rem3A_211 = arith.remsi %rem3A_209, %rem3A_210 : i32
    %dma_wait3A_212 = arith.constant 0 : i32
    %dma_wait3A_213 = arith.constant 0 : i32
    %dma_wait3A_214 = arith.constant 0 : i32
    %dma_wait3A_215 = arith.constant 0 : i32
    %dma_wait3A_216 = tpu.memref_slice %arg8[%rem3A_208, %dma_wait3A_214, %dma_wait3A_215] : memref<7x40x128xf32, #tpu.memory_space<vmem>> -> memref<1x40x128xf32, #tpu.memory_space<vmem>>
    %dma_wait3A_217 = tpu.memref_squeeze %dma_wait3A_216 : memref<1x40x128xf32, #tpu.memory_space<vmem>> -> memref<40x128xf32, #tpu.memory_space<vmem>>
    %dma_wait3A_218 = arith.constant 0 : i32
    %dma_wait3A_219 = tpu.memref_slice %arg7[%dma_wait3A_212, %dma_wait3A_213, %dma_wait3A_218] : memref<2x10x40xi32, #tpu.memory_space<vmem>> -> memref<1x1x40xi32, #tpu.memory_space<vmem>>
    %dma_wait3A_220 = tpu.memref_squeeze %dma_wait3A_219 : memref<1x1x40xi32, #tpu.memory_space<vmem>> -> memref<40xi32, #tpu.memory_space<vmem>>
    %dma_wait3A_221 = arith.constant 0 : i32
    %dma_wait3A_222 = arith.constant 0 : i32
    %dma_wait3A_223 = tpu.memref_slice %arg9[%dma_wait3A_221, %dma_wait3A_222] : memref<10000x128xf32, #tpu.memory_space<vmem_shared>> -> memref<10000x128xf32, #tpu.memory_space<vmem_shared>>
    %dma_wait3A_224 = tpu.memref_slice %arg11[%rem3A_211] : memref<7x!tpu.dma_semaphore, #tpu.memory_space<semaphore_mem>> -> memref<1x!tpu.dma_semaphore, #tpu.memory_space<semaphore_mem>>
    %dma_wait3A_225 = tpu.memref_squeeze %dma_wait3A_224 : memref<1x!tpu.dma_semaphore, #tpu.memory_space<semaphore_mem>> -> memref<!tpu.dma_semaphore, #tpu.memory_space<semaphore_mem>>
    tpu.wait_indirect_dma semaphore(%dma_wait3A_225 : memref<!tpu.dma_semaphore, #tpu.memory_space<semaphore_mem>>) src(%dma_wait3A_217 : memref<40x128xf32, #tpu.memory_space<vmem>>) dst(%dma_wait3A_223 : memref<10000x128xf32, #tpu.memory_space<vmem_shared>>)
    %barrier3A_226 = arith.constant 0 : index
    tpu.barrier barrier_id(%barrier3A_226)
    %mul3A_227 = arith.constant 624 : i32
    %mul3A_228 = arith.muli %arg1, %mul3A_227 : i32
    %mul3A_229 = arith.constant 624 : i32
    %mul3A_230 = arith.muli %arg1, %mul3A_229 : i32
    "tpu.region"() ({
      %run_scoped3A = tpu.sem_alloc : memref<!tpu.dma_semaphore, #tpu.memory_space<semaphore_mem>>
      %dma_start3A_236 = arith.constant 0 : i32
      %dma_start3A_237 = tpu.memref_slice %arg5[%arg0, %mul3A_230, %dma_start3A_236] : memref<2x10000x128xf32, #tpu.memory_space<hbm>> -> memref<1x624x128xf32, #tpu.memory_space<hbm>>
      %dma_start3A_238 = tpu.memref_squeeze %dma_start3A_237 : memref<1x624x128xf32, #tpu.memory_space<hbm>> -> memref<624x128xf32, #tpu.memory_space<hbm>>
      %dma_start3A_239 = arith.constant 0 : i32
      %dma_start3A_240 = tpu.memref_slice %arg9[%mul3A_228, %dma_start3A_239] : memref<10000x128xf32, #tpu.memory_space<vmem_shared>> -> memref<624x128xf32, #tpu.memory_space<vmem_shared>>
      tpu.enqueue_dma source(%dma_start3A_240 : memref<624x128xf32, #tpu.memory_space<vmem_shared>>) target(%dma_start3A_238 : memref<624x128xf32, #tpu.memory_space<hbm>>) target_semaphore(%run_scoped3A : memref<!tpu.dma_semaphore, #tpu.memory_space<semaphore_mem>>)
      %dma_wait3A_241 = arith.constant 0 : i32
      %dma_wait3A_242 = tpu.memref_slice %arg5[%arg0, %mul3A_230, %dma_wait3A_241] : memref<2x10000x128xf32, #tpu.memory_space<hbm>> -> memref<1x624x128xf32, #tpu.memory_space<hbm>>
      %dma_wait3A_243 = tpu.memref_squeeze %dma_wait3A_242 : memref<1x624x128xf32, #tpu.memory_space<hbm>> -> memref<624x128xf32, #tpu.memory_space<hbm>>
      %dma_wait3A_244 = arith.constant 0 : i32
      %dma_wait3A_245 = tpu.memref_slice %arg9[%mul3A_228, %dma_wait3A_244] : memref<10000x128xf32, #tpu.memory_space<vmem_shared>> -> memref<624x128xf32, #tpu.memory_space<vmem_shared>>
      tpu.wait_dma2 semaphore(%run_scoped3A : memref<!tpu.dma_semaphore, #tpu.memory_space<semaphore_mem>>) src(%dma_wait3A_245 : memref<624x128xf32, #tpu.memory_space<vmem_shared>>) dst(%dma_wait3A_243 : memref<624x128xf32, #tpu.memory_space<hbm>>)
      tpu.yield
    }) : () -> ()
    %eq3A_231 = arith.constant 0 : i32
    %eq3A_232 = arith.cmpi eq, %arg1, %eq3A_231 : i32
    %convert_element_type3A_233 = arith.extui %eq3A_232 : i1 to i32
    %cond3A_234 = arith.constant 0 : i32
    %cond3A_235 = arith.cmpi ne, %convert_element_type3A_233, %cond3A_234 : i32
    scf.if %cond3A_235 {
      "tpu.region"() ({
        %run_scoped3A = tpu.sem_alloc : memref<!tpu.dma_semaphore, #tpu.memory_space<semaphore_mem>>
        %dma_start3A_236 = arith.constant 9984 : i32
        %dma_start3A_237 = arith.constant 0 : i32
        %dma_start3A_238 = tpu.memref_slice %arg5[%arg0, %dma_start3A_236, %dma_start3A_237] : memref<2x10000x128xf32, #tpu.memory_space<hbm>> -> memref<1x16x128xf32, #tpu.memory_space<hbm>>
        %dma_start3A_239 = tpu.memref_squeeze %dma_start3A_238 : memref<1x16x128xf32, #tpu.memory_space<hbm>> -> memref<16x128xf32, #tpu.memory_space<hbm>>
        %dma_start3A_240 = arith.constant 9984 : i32
        %dma_start3A_241 = arith.constant 0 : i32
        %dma_start3A_242 = tpu.memref_slice %arg9[%dma_start3A_240, %dma_start3A_241] : memref<10000x128xf32, #tpu.memory_space<vmem_shared>> -> memref<16x128xf32, #tpu.memory_space<vmem_shared>>
        tpu.enqueue_dma source(%dma_start3A_242 : memref<16x128xf32, #tpu.memory_space<vmem_shared>>) target(%dma_start3A_239 : memref<16x128xf32, #tpu.memory_space<hbm>>) target_semaphore(%run_scoped3A : memref<!tpu.dma_semaphore, #tpu.memory_space<semaphore_mem>>)
        %dma_wait3A_243 = arith.constant 9984 : i32
        %dma_wait3A_244 = arith.constant 0 : i32
        %dma_wait3A_245 = tpu.memref_slice %arg5[%arg0, %dma_wait3A_243, %dma_wait3A_244] : memref<2x10000x128xf32, #tpu.memory_space<hbm>> -> memref<1x16x128xf32, #tpu.memory_space<hbm>>
        %dma_wait3A_246 = tpu.memref_squeeze %dma_wait3A_245 : memref<1x16x128xf32, #tpu.memory_space<hbm>> -> memref<16x128xf32, #tpu.memory_space<hbm>>
        %dma_wait3A_247 = arith.constant 9984 : i32
        %dma_wait3A_248 = arith.constant 0 : i32
        %dma_wait3A_249 = tpu.memref_slice %arg9[%dma_wait3A_247, %dma_wait3A_248] : memref<10000x128xf32, #tpu.memory_space<vmem_shared>> -> memref<16x128xf32, #tpu.memory_space<vmem_shared>>
        tpu.wait_dma2 semaphore(%run_scoped3A : memref<!tpu.dma_semaphore, #tpu.memory_space<semaphore_mem>>) src(%dma_wait3A_249 : memref<16x128xf32, #tpu.memory_space<vmem_shared>>) dst(%dma_wait3A_246 : memref<16x128xf32, #tpu.memory_space<hbm>>)
        tpu.yield
      }) : () -> ()
    } else {
    }
    return
  }
}

module attributes {stable_mosaic.version = 14 : i64} {
  func.func @_tc_first_body(%arg0: i32, %arg1: memref<2000x128xf32, #tpu.memory_space<vmem>>, %arg2: memref<2000x1xf32, #tpu.memory_space<vmem>>, %arg3: memref<2000x1xf32, #tpu.memory_space<vmem>>, %arg4: memref<128x128xf32, #tpu.memory_space<vmem>>, %arg5: memref<2000x128xf32, #tpu.memory_space<vmem>>, %arg6: memref<2000x1xf32, #tpu.memory_space<vmem>>) attributes {dimension_semantics = [#tpu.dimension_semantics<arbitrary>], iteration_bounds = array<i64: 5>, scalar_prefetch = 0 : i64, scratch_operands = 0 : i64, tpu.core_type = #tpu.core_type<tc>, window_params = [{transform_indices = @transform_0, window_bounds = array<i64: 2000, 128>}, {transform_indices = @transform_1, window_bounds = array<i64: 2000, 1>}, {transform_indices = @transform_2, window_bounds = array<i64: 2000, 1>}, {pipeline_mode = #tpu.pipeline_mode<synchronous>, transform_indices = @transform_3, window_bounds = array<i64: 128, 128>}, {transform_indices = @transform_4, window_bounds = array<i64: 2000, 128>}, {transform_indices = @transform_5, window_bounds = array<i64: 2000, 1>}]} {
    %get3A = arith.constant 0 : index
    %get3A_0 = arith.constant 0 : index
    %get3A_1 = vector.load %arg2[%get3A, %get3A_0] : memref<2000x1xf32, #tpu.memory_space<vmem>>, vector<2000x1xf32>
    %get3A_2 = arith.constant 0 : index
    %get3A_3 = arith.constant 0 : index
    %get3A_4 = vector.load %arg3[%get3A_2, %get3A_3] : memref<2000x1xf32, #tpu.memory_space<vmem>>, vector<2000x1xf32>
    %add3A = arith.addf %get3A_1, %get3A_4 : vector<2000x1xf32>
    %add3A_5 = arith.constant 1.000000e+00 : f32
    %add3A_6 = vector.broadcast %add3A_5 : f32 to vector<2000x1xf32>
    %add3A_7 = arith.addf %add3A, %add3A_6 : vector<2000x1xf32>
    %rsqrt3A = math.rsqrt %add3A_7 : vector<2000x1xf32>
    %get3A_8 = arith.constant 0 : index
    %get3A_9 = arith.constant 0 : index
    %get3A_10 = vector.load %arg1[%get3A_8, %get3A_9] : memref<2000x128xf32, #tpu.memory_space<vmem>>, vector<2000x128xf32>
    %get3A_11 = arith.constant 0 : index
    %get3A_12 = arith.constant 0 : index
    %get3A_13 = vector.load %arg4[%get3A_11, %get3A_12] : memref<128x128xf32, #tpu.memory_space<vmem>>, vector<128x128xf32>
    %dot_general3A = arith.constant dense<0.000000e+00> : vector<2000x128xf32>
    %dot_general3A_14 = tpu.matmul %get3A_10, %get3A_13, %dot_general3A {dimension_numbers = #tpu.dot_dimension_numbers<[1], [0], [0], [1], [0, 0, 1, 1], [], []>, transpose_lhs_hint = false} : vector<2000x128xf32>, vector<128x128xf32>, vector<2000x128xf32> -> vector<2000x128xf32>
    %mul3A = vector.broadcast %rsqrt3A : vector<2000x1xf32> to vector<2000x128xf32>
    %mul3A_15 = arith.mulf %dot_general3A_14, %mul3A : vector<2000x128xf32>
    %swap3A = arith.constant 0 : index
    %swap3A_16 = arith.constant 0 : index
    %swap3A_17 = vector.load %arg5[%swap3A, %swap3A_16] : memref<2000x128xf32, #tpu.memory_space<vmem>>, vector<2000x128xf32>
    tpu.vector_store %arg5[%swap3A, %swap3A_16], %mul3A_15 {strides = array<i32>} : memref<2000x128xf32, #tpu.memory_space<vmem>>, vector<2000x128xf32>,
    %swap3A_18 = arith.constant 0 : index
    %swap3A_19 = arith.constant 0 : index
    %swap3A_20 = vector.load %arg6[%swap3A_18, %swap3A_19] : memref<2000x1xf32, #tpu.memory_space<vmem>>, vector<2000x1xf32>
    tpu.vector_store %arg6[%swap3A_18, %swap3A_19], %rsqrt3A {strides = array<i32>} : memref<2000x1xf32, #tpu.memory_space<vmem>>, vector<2000x1xf32>,
    return
  }
  func.func @transform_0(%arg0: i32) -> (i32, i32) {
    %c0_i32 = arith.constant 0 : i32
    %c0_i32_0 = arith.constant 0 : i32
    return %arg0, %c0_i32 : i32, i32
  }
  func.func @transform_1(%arg0: i32) -> (i32, i32) {
    %c0_i32 = arith.constant 0 : i32
    %c0_i32_0 = arith.constant 0 : i32
    return %arg0, %c0_i32 : i32, i32
  }
  func.func @transform_2(%arg0: i32) -> (i32, i32) {
    %c0_i32 = arith.constant 0 : i32
    %c0_i32_0 = arith.constant 0 : i32
    return %arg0, %c0_i32 : i32, i32
  }
  func.func @transform_3(%arg0: i32) -> (i32, i32) {
    %c0_i32 = arith.constant 0 : i32
    %c0_i32_0 = arith.constant 0 : i32
    %c0_i32_1 = arith.constant 0 : i32
    return %c0_i32, %c0_i32_0 : i32, i32
  }
  func.func @transform_4(%arg0: i32) -> (i32, i32) {
    %c0_i32 = arith.constant 0 : i32
    %c0_i32_0 = arith.constant 0 : i32
    return %arg0, %c0_i32 : i32, i32
  }
  func.func @transform_5(%arg0: i32) -> (i32, i32) {
    %c0_i32 = arith.constant 0 : i32
    %c0_i32_0 = arith.constant 0 : i32
    return %arg0, %c0_i32 : i32, i32
  }
}

module attributes {stable_mosaic.version = 14 : i64} {
  func.func @_tc_mid_body(%arg0: i32, %arg1: memref<2000x128xf32, #tpu.memory_space<vmem>>, %arg2: memref<2000x128xf32, #tpu.memory_space<vmem>>, %arg3: memref<2000x128xf32, #tpu.memory_space<vmem>>, %arg4: memref<2000x1xf32, #tpu.memory_space<vmem>>, %arg5: memref<1x128xf32, #tpu.memory_space<vmem>>, %arg6: memref<128x128xf32, #tpu.memory_space<vmem>>, %arg7: memref<2000x128xf32, #tpu.memory_space<vmem>>) attributes {dimension_semantics = [#tpu.dimension_semantics<arbitrary>], iteration_bounds = array<i64: 5>, scalar_prefetch = 0 : i64, scratch_operands = 0 : i64, tpu.core_type = #tpu.core_type<tc>, window_params = [{transform_indices = @transform_0, window_bounds = array<i64: 2000, 128>}, {transform_indices = @transform_1, window_bounds = array<i64: 2000, 128>}, {transform_indices = @transform_2, window_bounds = array<i64: 2000, 128>}, {transform_indices = @transform_3, window_bounds = array<i64: 2000, 1>}, {pipeline_mode = #tpu.pipeline_mode<synchronous>, transform_indices = @transform_4, window_bounds = array<i64: 1, 128>}, {pipeline_mode = #tpu.pipeline_mode<synchronous>, transform_indices = @transform_5, window_bounds = array<i64: 128, 128>}, {transform_indices = @transform_6, window_bounds = array<i64: 2000, 128>}]} {
    %get3A = arith.constant 0 : index
    %get3A_0 = arith.constant 0 : index
    %get3A_1 = vector.load %arg4[%get3A, %get3A_0] : memref<2000x1xf32, #tpu.memory_space<vmem>>, vector<2000x1xf32>
    %get3A_2 = arith.constant 0 : index
    %get3A_3 = arith.constant 0 : index
    %get3A_4 = vector.load %arg1[%get3A_2, %get3A_3] : memref<2000x128xf32, #tpu.memory_space<vmem>>, vector<2000x128xf32>
    %get3A_5 = arith.constant 0 : index
    %get3A_6 = arith.constant 0 : index
    %get3A_7 = vector.load %arg2[%get3A_5, %get3A_6] : memref<2000x128xf32, #tpu.memory_space<vmem>>, vector<2000x128xf32>
    %add3A = arith.addf %get3A_4, %get3A_7 : vector<2000x128xf32>
    %get3A_8 = arith.constant 0 : index
    %get3A_9 = arith.constant 0 : index
    %get3A_10 = vector.load %arg3[%get3A_8, %get3A_9] : memref<2000x128xf32, #tpu.memory_space<vmem>>, vector<2000x128xf32>
    %sub3A = arith.subf %add3A, %get3A_10 : vector<2000x128xf32>
    %mul3A = vector.broadcast %get3A_1 : vector<2000x1xf32> to vector<2000x128xf32>
    %mul3A_11 = arith.mulf %sub3A, %mul3A : vector<2000x128xf32>
    %get3A_12 = arith.constant 0 : index
    %get3A_13 = arith.constant 0 : index
    %get3A_14 = vector.load %arg5[%get3A_12, %get3A_13] : memref<1x128xf32, #tpu.memory_space<vmem>>, vector<1x128xf32>
    %add3A_15 = vector.broadcast %get3A_14 : vector<1x128xf32> to vector<2000x128xf32>
    %add3A_16 = arith.addf %mul3A_11, %add3A_15 : vector<2000x128xf32>
    %max3A = arith.constant 0.000000e+00 : f32
    %max3A_17 = vector.broadcast %max3A : f32 to vector<2000x128xf32>
    %max3A_18 = arith.maximumf %add3A_16, %max3A_17 : vector<2000x128xf32>
    %get3A_19 = arith.constant 0 : index
    %get3A_20 = arith.constant 0 : index
    %get3A_21 = vector.load %arg6[%get3A_19, %get3A_20] : memref<128x128xf32, #tpu.memory_space<vmem>>, vector<128x128xf32>
    %dot_general3A = arith.constant dense<0.000000e+00> : vector<2000x128xf32>
    %dot_general3A_22 = tpu.matmul %max3A_18, %get3A_21, %dot_general3A {dimension_numbers = #tpu.dot_dimension_numbers<[1], [0], [0], [1], [0, 0, 1, 1], [], []>, transpose_lhs_hint = false} : vector<2000x128xf32>, vector<128x128xf32>, vector<2000x128xf32> -> vector<2000x128xf32>
    %mul3A_23 = vector.broadcast %get3A_1 : vector<2000x1xf32> to vector<2000x128xf32>
    %mul3A_24 = arith.mulf %dot_general3A_22, %mul3A_23 : vector<2000x128xf32>
    %swap3A = arith.constant 0 : index
    %swap3A_25 = arith.constant 0 : index
    %swap3A_26 = vector.load %arg7[%swap3A, %swap3A_25] : memref<2000x128xf32, #tpu.memory_space<vmem>>, vector<2000x128xf32>
    tpu.vector_store %arg7[%swap3A, %swap3A_25], %mul3A_24 {strides = array<i32>} : memref<2000x128xf32, #tpu.memory_space<vmem>>, vector<2000x128xf32>,
    return
  }
  func.func @transform_0(%arg0: i32) -> (i32, i32) {
    %c0_i32 = arith.constant 0 : i32
    %c0_i32_0 = arith.constant 0 : i32
    return %arg0, %c0_i32 : i32, i32
  }
  func.func @transform_1(%arg0: i32) -> (i32, i32) {
    %c0_i32 = arith.constant 0 : i32
    %c0_i32_0 = arith.constant 0 : i32
    return %arg0, %c0_i32 : i32, i32
  }
  func.func @transform_2(%arg0: i32) -> (i32, i32) {
    %c0_i32 = arith.constant 0 : i32
    %c0_i32_0 = arith.constant 0 : i32
    return %arg0, %c0_i32 : i32, i32
  }
  func.func @transform_3(%arg0: i32) -> (i32, i32) {
    %c0_i32 = arith.constant 0 : i32
    %c0_i32_0 = arith.constant 0 : i32
    return %arg0, %c0_i32 : i32, i32
  }
  func.func @transform_4(%arg0: i32) -> (i32, i32) {
    %c0_i32 = arith.constant 0 : i32
    %c0_i32_0 = arith.constant 0 : i32
    %c0_i32_1 = arith.constant 0 : i32
    return %c0_i32, %c0_i32_0 : i32, i32
  }
  func.func @transform_5(%arg0: i32) -> (i32, i32) {
    %c0_i32 = arith.constant 0 : i32
    %c0_i32_0 = arith.constant 0 : i32
    %c0_i32_1 = arith.constant 0 : i32
    return %c0_i32, %c0_i32_0 : i32, i32
  }
  func.func @transform_6(%arg0: i32) -> (i32, i32) {
    %c0_i32 = arith.constant 0 : i32
    %c0_i32_0 = arith.constant 0 : i32
    return %arg0, %c0_i32 : i32, i32
  }
}

module attributes {stable_mosaic.version = 14 : i64} {
  func.func @_tc_final_body(%arg0: i32, %arg1: memref<2000x128xf32, #tpu.memory_space<vmem>>, %arg2: memref<2000x128xf32, #tpu.memory_space<vmem>>, %arg3: memref<2000x128xf32, #tpu.memory_space<vmem>>, %arg4: memref<2000x1xf32, #tpu.memory_space<vmem>>, %arg5: memref<1x128xf32, #tpu.memory_space<vmem>>, %arg6: memref<2000x128xf32, #tpu.memory_space<vmem>>) attributes {dimension_semantics = [#tpu.dimension_semantics<arbitrary>], iteration_bounds = array<i64: 5>, scalar_prefetch = 0 : i64, scratch_operands = 0 : i64, tpu.core_type = #tpu.core_type<tc>, window_params = [{transform_indices = @transform_0, window_bounds = array<i64: 2000, 128>}, {transform_indices = @transform_1, window_bounds = array<i64: 2000, 128>}, {transform_indices = @transform_2, window_bounds = array<i64: 2000, 128>}, {transform_indices = @transform_3, window_bounds = array<i64: 2000, 1>}, {pipeline_mode = #tpu.pipeline_mode<synchronous>, transform_indices = @transform_4, window_bounds = array<i64: 1, 128>}, {transform_indices = @transform_5, window_bounds = array<i64: 2000, 128>}]} {
    %get3A = arith.constant 0 : index
    %get3A_0 = arith.constant 0 : index
    %get3A_1 = vector.load %arg1[%get3A, %get3A_0] : memref<2000x128xf32, #tpu.memory_space<vmem>>, vector<2000x128xf32>
    %get3A_2 = arith.constant 0 : index
    %get3A_3 = arith.constant 0 : index
    %get3A_4 = vector.load %arg2[%get3A_2, %get3A_3] : memref<2000x128xf32, #tpu.memory_space<vmem>>, vector<2000x128xf32>
    %add3A = arith.addf %get3A_1, %get3A_4 : vector<2000x128xf32>
    %get3A_5 = arith.constant 0 : index
    %get3A_6 = arith.constant 0 : index
    %get3A_7 = vector.load %arg3[%get3A_5, %get3A_6] : memref<2000x128xf32, #tpu.memory_space<vmem>>, vector<2000x128xf32>
    %sub3A = arith.subf %add3A, %get3A_7 : vector<2000x128xf32>
    %get3A_8 = arith.constant 0 : index
    %get3A_9 = arith.constant 0 : index
    %get3A_10 = vector.load %arg4[%get3A_8, %get3A_9] : memref<2000x1xf32, #tpu.memory_space<vmem>>, vector<2000x1xf32>
    %mul3A = vector.broadcast %get3A_10 : vector<2000x1xf32> to vector<2000x128xf32>
    %mul3A_11 = arith.mulf %sub3A, %mul3A : vector<2000x128xf32>
    %get3A_12 = arith.constant 0 : index
    %get3A_13 = arith.constant 0 : index
    %get3A_14 = vector.load %arg5[%get3A_12, %get3A_13] : memref<1x128xf32, #tpu.memory_space<vmem>>, vector<1x128xf32>
    %add3A_15 = vector.broadcast %get3A_14 : vector<1x128xf32> to vector<2000x128xf32>
    %add3A_16 = arith.addf %mul3A_11, %add3A_15 : vector<2000x128xf32>
    %swap3A = arith.constant 0 : index
    %swap3A_17 = arith.constant 0 : index
    %swap3A_18 = vector.load %arg6[%swap3A, %swap3A_17] : memref<2000x128xf32, #tpu.memory_space<vmem>>, vector<2000x128xf32>
    tpu.vector_store %arg6[%swap3A, %swap3A_17], %add3A_16 {strides = array<i32>} : memref<2000x128xf32, #tpu.memory_space<vmem>>, vector<2000x128xf32>,
    return
  }
  func.func @transform_0(%arg0: i32) -> (i32, i32) {
    %c0_i32 = arith.constant 0 : i32
    %c0_i32_0 = arith.constant 0 : i32
    return %arg0, %c0_i32 : i32, i32
  }
  func.func @transform_1(%arg0: i32) -> (i32, i32) {
    %c0_i32 = arith.constant 0 : i32
    %c0_i32_0 = arith.constant 0 : i32
    return %arg0, %c0_i32 : i32, i32
  }
  func.func @transform_2(%arg0: i32) -> (i32, i32) {
    %c0_i32 = arith.constant 0 : i32
    %c0_i32_0 = arith.constant 0 : i32
    return %arg0, %c0_i32 : i32, i32
  }
  func.func @transform_3(%arg0: i32) -> (i32, i32) {
    %c0_i32 = arith.constant 0 : i32
    %c0_i32_0 = arith.constant 0 : i32
    return %arg0, %c0_i32 : i32, i32
  }
  func.func @transform_4(%arg0: i32) -> (i32, i32) {
    %c0_i32 = arith.constant 0 : i32
    %c0_i32_0 = arith.constant 0 : i32
    %c0_i32_1 = arith.constant 0 : i32
    return %c0_i32, %c0_i32_0 : i32, i32
  }
  func.func @transform_5(%arg0: i32) -> (i32, i32) {
    %c0_i32 = arith.constant 0 : i32
    %c0_i32_0 = arith.constant 0 : i32
    return %arg0, %c0_i32 : i32, i32
  }
}

</mosaic_0001>

<sc_bundles>
// kernel: kernel.10.cloned.1.call-start
scs
__scs_entry_jumppad:
0x0: {  	(pc) =	sbr.rel $0x88, $3  }
0x1: {  	(tag) =	ssettag $0x0;
	lr =	simm.s32 $0x1  }
0x2: {  	[smem:$0x3F99] =	sst lr;
	_ =	strace $0xD0000000  }
0x3: {  	_ = 	snop  }
0x4: {  	_ = 	snop  }
0x5: {  	_ = 	snop  }
0x6: {  	_ = 	snop  }
0x7: {  	_ = 	snop  }
__scs_overlays_trampoline_lowered:
0x8: {  	[smem:$0x3FA8] =	sst s0  }
0x9: {  	[smem:$0x3FA9] =	sst s1  }
0xa: {  	[smem:$0x3FAA] =	sst s2  }
0xb: {  	[smem:$0x3FAB] =	sst s3  }
0xc: {  	[smem:$0x3FAC] =	sst s4  }
0xd: {  	[smem:$0x3FAD] =	sst s5  }
0xe: {  	[smem:$0x3FAE] =	sst s6  }
0xf: {  	[smem:$0x3FAF] =	sst s7  }
0x10: {  	[smem:$0x3FB0] =	sst s8  }
0x11: {  	[smem:$0x3FB1] =	sst s9;
	s0 =	simm.s32 @!p0 $0x0  }
0x12: {  	s1 =	sld [smem:$0x3F97];
	s0 =	simm.s32 @p0 $0x1  }
0x13: {  	[smem:$0x3FB2] =	sst s0;
	s0 =	simm.s32 @!p1 $0x0  }
0x14: {  	s2 =	sld [smem:$0x3F96];
	s0 =	simm.s32 @p1 $0x1  }
0x15: {  	[smem:$0x3FB3] =	sst s0;
	s0 =	simm.s32 @!p2 $0x0  }
0x16: {  	s3 =	sld [smem:$0x3FDB];
	s0 =	simm.s32 @p2 $0x1  }
0x17: {  	s4 =	simm.s32 $0x1BF5;
	[smem:$0x3FB5] =	sst s0  }
0x18: {  	s0 =	sld [smem:$0x3F98];
	_ =	swait.ge [sflag:s4], $0x0  }
0x19: {  	s7 =	sld [smem:$0x3F99]  }
0x1a: {  	s8 =	sadd.s32 $0xFFFFE003, lr  }
0x1b: {  	s9 =	sadd.s32 $0xFFFFFEF7, lr;
	s5 =	simm.s32 $0xFFFFFFFF;
	p2 =	slt.u32 s8, $0xFFFFF086  }
0x1c: {  	p1 =	slt.u32 s9, $0xF7A;
	s5 =	simm.s32 @!p2 $0x0  }
0x1d: {  	s5 =	simm.s32 @p1 $0x1;
	p0 =	seq.s32 s7, s2  }
0x1e: {  	s7 =	smul.u32 @!p0 $0xF7A, s2;
	p2 =	seq.s32 @!p0 s5, $0x0  }
0x1f: {  	s9 =	smul.u32 $0xF7A, s1;
	s8 =	simm.s32 @!p0 $0x1BF5;
	p2 =	por !p2, p0  }
0x20: {  	[sflag:s8] =	ssyncset.s32 @!p0 $0xFFFFF086;
	s6 =	sadd.s32 @!p0 s3, s7;
	s7 =	simm.s32 @!p0 $0x108  }
0x21: {  	s3 =	sadd.s32 s3, s9;
	s6 =	sadd.s32 @!p0 $0x88, s6;
	s7 =	simm.s32 @p2 $0x1082  }
0x22: {  	[simem:s7], [sflag:s8] =	dma.local @!p0 [hbm:s6], $0xF7A  }
0x23: {  	s9 =	sor.u32 $0xD0000000, s2;
	s6 =	simm.s32 $0x108;
	_ =	swait.ge @!p0 [sflag:s8], $0x0  }
0x24: {  	s3 =	sadd.s32 $0x88, s3;
	s6 =	simm.s32 @!p1 $0x1082;
	[sflag:s4] =	ssyncset.s32 $0xFFFFF086  }
0x25: {  	[simem:s6], [sflag:s4] =	dma.local [hbm:s3], $0xF7A  }
0x26: {  	[smem:$0x3F99] =	sst s1;
	(tag) =	ssettag s2;
	_ =	strace s9  }
0x27: {  	s1 =	sld [smem:$0x3FA9]  }
0x28: {  	s2 =	sld [smem:$0x3FAA]  }
0x29: {  	s4 =	sld [smem:$0x3FAC]  }
0x2a: {  	p0 =	seq.s32 s5, $0x0;
	s5 =	sld [smem:$0x3FAD]  }
0x2b: {  	s6 =	sld [smem:$0x3FAE]  }
0x2c: {  	s7 =	sld [smem:$0x3FAF]  }
0x2d: {  	s3 =	simm.s32 $0x108;
	s8 =	sld [smem:$0x3FB0]  }
0x2e: {  	s3 =	simm.s32 @!p0 $0x1082;
	s9 =	sld [smem:$0x3FB1]  }
0x2f: {  	lr =	sadd.s32 s0, s3;
	s0 =	sld [smem:$0x3FA8]  }
0x30: {  	s3 =	sld [smem:$0x3FAB]  }
0x31: {  	[smem:$0x3FB4] =	sst s10  }
0x32: {  	s10 =	sld [smem:$0x3FB2];
	_ =	sdelay $0x3  }
0x33: {  	p0 =	seq.s32 s10, $0x1;
	s10 =	sld [smem:$0x3FB4];
	_ =	sdelay $0x3  }
0x34: {  	[smem:$0x3FB4] =	sst s10  }
0x35: {  	s10 =	sld [smem:$0x3FB3];
	_ =	sdelay $0x3  }
0x36: {  	p1 =	seq.s32 s10, $0x1;
	s10 =	sld [smem:$0x3FB4];
	_ =	sdelay $0x3  }
0x37: {  	[smem:$0x3FB4] =	sst s10  }
0x38: {  	s10 =	sld [smem:$0x3FB5]  }
0x39: {  	_ = 	snop;
	(pc) =	sbr.ind lr, $3  }
0x3a: {  	_ = 	snop  }
0x3b: {  	_ = 	snop  }
0x3c: {  	p2 =	seq.s32 s10, $0x1;
	s10 =	sld [smem:$0x3FB4]  }
0x3d: {  	_ =	shalt  }
0x3e: {  	_ =	shalt  }
0x3f: {  	_ =	shalt  }
0x40: {  	_ =	shalt  }
0x41: {  	_ =	shalt  }
0x42: {  	_ =	shalt  }
0x43: {  	_ =	shalt  }
0x44: {  	_ =	shalt  }
0x45: {  	_ =	shalt  }
0x46: {  	_ =	shalt  }
0x47: {  	_ =	shalt  }
0x48: {  	_ =	shalt  }
0x49: {  	_ =	shalt  }
0x4a: {  	_ =	shalt  }
0x4b: {  	_ =	shalt  }
0x4c: {  	_ =	shalt  }
0x4d: {  	_ =	shalt  }
0x4e: {  	_ =	shalt  }
0x4f: {  	_ =	shalt  }
0x50: {  	_ =	shalt  }
0x51: {  	_ =	shalt  }
0x52: {  	_ =	shalt  }
0x53: {  	_ =	shalt  }
0x54: {  	_ =	shalt  }
0x55: {  	_ =	shalt  }
0x56: {  	_ =	shalt  }
0x57: {  	_ =	shalt  }
0x58: {  	_ =	shalt  }
0x59: {  	_ =	shalt  }
0x5a: {  	_ =	shalt  }
0x5b: {  	_ =	shalt  }
0x5c: {  	_ =	shalt  }
0x5d: {  	_ =	shalt  }
0x5e: {  	_ =	shalt  }
0x5f: {  	_ =	shalt  }
0x60: {  	_ =	shalt  }
0x61: {  	_ =	shalt  }
0x62: {  	_ =	shalt  }
0x63: {  	_ =	shalt  }
0x64: {  	_ =	shalt  }
0x65: {  	_ =	shalt  }
0x66: {  	_ =	shalt  }
0x67: {  	_ =	shalt  }
0x68: {  	_ =	shalt  }
0x69: {  	_ =	shalt  }
0x6a: {  	_ =	shalt  }
0x6b: {  	_ =	shalt  }
0x6c: {  	_ =	shalt  }
0x6d: {  	_ =	shalt  }
0x6e: {  	_ =	shalt  }
0x6f: {  	_ =	shalt  }
0x70: {  	_ =	shalt  }
0x71: {  	_ =	shalt  }
0x72: {  	_ =	shalt  }
0x73: {  	_ =	shalt  }
0x74: {  	_ =	shalt  }
0x75: {  	_ =	shalt  }
0x76: {  	_ =	shalt  }
0x77: {  	_ =	shalt  }
0x78: {  	_ =	shalt  }
0x79: {  	_ =	shalt  }
0x7a: {  	_ =	shalt  }
0x7b: {  	_ =	shalt  }
0x7c: {  	_ =	shalt  }
0x7d: {  	_ =	shalt  }
0x7e: {  	_ =	shalt  }
0x7f: {  	_ =	shalt  }
0x80: {  	_ =	shalt  }
0x81: {  	_ =	shalt  }
0x82: {  	_ =	shalt  }
0x83: {  	_ =	shalt  }
0x84: {  	_ =	shalt  }
0x85: {  	_ =	shalt  }
0x86: {  	_ =	shalt  }
0x87: {  	_ =	shalt  }
.Lfunc_end0:
.L_simem_size_0:
called_computation_lowered:
.L_overlay_start_0:
0x88: {  	s2 =	sld [smem:$0x3FD9]  }
0x89: {  	s3 =	sld [smem:$0x3FFE];
	_ =	sdelay $0x1  }
0x8a: {  	s1 =	srdreg.scid  }
0x8b: {  	s0 =	sand.u32 $0x1, s1  }
0x8c: {  	s17 =	sshll.u32 s0, $0xA;
	s2 =	sadd.s32 s3, s2  }
0x8d: {  	s2 =	sadd.s32 s2, s17  }
0x8e: {  	[smem:$0x3FC0] =	sst s2  }
0x8f: {  	_ = 	snop  }
0x90: {  	s2 =	sld [smem:$0x3FD0];
	(tm) =	ssettm $0x1  }
0x91: {  	s18 =	sld [smem:$0x3FFB];
	_ =	sdelay $0x3  }
0x92: {  	_ =	strace s18  }
0x93: {  	s3 =	sld [smem:$0x3FFC];
	_ =	sdelay $0x3  }
0x94: {  	_ =	strace s3  }
0x95: {  	s3 =	sld [smem:$0x3FFD];
	_ =	sdelay $0x3  }
0x96: {  	_ =	strace s3  }
0x97: {  	_ =	strace $0x8FFFFFFF  }
0x98: {  	s19 =	sld [smem:$0x3FDB];
	_ =	sdelay $0x1  }
0x99: {  	s4 =	simm.s32 $_scs_section_size  }
0x9a: {  	s5 =	simm.s32 $_size__tile_overlayer_lowered;
	s6 =	simm.s32 $_tile_overlayer_lowered  }
0x9b: {  	s22 =	simm.s32 $0x1BFF;
	s21 =	sshll.u32 s6, $0x1;
	s3 =	sadd.s32 s4, s19  }
0x9c: {  	s7 =	simm.s32 $0x0;
	s20 =	sshll.u32 s5, $0x1;
	s5 =	sadd.s32 s21, s3  }
0x9d: {  	[timem:s7], [sflag:s22] =	dma.local [hbm:s5], s20  }
0x9e: {  	_ =	swait.ge [sflag:s22], s20  }
0x9f: {  	s4 =	ssub.s32 $0x0, s20;
	[sflag:s22] =	ssyncset.done $0x0  }
0xa0: {  	[sflag:s22] =	ssyncadd.s32 s4;
	_ =	sdelay $0x1  }
0xa1: {  	s23 =	simm.s32 $0x1B8B  }
0xa2: {  	_ =	swait.ge [sflag:s23], $0x1  }
0xa3: {  	[sflag:s23] =	ssyncset.done $0x0  }
0xa4: {  	s25 =	simm.s32 $0x1B8E;
	s24 =	sld [smem:$0x3FFE];
	[sflag:s23] =	ssyncadd.s32 $0xFFFFFFFF  }
0xa5: {  	s26 =	simm.s32 $execute0_lowered;
	[smem:$0x3FD2] =	sst s25  }
0xa6: {  	s5 =	sshll.u32 s26, $0x1;
	_ =	strace $0x80000046;
	[dreg:$0x1] =	wrdreg $0xFFFFFFFF  }
0xa7: {  	s28 =	simm.s32 $_size_execute0_lowered;
	s3 =	sadd.s32 s3, s5;
	[dreg:$0x0] =	wrdreg $0x0  }
0xa8: {  	s5 =	sshll.u32 s28, $0x1;
	[dreg:$0x2] =	wrdreg s3  }
0xa9: {  	[dreg:$0x3] =	wrdreg s5  }
0xaa: {  	[dreg:$0x4] =	wrdreg $0xC0  }
0xab: {  	_ =	task [dreg:s7], $0x5FFFF  }
0xac: {  	[dreg:$0x1] =	wrdreg $0xFFFFFFFF  }
0xad: {  	[dreg:$0x0] =	wrdreg $0x60  }
0xae: {  	[dreg:$0x2] =	wrdreg s2  }
0xaf: {  	[dreg:$0x3] =	wrdreg s24  }
0xb0: {  	[dreg:$0x4] =	wrdreg $0x90000  }
0xb1: {  	[dreg:$0x5] =	wrdreg $0x9  }
0xb2: {  	_ =	task.clear_ibuf [dreg:s7], $0x6FFFF;
	_ =	strace $0x90000046  }
0xb3: {  	s29 =	simm.s32 $0x9;
	_ =	strace $0x80000048  }
0xb4: {  	_ =	swait.ge [sflag:s29], $0x1  }
0xb5: {  	[sflag:s29] =	ssyncadd.s32 $0xFFFFFFFF  }
0xb6: {  	_ =	strace $0x90000048  }
0xb7: {  	_ =	sfence  }
0xb8: {  	s30 =	sld [smem:$0x0];
	_ =	sdelay $0x2  }
0xb9: {  	s31 =	sshll.u32 s1, $0xD;
	s1 =	sshrl.u32 s1, $0x2  }
0xba: {  	s3 =	sand.u32 $0x4000, s31;
	s1 =	sadd.s32 s1, s30  }
0xbb: {  	s0 =	sor.u32 s3, s0;
	s1 =	sshll.u32 s1, $0x11  }
0xbc: {  	s0 =	sor.u32 s1, s0  }
0xbd: {  	s0 =	sadd.s32 $0x8F2B, s0  }
0xbe: {  	[sflag:s0] =	ssyncadd.remote.s32 $0x1  }
0xbf: {  	_ =	sfence.sel $0xFFFF  }
0xc0: {  	[dreg:$0x0] =	wrdreg $0xFFFFFFFF;
	(pc) =	sbr.abs _section_cstart, $3  }
0xc1: {  	[dreg:$0x1] =	wrdreg $0xFFFFFFFF  }
0xc2: {  	_ =	task.clear_ibuf [dreg:s7], $0x2FFFF;
	_ =	strace $0x9FFFFFFF  }
0xc3: {  	(tm) =	ssettm $0x7FFFFFFF  }
tec
execute0_lowered:
.L_overlay_start_1:
0x0: {  	(tag) =	ssettag $0x1  }
0x1: {  	s3 =	rddreg [dreg:$0x0]  }
0x2: {  	s4 =	rddreg [dreg:$0x1]  }
0x3: {  	s5 =	rddreg [dreg:$0x2]  }
0x4: {  	s0 =	rddreg [dreg:$0x3]  }
0x5: {  	s6 =	srdreg.scid;
	s1 =	stileid.u32;
	s2 =	simm.s32 $0x0  }
0x6: {  	s12 =	simm.s32 $0x1400;
	s13 =	simm.s32 $0x14000;
	s14 =	simm.s32 $0x6800  }
0x7: {  	s15 =	simm.s32 $0x100;
	s16 =	simm.s32 $0x0;
	s6 =	sand.u32 $0x1, s6  }
0x8: {  	s7 =	smul.u32 $0x500, s1;
	[smem:$0x7FF] =	sst s2;
	s9 =	sshrl.u32 s1, $0x3  }
0x9: {  	s29 =	sshll.u32 s1, $0xC;
	s10 =	sshll.u32 s1, $0x7;
	s11 =	smul.u32 $0x5000, s1  }
0xa: {  	s8 =	sshll.u32 s6, $0x7;
	_ =	strace $0x80000047;
	s26 =	ssub.s32 $0x2, s6  }
0xb: {  	s9 =	smul.u32 $0x50000, s9;
	s6 =	sshll.u32 s6, $0xB;
	s30 =	sand.u32 $0x380, s10  }
0xc: {  	s10 =	simm.s32 $0x80;
	s7 =	sor.u32 s8, s7;
	s28 =	sshrl.u32 s26, $0x1  }
0xd: {  	s3 =	sadd.s32 s3, s6;
	s31 =	sshrl.u32 s11, $0x2;
	s11 =	simm.s32 $0x400  }
0xe: {  	s7 =	sshrl.u32 s7, $0x3;
	s8 =	ssub.s32 s26, s28;
	s9 =	sshrl.u32 s9, $0x2  }
0xf: {  	s3 =	sadd.s32 s29, s3;
	s7 =	sadd.s32 s7, s4;
	s9 =	sadd.s32 s9, s5  }
0x10: {  	s5 =	sadd.s32 s31, s5;
	s4 =	sadd.s32 s30, s9;
	s6 =	sadd.s32 $0x4800, s7  }
0x11: {  	v0 =	vimm.f32 $0.0e+00;
	v1 =	vimm.f32 $1.000000000e+00;
	s7 =	smax.u32 s8, $0x1;
	s8 =	simm.s32 $0x1;
	s9 =	simm.s32 $0x4000  }
.LBB2_1:
0x12: {  	[tilespmem:s2], [sflag:$0x1] =	stream.linear.gather [hbm4b:s3+s2], $0x3E80, $0x38;
	[tilespmem:$0xB800] =	vst v63  }
0x13: {  	_ =	swait.ge [sflag:s8], $0x3E80  }
0x14: {  	[sflag:s8] =	ssyncset.done $0x0  }
0x15: {  	s17 =	simm.s32 $0x0;
	[sflag:s8] =	ssyncadd.s32 $0xFFFFC180  }
.LBB2_2:
0x16: {  	p0 =	sne.s32 s17, $0x9FC0  }
.Ltmp0:
0x17: {  	_ = 	snop;
	(pc) =	sbr.rel @p0 .LBB2_2-.Ltmp0, $3  }
0x18: {  	_ =	sdelay $0x1  }
0x19: {  	s18 =	sshra.s32 s17, $0x2  }
0x1a: {  	s17 =	sadd.s32 $0x40, s17;
	[tilespmem:s18+$0x4000] =	vst v0  }
0x1b: {  	s17 =	simm.s32 $0x0  }
.LBB2_4:
0x1c: {  	s18 =	sshra.s32 s17, $0x2  }
0x1d: {  	v2 =	vld [tilespmem:s18+$0x0];
	_ =	sdelay $0x7  }
0x1e: {  	[tilespmem:v2+s9+$0x0] =	vst.idx.add.f32.msk $0xffff, v1  }
0x1f: {  	v2 =	vld [tilespmem:s18+$0x10];
	_ =	sdelay $0x7  }
0x20: {  	[tilespmem:v2+s9+$0x0] =	vst.idx.add.f32.msk $0xffff, v1  }
0x21: {  	v2 =	vld [tilespmem:s18+$0x20];
	_ =	sdelay $0x7  }
0x22: {  	[tilespmem:v2+s9+$0x0] =	vst.idx.add.f32.msk $0xffff, v1  }
0x23: {  	v2 =	vld [tilespmem:s18+$0x30];
	_ =	sdelay $0x7  }
0x24: {  	[tilespmem:v2+s9+$0x0] =	vst.idx.add.f32.msk $0xffff, v1  }
0x25: {  	v2 =	vld [tilespmem:s18+$0x40];
	_ =	sdelay $0x2  }
0x26: {  	p0 =	sne.s32 s17, $0xF800  }
.Ltmp1:
0x27: {  	_ = 	snop;
	(pc) =	sbr.rel @p0 .LBB2_4-.Ltmp1, $2  }
0x28: {  	_ =	sdelay $0x2  }
0x29: {  	s17 =	sadd.s32 $0x200, s17;
	[tilespmem:v2+s9+$0x0] =	vst.idx.add.f32.msk $0xffff, v1  }
0x2a: {  	s17 =	simm.s32 $0x4000  }
0x2b: {  	[spmem:s4] =	stream.strided.scatter [tilespmem:s17], [sflag:$0x1], $0x2800, s11, s10, $0x38;
	[tilespmem:$0xB800] =	vst v63  }
0x2c: {  	_ =	swait.ge [sflag:s8], $0x2800  }
0x2d: {  	[sflag:s8] =	ssyncset.done $0x0  }
0x2e: {  	[sflag:s8] =	ssyncadd.s32 $0xFFFFD800  }
0x2f: {  	[bflag:$0x0] =	sbarrier.arrive $0xFFFF  }
0x30: {  	[tilespmem:s14], [sflag:$0x1] =	stream.strided.gather [spmem:s5], $0x2800, s13, s12, $0x38;
	[tilespmem:$0xB800] =	vst v63  }
0x31: {  	s18 =	simm.s32 $0x0;
	_ =	swait.ge [sflag:s8], $0x2800  }
0x32: {  	s19 =	sand.u32 $0x70, s18;
	s18 =	sand.u32 $0x1C00, s18;
	[sflag:s8] =	ssyncset.done $0x0  }
0x33: {  	s18 =	sor.u32 s19, s18;
	[sflag:s8] =	ssyncadd.s32 $0xFFFFD800  }
0x34: {  	v2 =	vld [tilespmem:s18+$0x6800];
	_ =	sdelay $0x1  }
0x35: {  	v3 =	vld [tilespmem:s18+$0x6880];
	_ =	sdelay $0x1  }
0x36: {  	v4 =	vld [tilespmem:s18+$0x6900]  }
0x37: {  	v2 =	vadd.f32 $0.0e+00, v2  }
0x38: {  	v5 =	vld [tilespmem:s18+$0x6980]  }
0x39: {  	v2 =	vadd.f32 v3, v2  }
0x3a: {  	v3 =	vld [tilespmem:s18+$0x6A00]  }
0x3b: {  	v2 =	vadd.f32 v4, v2  }
0x3c: {  	v56 =	vld [tilespmem:s18+$0x6A80]  }
0x3d: {  	v2 =	vadd.f32 v5, v2  }
0x3e: {  	v57 =	vld [tilespmem:s18+$0x6B00]  }
0x3f: {  	v2 =	vadd.f32 v3, v2  }
0x40: {  	v3 =	vld [tilespmem:s18+$0x6B80]  }
0x41: {  	v2 =	vadd.f32 v56, v2  }
0x42: {  	v58 =	vld [tilespmem:s18+$0x7C00]  }
0x43: {  	v2 =	vadd.f32 v57, v2  }
0x44: {  	v59 =	vld [tilespmem:s18+$0x7C80]  }
0x45: {  	v2 =	vadd.f32 v3, v2  }
0x46: {  	v3 =	vld [tilespmem:s18+$0x7D00]  }
0x47: {  	v2 =	vadd.f32 v58, v2  }
0x48: {  	v60 =	vld [tilespmem:s18+$0x7D80]  }
0x49: {  	v2 =	vadd.f32 v59, v2  }
0x4a: {  	v61 =	vld [tilespmem:s18+$0x7E00]  }
0x4b: {  	v2 =	vadd.f32 v3, v2  }
0x4c: {  	v3 =	vld [tilespmem:s18+$0x7E80]  }
0x4d: {  	v2 =	vadd.f32 v60, v2  }
0x4e: {  	v62 =	vld [tilespmem:s18+$0x7F00]  }
0x4f: {  	v2 =	vadd.f32 v61, v2  }
0x50: {  	v63 =	vld [tilespmem:s18+$0x7F80]  }
0x51: {  	v2 =	vadd.f32 v3, v2;
	_ =	sdelay $0x1  }
0x52: {  	v2 =	vadd.f32 v62, v2;
	_ =	sdelay $0x1  }
0x53: {  	s31 =	simm.s32 $0x10;
	s18 =	simm.s32 $0x80;
	v2 =	vadd.f32 v63, v2  }
0x54: {  	s20 =	sand.u32 $0x70, s31;
	s19 =	simm.s32 $0x20;
	s21 =	sand.u32 $0x1C00, s18  }
.LBB2_6:
0x55: {  	p0 =	sne.s32 s19, $0x270;
	s20 =	sor.u32 s20, s21;
	[tilespmem:s17+$0x0] =	vst v2  }
0x56: {  	v2 =	vld [tilespmem:s20+$0x6800];
	_ =	sdelay $0x1  }
0x57: {  	v3 =	vld [tilespmem:s20+$0x6880];
	_ =	sdelay $0x1  }
0x58: {  	v4 =	vld [tilespmem:s20+$0x6900]  }
0x59: {  	v2 =	vadd.f32 $0.0e+00, v2  }
0x5a: {  	v5 =	vld [tilespmem:s20+$0x6980]  }
0x5b: {  	v2 =	vadd.f32 v3, v2  }
0x5c: {  	v3 =	vld [tilespmem:s20+$0x6A00]  }
0x5d: {  	v2 =	vadd.f32 v4, v2  }
0x5e: {  	v4 =	vld [tilespmem:s20+$0x6A80]  }
0x5f: {  	v2 =	vadd.f32 v5, v2  }
0x60: {  	v5 =	vld [tilespmem:s20+$0x6B00]  }
0x61: {  	v2 =	vadd.f32 v3, v2  }
0x62: {  	v3 =	vld [tilespmem:s20+$0x6B80]  }
0x63: {  	v2 =	vadd.f32 v4, v2  }
0x64: {  	v4 =	vld [tilespmem:s20+$0x7C00]  }
0x65: {  	v2 =	vadd.f32 v5, v2  }
0x66: {  	v5 =	vld [tilespmem:s20+$0x7C80]  }
0x67: {  	v2 =	vadd.f32 v3, v2  }
0x68: {  	v3 =	vld [tilespmem:s20+$0x7D00]  }
0x69: {  	v2 =	vadd.f32 v4, v2  }
0x6a: {  	v4 =	vld [tilespmem:s20+$0x7D80]  }
0x6b: {  	v2 =	vadd.f32 v5, v2  }
0x6c: {  	v5 =	vld [tilespmem:s20+$0x7E00]  }
0x6d: {  	v2 =	vadd.f32 v3, v2  }
0x6e: {  	v3 =	vld [tilespmem:s20+$0x7E80]  }
0x6f: {  	v2 =	vadd.f32 v4, v2  }
0x70: {  	v4 =	vld [tilespmem:s20+$0x7F00]  }
0x71: {  	v2 =	vadd.f32 v5, v2  }
0x72: {  	v5 =	vld [tilespmem:s20+$0x7F80]  }
0x73: {  	v2 =	vadd.f32 v3, v2  }
.Ltmp2:
0x74: {  	(pc) =	sbr.rel @p0 .LBB2_6-.Ltmp2, $3  }
0x75: {  	v2 =	vadd.f32 v4, v2;
	_ =	sdelay $0x1  }
0x76: {  	s18 =	sadd.s32 $0x80, s18;
	s17 =	sadd.s32 $0x10, s17;
	v2 =	vadd.f32 v5, v2  }
0x77: {  	s21 =	sand.u32 $0x1C00, s18;
	s20 =	sand.u32 $0x70, s19;
	s19 =	sadd.s32 $0x10, s19  }
0x78: {  	s18 =	sor.u32 s20, s21;
	[tilespmem:s17+$0x0] =	vst v2  }
0x79: {  	v2 =	vld [tilespmem:s18+$0x6800];
	_ =	sdelay $0x1  }
0x7a: {  	v3 =	vld [tilespmem:s18+$0x6880];
	_ =	sdelay $0x1  }
0x7b: {  	v4 =	vld [tilespmem:s18+$0x6900]  }
0x7c: {  	v2 =	vadd.f32 $0.0e+00, v2  }
0x7d: {  	v5 =	vld [tilespmem:s18+$0x6980]  }
0x7e: {  	v2 =	vadd.f32 v3, v2  }
0x7f: {  	v3 =	vld [tilespmem:s18+$0x6A00]  }
0x80: {  	v2 =	vadd.f32 v4, v2  }
0x81: {  	v56 =	vld [tilespmem:s18+$0x6A80]  }
0x82: {  	v2 =	vadd.f32 v5, v2  }
0x83: {  	v57 =	vld [tilespmem:s18+$0x6B00]  }
0x84: {  	v2 =	vadd.f32 v3, v2  }
0x85: {  	v3 =	vld [tilespmem:s18+$0x6B80]  }
0x86: {  	v2 =	vadd.f32 v56, v2  }
0x87: {  	v58 =	vld [tilespmem:s18+$0x7C00]  }
0x88: {  	v2 =	vadd.f32 v57, v2  }
0x89: {  	v59 =	vld [tilespmem:s18+$0x7C80]  }
0x8a: {  	v2 =	vadd.f32 v3, v2  }
0x8b: {  	v3 =	vld [tilespmem:s18+$0x7D00]  }
0x8c: {  	v2 =	vadd.f32 v58, v2  }
0x8d: {  	v60 =	vld [tilespmem:s18+$0x7D80]  }
0x8e: {  	v2 =	vadd.f32 v59, v2  }
0x8f: {  	v61 =	vld [tilespmem:s18+$0x7E00]  }
0x90: {  	v2 =	vadd.f32 v3, v2  }
0x91: {  	v3 =	vld [tilespmem:s18+$0x7E80]  }
0x92: {  	v2 =	vadd.f32 v60, v2  }
0x93: {  	v62 =	vld [tilespmem:s18+$0x7F00]  }
0x94: {  	v2 =	vadd.f32 v61, v2  }
0x95: {  	v63 =	vld [tilespmem:s18+$0x7F80]  }
0x96: {  	v2 =	vadd.f32 v3, v2;
	_ =	sdelay $0x1  }
0x97: {  	v2 =	vadd.f32 v62, v2;
	_ =	sdelay $0x1  }
0x98: {  	s16 =	sadd.s32 $0x1, s16;
	v2 =	vadd.f32 v63, v2  }
0x99: {  	s31 =	sadd.s32 $0x10, s17;
	p0 =	sne.s32 s16, s7  }
.Ltmp3:
0x9a: {  	[tilespmem:s31+$0x0] =	vst v2;
	(pc) =	sbr.rel @p0 .LBB2_1-.Ltmp3, $4  }
0x9b: {  	[hbm4b:s6+s10] =	stream.strided.scatter [tilespmem:s9], [sflag:$0x1], $0x280, s15, s10, $0x38;
	[tilespmem:$0xB800] =	vst v63  }
0x9c: {  	_ =	swait.ge [sflag:s8], $0x280  }
0x9d: {  	[sflag:s8] =	ssyncset.done $0x0  }
0x9e: {  	[sflag:s8] =	ssyncadd.s32 $0xFFFFFD80  }
0x9f: {  	_ =	sfence.sel $0x180000  }
0xa0: {  	[bflag:$0x0] =	sbarrier.arrive $0xFFFF  }
0xa1: {  	p0 =	sne.s32 s1, $0x0;
	_ =	strace $0x90000047  }
0xa2: {  	s0 =	sadd.s32 @!p0 $0x100000, s0;
	[bflag:$0x2] =	sbarrier.arrive $0xFFFF  }
0xa3: {  	[sflag:s0] =	ssyncadd.tile.s32 @!p0 $0x1;
	_ =	shalt  }
.Lfunc_end2:
_tile_overlayer_lowered:
.L_overlay_start_2:
0xa4: {  	(tag) =	ssettag $0x2  }
0xa5: {  	s0 =	rddreg [dreg:$0x0];
	s2 =	stileid.u32  }
0xa6: {  	s1 =	rddreg [dreg:$0x1];
	p0 =	sne.s32 s2, $0x0  }
0xa7: {  	s3 =	rddreg [dreg:$0x2];
	[bflag:$0x3] =	sbarrier.arrive $0xFFFF;
	s2 =	simm.s32 @!p0 $0x1C01  }
0xa8: {  	[timem:s3], [sflag:s2] =	dma.local @!p0 [hbm:s0], s1  }
0xa9: {  	s0 =	simm.s32 @!p0 $0x1  }
0xaa: {  	_ =	swait.ge @!p0 [sflag:s0], s1  }
0xab: {  	s1 =	ssub.s32 @!p0 $0x0, s1;
	[sflag:s0] =	ssyncset.done @!p0 $0x0  }
0xac: {  	[sflag:s0] =	ssyncadd.s32 @!p0 s1  }
0xad: {  	[bflag:$0x3] =	sbarrier.arrive $0xFFFF  }
0xae: {  	_ =	shalt  }

// kernel: kernel.13.cloned.1.call-start
scs
__scs_entry_jumppad:
0x0: {  	(pc) =	sbr.rel $0x88, $3  }
0x1: {  	(tag) =	ssettag $0x0;
	lr =	simm.s32 $0x1  }
0x2: {  	[smem:$0x3F99] =	sst lr;
	_ =	strace $0xD0000000  }
0x3: {  	_ = 	snop  }
0x4: {  	_ = 	snop  }
0x5: {  	_ = 	snop  }
0x6: {  	_ = 	snop  }
0x7: {  	_ = 	snop  }
__scs_overlays_trampoline_lowered:
0x8: {  	[smem:$0x3FA8] =	sst s0  }
0x9: {  	[smem:$0x3FA9] =	sst s1  }
0xa: {  	[smem:$0x3FAA] =	sst s2  }
0xb: {  	[smem:$0x3FAB] =	sst s3  }
0xc: {  	[smem:$0x3FAC] =	sst s4  }
0xd: {  	[smem:$0x3FAD] =	sst s5  }
0xe: {  	[smem:$0x3FAE] =	sst s6  }
0xf: {  	[smem:$0x3FAF] =	sst s7  }
0x10: {  	[smem:$0x3FB0] =	sst s8  }
0x11: {  	[smem:$0x3FB1] =	sst s9;
	s0 =	simm.s32 @!p0 $0x0  }
0x12: {  	s1 =	sld [smem:$0x3F97];
	s0 =	simm.s32 @p0 $0x1  }
0x13: {  	[smem:$0x3FB2] =	sst s0;
	s0 =	simm.s32 @!p1 $0x0  }
0x14: {  	s2 =	sld [smem:$0x3F96];
	s0 =	simm.s32 @p1 $0x1  }
0x15: {  	[smem:$0x3FB3] =	sst s0;
	s0 =	simm.s32 @!p2 $0x0  }
0x16: {  	s3 =	sld [smem:$0x3FDB];
	s0 =	simm.s32 @p2 $0x1  }
0x17: {  	s4 =	simm.s32 $0x1BF5;
	[smem:$0x3FB5] =	sst s0  }
0x18: {  	s0 =	sld [smem:$0x3F98];
	_ =	swait.ge [sflag:s4], $0x0  }
0x19: {  	s7 =	sld [smem:$0x3F99]  }
0x1a: {  	s8 =	sadd.s32 $0xFFFFE003, lr  }
0x1b: {  	s9 =	sadd.s32 $0xFFFFFEF7, lr;
	s5 =	simm.s32 $0xFFFFFFFF;
	p2 =	slt.u32 s8, $0xFFFFF086  }
0x1c: {  	p1 =	slt.u32 s9, $0xF7A;
	s5 =	simm.s32 @!p2 $0x0  }
0x1d: {  	s5 =	simm.s32 @p1 $0x1;
	p0 =	seq.s32 s7, s2  }
0x1e: {  	s7 =	smul.u32 @!p0 $0xF7A, s2;
	p2 =	seq.s32 @!p0 s5, $0x0  }
0x1f: {  	s9 =	smul.u32 $0xF7A, s1;
	s8 =	simm.s32 @!p0 $0x1BF5;
	p2 =	por !p2, p0  }
0x20: {  	[sflag:s8] =	ssyncset.s32 @!p0 $0xFFFFF086;
	s6 =	sadd.s32 @!p0 s3, s7;
	s7 =	simm.s32 @!p0 $0x108  }
0x21: {  	s3 =	sadd.s32 s3, s9;
	s6 =	sadd.s32 @!p0 $0x88, s6;
	s7 =	simm.s32 @p2 $0x1082  }
0x22: {  	[simem:s7], [sflag:s8] =	dma.local @!p0 [hbm:s6], $0xF7A  }
0x23: {  	s9 =	sor.u32 $0xD0000000, s2;
	s6 =	simm.s32 $0x108;
	_ =	swait.ge @!p0 [sflag:s8], $0x0  }
0x24: {  	s3 =	sadd.s32 $0x88, s3;
	s6 =	simm.s32 @!p1 $0x1082;
	[sflag:s4] =	ssyncset.s32 $0xFFFFF086  }
0x25: {  	[simem:s6], [sflag:s4] =	dma.local [hbm:s3], $0xF7A  }
0x26: {  	[smem:$0x3F99] =	sst s1;
	(tag) =	ssettag s2;
	_ =	strace s9  }
0x27: {  	s1 =	sld [smem:$0x3FA9]  }
0x28: {  	s2 =	sld [smem:$0x3FAA]  }
0x29: {  	s4 =	sld [smem:$0x3FAC]  }
0x2a: {  	p0 =	seq.s32 s5, $0x0;
	s5 =	sld [smem:$0x3FAD]  }
0x2b: {  	s6 =	sld [smem:$0x3FAE]  }
0x2c: {  	s7 =	sld [smem:$0x3FAF]  }
0x2d: {  	s3 =	simm.s32 $0x108;
	s8 =	sld [smem:$0x3FB0]  }
0x2e: {  	s3 =	simm.s32 @!p0 $0x1082;
	s9 =	sld [smem:$0x3FB1]  }
0x2f: {  	lr =	sadd.s32 s0, s3;
	s0 =	sld [smem:$0x3FA8]  }
0x30: {  	s3 =	sld [smem:$0x3FAB]  }
0x31: {  	[smem:$0x3FB4] =	sst s10  }
0x32: {  	s10 =	sld [smem:$0x3FB2];
	_ =	sdelay $0x3  }
0x33: {  	p0 =	seq.s32 s10, $0x1;
	s10 =	sld [smem:$0x3FB4];
	_ =	sdelay $0x3  }
0x34: {  	[smem:$0x3FB4] =	sst s10  }
0x35: {  	s10 =	sld [smem:$0x3FB3];
	_ =	sdelay $0x3  }
0x36: {  	p1 =	seq.s32 s10, $0x1;
	s10 =	sld [smem:$0x3FB4];
	_ =	sdelay $0x3  }
0x37: {  	[smem:$0x3FB4] =	sst s10  }
0x38: {  	s10 =	sld [smem:$0x3FB5]  }
0x39: {  	_ = 	snop;
	(pc) =	sbr.ind lr, $3  }
0x3a: {  	_ = 	snop  }
0x3b: {  	_ = 	snop  }
0x3c: {  	p2 =	seq.s32 s10, $0x1;
	s10 =	sld [smem:$0x3FB4]  }
0x3d: {  	_ =	shalt  }
0x3e: {  	_ =	shalt  }
0x3f: {  	_ =	shalt  }
0x40: {  	_ =	shalt  }
0x41: {  	_ =	shalt  }
0x42: {  	_ =	shalt  }
0x43: {  	_ =	shalt  }
0x44: {  	_ =	shalt  }
0x45: {  	_ =	shalt  }
0x46: {  	_ =	shalt  }
0x47: {  	_ =	shalt  }
0x48: {  	_ =	shalt  }
0x49: {  	_ =	shalt  }
0x4a: {  	_ =	shalt  }
0x4b: {  	_ =	shalt  }
0x4c: {  	_ =	shalt  }
0x4d: {  	_ =	shalt  }
0x4e: {  	_ =	shalt  }
0x4f: {  	_ =	shalt  }
0x50: {  	_ =	shalt  }
0x51: {  	_ =	shalt  }
0x52: {  	_ =	shalt  }
0x53: {  	_ =	shalt  }
0x54: {  	_ =	shalt  }
0x55: {  	_ =	shalt  }
0x56: {  	_ =	shalt  }
0x57: {  	_ =	shalt  }
0x58: {  	_ =	shalt  }
0x59: {  	_ =	shalt  }
0x5a: {  	_ =	shalt  }
0x5b: {  	_ =	shalt  }
0x5c: {  	_ =	shalt  }
0x5d: {  	_ =	shalt  }
0x5e: {  	_ =	shalt  }
0x5f: {  	_ =	shalt  }
0x60: {  	_ =	shalt  }
0x61: {  	_ =	shalt  }
0x62: {  	_ =	shalt  }
0x63: {  	_ =	shalt  }
0x64: {  	_ =	shalt  }
0x65: {  	_ =	shalt  }
0x66: {  	_ =	shalt  }
0x67: {  	_ =	shalt  }
0x68: {  	_ =	shalt  }
0x69: {  	_ =	shalt  }
0x6a: {  	_ =	shalt  }
0x6b: {  	_ =	shalt  }
0x6c: {  	_ =	shalt  }
0x6d: {  	_ =	shalt  }
0x6e: {  	_ =	shalt  }
0x6f: {  	_ =	shalt  }
0x70: {  	_ =	shalt  }
0x71: {  	_ =	shalt  }
0x72: {  	_ =	shalt  }
0x73: {  	_ =	shalt  }
0x74: {  	_ =	shalt  }
0x75: {  	_ =	shalt  }
0x76: {  	_ =	shalt  }
0x77: {  	_ =	shalt  }
0x78: {  	_ =	shalt  }
0x79: {  	_ =	shalt  }
0x7a: {  	_ =	shalt  }
0x7b: {  	_ =	shalt  }
0x7c: {  	_ =	shalt  }
0x7d: {  	_ =	shalt  }
0x7e: {  	_ =	shalt  }
0x7f: {  	_ =	shalt  }
0x80: {  	_ =	shalt  }
0x81: {  	_ =	shalt  }
0x82: {  	_ =	shalt  }
0x83: {  	_ =	shalt  }
0x84: {  	_ =	shalt  }
0x85: {  	_ =	shalt  }
0x86: {  	_ =	shalt  }
0x87: {  	_ =	shalt  }
.Lfunc_end0:
.L_simem_size_0:
called_computation.1_lowered:
.L_overlay_start_0:
0x88: {  	s2 =	sld [smem:$0x3FD9]  }
0x89: {  	s3 =	sld [smem:$0x3FFE];
	_ =	sdelay $0x1  }
0x8a: {  	s1 =	srdreg.scid  }
0x8b: {  	s0 =	sand.u32 $0x1, s1  }
0x8c: {  	s17 =	sshll.u32 s0, $0xA;
	s2 =	sadd.s32 s3, s2  }
0x8d: {  	s2 =	sadd.s32 s2, s17  }
0x8e: {  	[smem:$0x3FC0] =	sst s2  }
0x8f: {  	_ = 	snop  }
0x90: {  	s2 =	sld [smem:$0x3FD0];
	(tm) =	ssettm $0x1  }
0x91: {  	s18 =	sld [smem:$0x3FFB];
	_ =	sdelay $0x3  }
0x92: {  	_ =	strace s18  }
0x93: {  	s3 =	sld [smem:$0x3FFC];
	_ =	sdelay $0x3  }
0x94: {  	_ =	strace s3  }
0x95: {  	s3 =	sld [smem:$0x3FFD];
	_ =	sdelay $0x3  }
0x96: {  	_ =	strace s3  }
0x97: {  	_ =	strace $0x8FFFFFFF  }
0x98: {  	s19 =	sld [smem:$0x3FDB];
	_ =	sdelay $0x1  }
0x99: {  	s4 =	simm.s32 $_scs_section_size  }
0x9a: {  	s5 =	simm.s32 $_size__tile_overlayer_lowered;
	s6 =	simm.s32 $_tile_overlayer_lowered  }
0x9b: {  	s22 =	simm.s32 $0x1BFF;
	s21 =	sshll.u32 s6, $0x1;
	s3 =	sadd.s32 s4, s19  }
0x9c: {  	s7 =	simm.s32 $0x0;
	s20 =	sshll.u32 s5, $0x1;
	s5 =	sadd.s32 s21, s3  }
0x9d: {  	[timem:s7], [sflag:s22] =	dma.local [hbm:s5], s20  }
0x9e: {  	_ =	swait.ge [sflag:s22], s20  }
0x9f: {  	s4 =	ssub.s32 $0x0, s20;
	[sflag:s22] =	ssyncset.done $0x0  }
0xa0: {  	[sflag:s22] =	ssyncadd.s32 s4;
	_ =	sdelay $0x1  }
0xa1: {  	s23 =	simm.s32 $0x1B8B  }
0xa2: {  	_ =	swait.ge [sflag:s23], $0x1  }
0xa3: {  	[sflag:s23] =	ssyncset.done $0x0  }
0xa4: {  	s25 =	simm.s32 $0x1B8E;
	s24 =	sld [smem:$0x3FFE];
	[sflag:s23] =	ssyncadd.s32 $0xFFFFFFFF  }
0xa5: {  	s26 =	simm.s32 $execute0_lowered;
	[smem:$0x3FD2] =	sst s25  }
0xa6: {  	s5 =	sshll.u32 s26, $0x1;
	_ =	strace $0x80000049;
	[dreg:$0x1] =	wrdreg $0xFFFFFFFF  }
0xa7: {  	s28 =	simm.s32 $_size_execute0_lowered;
	s3 =	sadd.s32 s3, s5;
	[dreg:$0x0] =	wrdreg $0x0  }
0xa8: {  	s5 =	sshll.u32 s28, $0x1;
	[dreg:$0x2] =	wrdreg s3  }
0xa9: {  	[dreg:$0x3] =	wrdreg s5  }
0xaa: {  	[dreg:$0x4] =	wrdreg $0xC0  }
0xab: {  	_ =	task [dreg:s7], $0x5FFFF  }
0xac: {  	[dreg:$0x1] =	wrdreg $0xFFFFFFFF  }
0xad: {  	[dreg:$0x0] =	wrdreg $0x60  }
0xae: {  	[dreg:$0x2] =	wrdreg s2  }
0xaf: {  	[dreg:$0x3] =	wrdreg s24  }
0xb0: {  	[dreg:$0x4] =	wrdreg $0xAC000  }
0xb1: {  	[dreg:$0x5] =	wrdreg $0x9  }
0xb2: {  	_ =	task.clear_ibuf [dreg:s7], $0x6FFFF;
	_ =	strace $0x90000049  }
0xb3: {  	s29 =	simm.s32 $0x9;
	_ =	strace $0x8000004B  }
0xb4: {  	_ =	swait.ge [sflag:s29], $0x1  }
0xb5: {  	[sflag:s29] =	ssyncadd.s32 $0xFFFFFFFF  }
0xb6: {  	_ =	strace $0x9000004B  }
0xb7: {  	_ =	sfence  }
0xb8: {  	s30 =	sld [smem:$0x0];
	_ =	sdelay $0x2  }
0xb9: {  	s31 =	sshll.u32 s1, $0xD;
	s1 =	sshrl.u32 s1, $0x2  }
0xba: {  	s3 =	sand.u32 $0x4000, s31;
	s1 =	sadd.s32 s1, s30  }
0xbb: {  	s0 =	sor.u32 s3, s0;
	s1 =	sshll.u32 s1, $0x11  }
0xbc: {  	s0 =	sor.u32 s1, s0  }
0xbd: {  	s0 =	sadd.s32 $0x8F2B, s0  }
0xbe: {  	[sflag:s0] =	ssyncadd.remote.s32 $0x1  }
0xbf: {  	_ =	sfence.sel $0xFFFF  }
0xc0: {  	[dreg:$0x0] =	wrdreg $0xFFFFFFFF;
	(pc) =	sbr.abs _section_cstart, $3  }
0xc1: {  	[dreg:$0x1] =	wrdreg $0xFFFFFFFF  }
0xc2: {  	_ =	task.clear_ibuf [dreg:s7], $0x2FFFF;
	_ =	strace $0x9FFFFFFF  }
0xc3: {  	(tm) =	ssettm $0x7FFFFFFF  }
tec
execute0_lowered:
.L_overlay_start_1:
0x0: {  	(tag) =	ssettag $0x1  }
0x1: {  	s1 =	rddreg [dreg:$0x0]  }
0x2: {  	s0 =	rddreg [dreg:$0x1]  }
0x3: {  	s2 =	rddreg [dreg:$0x2]  }
0x4: {  	s3 =	simm.s32 $0x0;
	s6 =	srdreg.scid;
	s16 =	stileid.u32  }
0x5: {  	s20 =	simm.s32 $0x10;
	s21 =	simm.s32 $0x28;
	s22 =	simm.s32 $0x11  }
0x6: {  	s23 =	simm.s32 $0xC;
	[smem:$0x7FF] =	sst s3;
	s4 =	sadd.s32 $0x37200, s0  }
0x7: {  	s5 =	sadd.s32 $0x5200, s0;
	s8 =	sand.u32 $0x1, s6;
	s7 =	smul.u32 $0x4E000, s16  }
0x8: {  	s0 =	sadd.s32 $0x90400, s0;
	s10 =	sshll.u32 s16, $0x1;
	s11 =	smul.u32 $0x13800, s16  }
0x9: {  	s18 =	sadd.s32 $0x138000, s2;
	s28 =	sadd.s32 $0x27000, s1;
	p0 =	sne.s32 s16, $0x0  }
0xa: {  	_ =	strace $0x8000004A;
	s6 =	ssub.s32 $0x2, s8;
	s24 =	sor.u32 s8, s10  }
0xb: {  	s13 =	smul.u32 $0x138800, s8;
	[dreg:$0x5] =	wrdreg s28;
	s9 =	sshrl.u32 s6, $0x1  }
0xc: {  	s7 =	sshrl.u32 s7, $0x2;
	s25 =	sshrl.u32 s11, $0x3;
	s12 =	smul.u32 $0xC800, s24  }
0xd: {  	s24 =	simm.s32 $0x12;
	s15 =	ssub.s32 s6, s9;
	s17 =	sadd.s32 s7, s2  }
0xe: {  	s26 =	sadd.s32 s1, s25;
	s7 =	sshll.u32 s16, $0x6;
	s19 =	sadd.s32 s11, s13  }
0xf: {  	s31 =	sshrl.u32 s13, $0x3;
	s25 =	simm.s32 $0x0;
	[dreg:$0x4] =	wrdreg s26  }
.Ltmp0:
0x10: {  	s8 =	sor.u32 $0x1C11, s7;
	s14 =	sshrl.u32 s12, $0x3;
	(pc) =	sbr.rel .LBB2_1-.Ltmp0, $4  }
0x11: {  	s30 =	sshrl.u32 s19, $0x3;
	s12 =	sadd.s32 $0x800, s12;
	s15 =	smax.u32 s15, $0x1  }
0x12: {  	s16 =	sshrl.u32 s17, $0x3;
	s17 =	sshrl.u32 @!p0 s18, $0x3;
	s19 =	simm.s32 $0xF  }
0x13: {  	s29 =	sadd.s32 s4, s14;
	s13 =	sadd.s32 s0, s30;
	s0 =	sadd.s32 s0, s31  }
0x14: {  	s11 =	sadd.s32 s5, s14;
	[dreg:$0x6] =	wrdreg s29;
	s14 =	sadd.s32 $0x27000, s0  }
.LBB2_7:
0x15: {  	_ =	swait.ge [sflag:s23], $0x1400  }
0x16: {  	[sflag:s23] =	ssyncset.done $0x0  }
0x17: {  	[sflag:s23] =	ssyncadd.s32 $0xFFFFEC00  }
0x18: {  	s0 =	sor.u32 $0x1C12, s7;
	[bflag:$0x0] =	sbarrier.arrive $0xFFFF  }
0x19: {  	[hbm:s13], [sflag:s0] =	dma.local [spmem:s16], $0x2700  }
0x1a: {  	_ =	swait.ge [sflag:s24], $0x2700  }
0x1b: {  	s25 =	sadd.s32 $0x1, s25;
	[sflag:s24] =	ssyncset.done $0x0  }
0x1c: {  	p1 =	sne.s32 s25, s15;
	[sflag:s24] =	ssyncadd.s32 $0xFFFFD900  }
0x1d: {  	[hbm:s14], [sflag:s0] =	dma.local @!p0 [spmem:s17], $0x100  }
.Ltmp1:
0x1e: {  	_ = 	snop;
	(pc) =	sbr.rel @!p1 .LBB2_8-.Ltmp1, $4  }
0x1f: {  	s0 =	simm.s32 @!p0 $0x12  }
0x20: {  	_ =	swait.ge @!p0 [sflag:s0], $0x100  }
0x21: {  	[sflag:s0] =	ssyncset.done @!p0 $0x0  }
0x22: {  	[sflag:s0] =	ssyncadd.s32 @!p0 $0xFFFFFF00  }
.LBB2_1:
0x23: {  	s0 =	rddreg [dreg:$0x4]  }
0x24: {  	[spmem:s16], [sflag:s8] =	dma.local [hbm:s0], $0x2700  }
0x25: {  	s0 =	rddreg [dreg:$0x5]  }
0x26: {  	[spmem:s17], [sflag:s8] =	dma.local @!p0 [hbm:s0], $0x100  }
0x27: {  	s0 =	rddreg [dreg:$0x6]  }
0x28: {  	[tilespmem:s3], [sflag:$0xF] =	stream.linear.gather [hbm4b:s0+s3], $0x500, $0x38;
	[tilespmem:$0x1E480] =	vst v63  }
0x29: {  	s29 =	simm.s32 $0x1000  }
0x2a: {  	[tilespmem:s29], [sflag:$0x10] =	stream.linear.gather [hbm4b:s11+s3], $0x500, $0x38;
	[tilespmem:$0x1E480] =	vst v63  }
0x2b: {  	_ =	swait.ge [sflag:s19], $0x500  }
0x2c: {  	[sflag:s19] =	ssyncset.done $0x0  }
0x2d: {  	[sflag:s19] =	ssyncadd.s32 $0xFFFFFB00  }
0x2e: {  	_ =	swait.ge [sflag:s20], $0x500  }
0x2f: {  	[sflag:s20] =	ssyncset.done $0x0  }
0x30: {  	s30 =	simm.s32 $0x2000;
	[sflag:s20] =	ssyncadd.s32 $0xFFFFFB00  }
0x31: {  	[tilespmem:s30], [sflag:$0x1] =	stream.indirect.gather [hbm4b:s1+s21], $0x80, s3, s21, $0xb8;
	[tilespmem:$0x1E480] =	vst v63  }
0x32: {  	s31 =	simm.s32 $0x80;
	s6 =	simm.s32 $0x3400  }
0x33: {  	[tilespmem:s6], [sflag:$0x2] =	stream.indirect.gather [hbm4b:s1+s21], $0x80, s31, s21, $0xb8;
	[tilespmem:$0x1E480] =	vst v63  }
0x34: {  	s9 =	simm.s32 $0x100;
	s10 =	simm.s32 $0x4800  }
0x35: {  	[tilespmem:s10], [sflag:$0x3] =	stream.indirect.gather [hbm4b:s1+s21], $0x80, s9, s21, $0xb8;
	[tilespmem:$0x1E480] =	vst v63  }
0x36: {  	s18 =	simm.s32 $0x180;
	s26 =	simm.s32 $0x5C00  }
0x37: {  	[tilespmem:s26], [sflag:$0x4] =	stream.indirect.gather [hbm4b:s1+s21], $0x80, s18, s21, $0xb8;
	[tilespmem:$0x1E480] =	vst v63  }
0x38: {  	s28 =	simm.s32 $0x200;
	s29 =	simm.s32 $0x7000  }
0x39: {  	[tilespmem:s29], [sflag:$0x5] =	stream.indirect.gather [hbm4b:s1+s21], $0x80, s28, s21, $0xb8;
	[tilespmem:$0x1E480] =	vst v63  }
0x3a: {  	s30 =	simm.s32 $0x280;
	s31 =	simm.s32 $0x8400  }
0x3b: {  	[tilespmem:s31], [sflag:$0x6] =	stream.indirect.gather [hbm4b:s1+s21], $0x80, s30, s21, $0xb8;
	[tilespmem:$0x1E480] =	vst v63  }
0x3c: {  	_ =	swait.ge [sflag:s22], $0x2700  }
0x3d: {  	[sflag:s22] =	ssyncset.done $0x0  }
0x3e: {  	s0 =	simm.s32 @!p0 $0x11;
	[sflag:s22] =	ssyncadd.s32 $0xFFFFD900  }
.Ltmp2:
0x3f: {  	_ =	swait.ge @!p0 [sflag:s0], $0x100;
	(pc) =	sbr.rel .LBB2_2-.Ltmp2, $4  }
0x40: {  	[sflag:s0] =	ssyncset.done @!p0 $0x0  }
0x41: {  	[sflag:s0] =	ssyncadd.s32 @!p0 $0xFFFFFF00  }
0x42: {  	[bflag:$0x0] =	sbarrier.arrive $0xFFFF  }
0x43: {  	s26 =	simm.s32 $0x0  }
.LBB2_3:
0x44: {  	s6 =	sshll.u32 s30, $0xB  }
0x45: {  	s6 =	sadd.s32 s6, s12  }
0x46: {  	s6 =	sshrl.u32 s6, $0x3  }
0x47: {  	s9 =	sxor.u32 $0x800, s0;
	s10 =	sadd.s32 s4, s6  }
0x48: {  	[tilespmem:s9], [sflag:$0xF] =	stream.linear.gather [hbm4b:s10+s3], $0x500, $0x38;
	[tilespmem:$0x1E480] =	vst v63  }
0x49: {  	s30 =	sxor.u32 $0x1800, s0;
	s6 =	sadd.s32 s5, s6  }
0x4a: {  	[tilespmem:s30], [sflag:$0x10] =	stream.linear.gather [hbm4b:s6+s3], $0x500, $0x38;
	[tilespmem:$0x1E480] =	vst v63  }
.LBB2_5:
0x4b: {  	s0 =	smul.u32 $0xCD, s31;
	_ =	sdelay $0x1  }
0x4c: {  	s0 =	sshrl.u32 s0, $0xB  }
0x4d: {  	s6 =	smul.u32 $0xA, s0;
	_ =	sdelay $0x1  }
0x4e: {  	s6 =	ssub.s32 s28, s6  }
0x4f: {  	s6 =	sand.u32 $0xFF, s6  }
0x50: {  	p1 =	sne.s32 s6, $0x0  }
0x51: {  	s9 =	simm.s32 @!p1 $0xF  }
0x52: {  	_ =	swait.ge @!p1 [sflag:s9], $0x500  }
0x53: {  	s10 =	smul.u32 $0x5000, s29;
	[sflag:s9] =	ssyncset.done @!p1 $0x0  }
0x54: {  	s31 =	sadd.s32 $0x1, s29;
	[sflag:s9] =	ssyncadd.s32 @!p1 $0xFFFFFB00;
	s9 =	simm.s32 @!p1 $0x10  }
0x55: {  	s30 =	sshrl.u32 s10, $0x2;
	s0 =	sshll.u32 s0, $0xB;
	_ =	swait.ge @!p1 [sflag:s9], $0x500  }
0x56: {  	s0 =	sand.u32 $0x800, s0;
	s6 =	sshll.u32 s6, $0x7;
	[sflag:s9] =	ssyncset.done @!p1 $0x0  }
0x57: {  	s0 =	sadd.s32 s6, s0;
	[sflag:s9] =	ssyncadd.s32 @!p1 $0xFFFFFB00;
	s9 =	sadd.s32 $0x2000, s30  }
0x58: {  	[tilespmem:s9], [sflag:s31] =	stream.indirect.gather [hbm4b:s1+s21], $0x80, s0, s21, $0xb8;
	[tilespmem:$0x1E480] =	vst v63  }
.LBB2_6:
0x59: {  	s26 =	sadd.s32 $0x1, s26  }
0x5a: {  	p1 =	sne.s32 s26, $0xFA  }
.Ltmp3:
0x5b: {  	_ = 	snop;
	(pc) =	sbr.rel @!p1 .LBB2_7-.Ltmp3, $1  }
0x5c: {  	_ =	sdelay $0x3  }
.LBB2_2:
0x5d: {  	s0 =	sand.u32 $0xFF, s26  }
0x5e: {  	s28 =	smul.u32 $0x25, s0;
	_ =	sdelay $0x1  }
0x5f: {  	s28 =	sshrl.u32 s28, $0x8  }
0x60: {  	s29 =	ssub.s32 s26, s28  }
0x61: {  	s29 =	sand.u32 $0xFE, s29  }
0x62: {  	s29 =	sshrl.u32 s29, $0x1  }
0x63: {  	s0 =	smul.u32 $0xCD, s0;
	s28 =	sadd.s32 s28, s29  }
0x64: {  	s28 =	sshrl.u32 s28, $0x2  }
0x65: {  	s30 =	sshrl.u32 s0, $0xB;
	s28 =	smul.u32 $0x7, s28  }
0x66: {  	s0 =	smul.u32 $0xA, s30  }
0x67: {  	s28 =	ssub.s32 s26, s28  }
0x68: {  	s18 =	ssub.s32 s26, s0;
	s29 =	sand.u32 $0xFF, s28  }
0x69: {  	s6 =	sand.u32 $0xDF, s18;
	s28 =	smul.u32 $0x5000, s29  }
0x6a: {  	s6 =	sshll.u32 s6, $0x7;
	s31 =	sadd.s32 $0x1, s29;
	s29 =	sor.u32 $0x8, s29  }
0x6b: {  	_ =	swait.ge [sflag:s31], $0x1400;
	s9 =	sshrl.u32 s28, $0x2;
	s28 =	sand.u32 $0x1, s30  }
0x6c: {  	[sflag:s31] =	ssyncset.done $0x0;
	s0 =	sshll.u32 s28, $0xB;
	s28 =	sadd.s32 $0x6, s26  }
0x6d: {  	[sflag:s31] =	ssyncadd.s32 $0xFFFFEC00;
	s6 =	sor.u32 s6, s0;
	s31 =	sand.u32 $0xFF, s28  }
0x6e: {  	s9 =	sadd.s32 $0x2000, s9;
	s6 =	sor.u32 $0x1000, s6;
	s10 =	smul.u32 $0x25, s31  }
0x6f: {  	[spmem:s2] =	stream.indirect.scatter.add.f32 [tilespmem:s9], [sflag:s29], $0x80, s6, s21, $0xb8;
	[tilespmem:$0x1E480] =	vst v63  }
0x70: {  	s6 =	sshrl.u32 s10, $0x8  }
0x71: {  	s10 =	ssub.s32 s28, s6  }
0x72: {  	s9 =	sand.u32 $0xFE, s10  }
0x73: {  	s9 =	sshrl.u32 s9, $0x1  }
0x74: {  	s6 =	sadd.s32 s6, s9  }
0x75: {  	s6 =	sshrl.u32 s6, $0x2  }
0x76: {  	p1 =	seq.s32 s26, $0x0;
	s6 =	smul.u32 $0x7, s6  }
0x77: {  	p2 =	sgt.u32 @!p1 s26, $0xEF  }
0x78: {  	p3 =	por p2, p1;
	s6 =	ssub.s32 s28, s6  }
0x79: {  	s29 =	sand.u32 $0xFF, s6;
	s6 =	sand.u32 @!p3 $0xFF, s18  }
0x7a: {  	p3 =	sne.s32 @!p3 s6, $0x0  }
0x7b: {  	p2 =	por @!p1 p2, p3  }
0x7c: {  	p2 =	por p1, !p2  }
.Ltmp4:
0x7d: {  	_ = 	snop;
	(pc) =	sbr.rel @p2 .LBB2_3-.Ltmp4, $4  }
0x7e: {  	s9 =	sadd.s32 @!p1 $0x8, s29  }
0x7f: {  	_ =	swait.ge @!p1 [sflag:s9], $0x1400  }
0x80: {  	[sflag:s9] =	ssyncset.done @!p1 $0x0  }
0x81: {  	[sflag:s9] =	ssyncadd.s32 @!p1 $0xFFFFEC00  }
0x82: {  	p1 =	sgt.u32 s26, $0xF3  }
.Ltmp5:
0x83: {  	_ = 	snop;
	(pc) =	sbr.rel @p1 .LBB2_6-.Ltmp5, $4  }
.Ltmp6:
0x84: {  	_ = 	snop;
	(pc) =	sbr.rel @!p1 .LBB2_5-.Ltmp6, $4  }
0x85: {  	_ = 	snop  }
0x86: {  	_ = 	snop  }
0x87: {  	_ = 	snop  }
0x88: {  	_ = 	snop  }
.LBB2_8:
0x89: {  	_ =	sfence.sel $0x180000  }
0x8a: {  	[bflag:$0x0] =	sbarrier.arrive $0xFFFF  }
0x8b: {  	_ =	strace $0x9000004A  }
0x8c: {  	[bflag:$0x2] =	sbarrier.arrive $0xFFFF  }
0x8d: {  	s0 =	rddreg [dreg:$0x3]  }
0x8e: {  	s0 =	sadd.s32 @!p0 $0x100000, s0  }
0x8f: {  	[sflag:s0] =	ssyncadd.tile.s32 @!p0 $0x1;
	_ =	shalt  }
.Lfunc_end2:
_tile_overlayer_lowered:
.L_overlay_start_2:
0x90: {  	(tag) =	ssettag $0x2  }
0x91: {  	s0 =	rddreg [dreg:$0x0];
	s2 =	stileid.u32  }
0x92: {  	s1 =	rddreg [dreg:$0x1];
	p0 =	sne.s32 s2, $0x0  }
0x93: {  	s3 =	rddreg [dreg:$0x2];
	[bflag:$0x3] =	sbarrier.arrive $0xFFFF;
	s2 =	simm.s32 @!p0 $0x1C12  }
0x94: {  	[timem:s3], [sflag:s2] =	dma.local @!p0 [hbm:s0], s1  }
0x95: {  	s0 =	simm.s32 @!p0 $0x12  }
0x96: {  	_ =	swait.ge @!p0 [sflag:s0], s1  }
0x97: {  	s1 =	ssub.s32 @!p0 $0x0, s1;
	[sflag:s0] =	ssyncset.done @!p0 $0x0  }
0x98: {  	[sflag:s0] =	ssyncadd.s32 @!p0 s1  }
0x99: {  	[bflag:$0x3] =	sbarrier.arrive $0xFFFF  }
0x9a: {  	_ =	shalt  }

// kernel: kernel.16.cloned.1.call-start
scs
__scs_entry_jumppad:
0x0: {  	(pc) =	sbr.rel $0x88, $3  }
0x1: {  	(tag) =	ssettag $0x0;
	lr =	simm.s32 $0x1  }
0x2: {  	[smem:$0x3F99] =	sst lr;
	_ =	strace $0xD0000000  }
0x3: {  	_ = 	snop  }
0x4: {  	_ = 	snop  }
0x5: {  	_ = 	snop  }
0x6: {  	_ = 	snop  }
0x7: {  	_ = 	snop  }
__scs_overlays_trampoline_lowered:
0x8: {  	[smem:$0x3FA8] =	sst s0  }
0x9: {  	[smem:$0x3FA9] =	sst s1  }
0xa: {  	[smem:$0x3FAA] =	sst s2  }
0xb: {  	[smem:$0x3FAB] =	sst s3  }
0xc: {  	[smem:$0x3FAC] =	sst s4  }
0xd: {  	[smem:$0x3FAD] =	sst s5  }
0xe: {  	[smem:$0x3FAE] =	sst s6  }
0xf: {  	[smem:$0x3FAF] =	sst s7  }
0x10: {  	[smem:$0x3FB0] =	sst s8  }
0x11: {  	[smem:$0x3FB1] =	sst s9;
	s0 =	simm.s32 @!p0 $0x0  }
0x12: {  	s1 =	sld [smem:$0x3F97];
	s0 =	simm.s32 @p0 $0x1  }
0x13: {  	[smem:$0x3FB2] =	sst s0;
	s0 =	simm.s32 @!p1 $0x0  }
0x14: {  	s2 =	sld [smem:$0x3F96];
	s0 =	simm.s32 @p1 $0x1  }
0x15: {  	[smem:$0x3FB3] =	sst s0;
	s0 =	simm.s32 @!p2 $0x0  }
0x16: {  	s3 =	sld [smem:$0x3FDB];
	s0 =	simm.s32 @p2 $0x1  }
0x17: {  	s4 =	simm.s32 $0x1BF5;
	[smem:$0x3FB5] =	sst s0  }
0x18: {  	s0 =	sld [smem:$0x3F98];
	_ =	swait.ge [sflag:s4], $0x0  }
0x19: {  	s7 =	sld [smem:$0x3F99]  }
0x1a: {  	s8 =	sadd.s32 $0xFFFFE003, lr  }
0x1b: {  	s9 =	sadd.s32 $0xFFFFFEF7, lr;
	s5 =	simm.s32 $0xFFFFFFFF;
	p2 =	slt.u32 s8, $0xFFFFF086  }
0x1c: {  	p1 =	slt.u32 s9, $0xF7A;
	s5 =	simm.s32 @!p2 $0x0  }
0x1d: {  	s5 =	simm.s32 @p1 $0x1;
	p0 =	seq.s32 s7, s2  }
0x1e: {  	s7 =	smul.u32 @!p0 $0xF7A, s2;
	p2 =	seq.s32 @!p0 s5, $0x0  }
0x1f: {  	s9 =	smul.u32 $0xF7A, s1;
	s8 =	simm.s32 @!p0 $0x1BF5;
	p2 =	por !p2, p0  }
0x20: {  	[sflag:s8] =	ssyncset.s32 @!p0 $0xFFFFF086;
	s6 =	sadd.s32 @!p0 s3, s7;
	s7 =	simm.s32 @!p0 $0x108  }
0x21: {  	s3 =	sadd.s32 s3, s9;
	s6 =	sadd.s32 @!p0 $0x88, s6;
	s7 =	simm.s32 @p2 $0x1082  }
0x22: {  	[simem:s7], [sflag:s8] =	dma.local @!p0 [hbm:s6], $0xF7A  }
0x23: {  	s9 =	sor.u32 $0xD0000000, s2;
	s6 =	simm.s32 $0x108;
	_ =	swait.ge @!p0 [sflag:s8], $0x0  }
0x24: {  	s3 =	sadd.s32 $0x88, s3;
	s6 =	simm.s32 @!p1 $0x1082;
	[sflag:s4] =	ssyncset.s32 $0xFFFFF086  }
0x25: {  	[simem:s6], [sflag:s4] =	dma.local [hbm:s3], $0xF7A  }
0x26: {  	[smem:$0x3F99] =	sst s1;
	(tag) =	ssettag s2;
	_ =	strace s9  }
0x27: {  	s1 =	sld [smem:$0x3FA9]  }
0x28: {  	s2 =	sld [smem:$0x3FAA]  }
0x29: {  	s4 =	sld [smem:$0x3FAC]  }
0x2a: {  	p0 =	seq.s32 s5, $0x0;
	s5 =	sld [smem:$0x3FAD]  }
0x2b: {  	s6 =	sld [smem:$0x3FAE]  }
0x2c: {  	s7 =	sld [smem:$0x3FAF]  }
0x2d: {  	s3 =	simm.s32 $0x108;
	s8 =	sld [smem:$0x3FB0]  }
0x2e: {  	s3 =	simm.s32 @!p0 $0x1082;
	s9 =	sld [smem:$0x3FB1]  }
0x2f: {  	lr =	sadd.s32 s0, s3;
	s0 =	sld [smem:$0x3FA8]  }
0x30: {  	s3 =	sld [smem:$0x3FAB]  }
0x31: {  	[smem:$0x3FB4] =	sst s10  }
0x32: {  	s10 =	sld [smem:$0x3FB2];
	_ =	sdelay $0x3  }
0x33: {  	p0 =	seq.s32 s10, $0x1;
	s10 =	sld [smem:$0x3FB4];
	_ =	sdelay $0x3  }
0x34: {  	[smem:$0x3FB4] =	sst s10  }
0x35: {  	s10 =	sld [smem:$0x3FB3];
	_ =	sdelay $0x3  }
0x36: {  	p1 =	seq.s32 s10, $0x1;
	s10 =	sld [smem:$0x3FB4];
	_ =	sdelay $0x3  }
0x37: {  	[smem:$0x3FB4] =	sst s10  }
0x38: {  	s10 =	sld [smem:$0x3FB5]  }
0x39: {  	_ = 	snop;
	(pc) =	sbr.ind lr, $3  }
0x3a: {  	_ = 	snop  }
0x3b: {  	_ = 	snop  }
0x3c: {  	p2 =	seq.s32 s10, $0x1;
	s10 =	sld [smem:$0x3FB4]  }
0x3d: {  	_ =	shalt  }
0x3e: {  	_ =	shalt  }
0x3f: {  	_ =	shalt  }
0x40: {  	_ =	shalt  }
0x41: {  	_ =	shalt  }
0x42: {  	_ =	shalt  }
0x43: {  	_ =	shalt  }
0x44: {  	_ =	shalt  }
0x45: {  	_ =	shalt  }
0x46: {  	_ =	shalt  }
0x47: {  	_ =	shalt  }
0x48: {  	_ =	shalt  }
0x49: {  	_ =	shalt  }
0x4a: {  	_ =	shalt  }
0x4b: {  	_ =	shalt  }
0x4c: {  	_ =	shalt  }
0x4d: {  	_ =	shalt  }
0x4e: {  	_ =	shalt  }
0x4f: {  	_ =	shalt  }
0x50: {  	_ =	shalt  }
0x51: {  	_ =	shalt  }
0x52: {  	_ =	shalt  }
0x53: {  	_ =	shalt  }
0x54: {  	_ =	shalt  }
0x55: {  	_ =	shalt  }
0x56: {  	_ =	shalt  }
0x57: {  	_ =	shalt  }
0x58: {  	_ =	shalt  }
0x59: {  	_ =	shalt  }
0x5a: {  	_ =	shalt  }
0x5b: {  	_ =	shalt  }
0x5c: {  	_ =	shalt  }
0x5d: {  	_ =	shalt  }
0x5e: {  	_ =	shalt  }
0x5f: {  	_ =	shalt  }
0x60: {  	_ =	shalt  }
0x61: {  	_ =	shalt  }
0x62: {  	_ =	shalt  }
0x63: {  	_ =	shalt  }
0x64: {  	_ =	shalt  }
0x65: {  	_ =	shalt  }
0x66: {  	_ =	shalt  }
0x67: {  	_ =	shalt  }
0x68: {  	_ =	shalt  }
0x69: {  	_ =	shalt  }
0x6a: {  	_ =	shalt  }
0x6b: {  	_ =	shalt  }
0x6c: {  	_ =	shalt  }
0x6d: {  	_ =	shalt  }
0x6e: {  	_ =	shalt  }
0x6f: {  	_ =	shalt  }
0x70: {  	_ =	shalt  }
0x71: {  	_ =	shalt  }
0x72: {  	_ =	shalt  }
0x73: {  	_ =	shalt  }
0x74: {  	_ =	shalt  }
0x75: {  	_ =	shalt  }
0x76: {  	_ =	shalt  }
0x77: {  	_ =	shalt  }
0x78: {  	_ =	shalt  }
0x79: {  	_ =	shalt  }
0x7a: {  	_ =	shalt  }
0x7b: {  	_ =	shalt  }
0x7c: {  	_ =	shalt  }
0x7d: {  	_ =	shalt  }
0x7e: {  	_ =	shalt  }
0x7f: {  	_ =	shalt  }
0x80: {  	_ =	shalt  }
0x81: {  	_ =	shalt  }
0x82: {  	_ =	shalt  }
0x83: {  	_ =	shalt  }
0x84: {  	_ =	shalt  }
0x85: {  	_ =	shalt  }
0x86: {  	_ =	shalt  }
0x87: {  	_ =	shalt  }
.Lfunc_end0:
.L_simem_size_0:
called_computation.2_lowered:
.L_overlay_start_0:
0x88: {  	s2 =	sld [smem:$0x3FD9]  }
0x89: {  	s3 =	sld [smem:$0x3FFE];
	_ =	sdelay $0x1  }
0x8a: {  	s1 =	srdreg.scid  }
0x8b: {  	s0 =	sand.u32 $0x1, s1  }
0x8c: {  	s17 =	sshll.u32 s0, $0xA;
	s2 =	sadd.s32 s3, s2  }
0x8d: {  	s2 =	sadd.s32 s2, s17  }
0x8e: {  	[smem:$0x3FC0] =	sst s2  }
0x8f: {  	_ = 	snop  }
0x90: {  	s2 =	sld [smem:$0x3FD0];
	(tm) =	ssettm $0x1  }
0x91: {  	s18 =	sld [smem:$0x3FFB];
	_ =	sdelay $0x3  }
0x92: {  	_ =	strace s18  }
0x93: {  	s3 =	sld [smem:$0x3FFC];
	_ =	sdelay $0x3  }
0x94: {  	_ =	strace s3  }
0x95: {  	s3 =	sld [smem:$0x3FFD];
	_ =	sdelay $0x3  }
0x96: {  	_ =	strace s3  }
0x97: {  	_ =	strace $0x8FFFFFFF  }
0x98: {  	s19 =	sld [smem:$0x3FDB];
	_ =	sdelay $0x1  }
0x99: {  	s4 =	simm.s32 $_scs_section_size  }
0x9a: {  	s5 =	simm.s32 $_size__tile_overlayer_lowered;
	s6 =	simm.s32 $_tile_overlayer_lowered  }
0x9b: {  	s22 =	simm.s32 $0x1BFF;
	s21 =	sshll.u32 s6, $0x1;
	s3 =	sadd.s32 s4, s19  }
0x9c: {  	s7 =	simm.s32 $0x0;
	s20 =	sshll.u32 s5, $0x1;
	s5 =	sadd.s32 s21, s3  }
0x9d: {  	[timem:s7], [sflag:s22] =	dma.local [hbm:s5], s20  }
0x9e: {  	_ =	swait.ge [sflag:s22], s20  }
0x9f: {  	s4 =	ssub.s32 $0x0, s20;
	[sflag:s22] =	ssyncset.done $0x0  }
0xa0: {  	[sflag:s22] =	ssyncadd.s32 s4;
	_ =	sdelay $0x1  }
0xa1: {  	s23 =	simm.s32 $0x1B8B  }
0xa2: {  	_ =	swait.ge [sflag:s23], $0x1  }
0xa3: {  	[sflag:s23] =	ssyncset.done $0x0  }
0xa4: {  	s25 =	simm.s32 $0x1B8E;
	s24 =	sld [smem:$0x3FFE];
	[sflag:s23] =	ssyncadd.s32 $0xFFFFFFFF  }
0xa5: {  	s26 =	simm.s32 $execute0_lowered;
	[smem:$0x3FD2] =	sst s25  }
0xa6: {  	s5 =	sshll.u32 s26, $0x1;
	_ =	strace $0x8000004C;
	[dreg:$0x1] =	wrdreg $0xFFFFFFFF  }
0xa7: {  	s28 =	simm.s32 $_size_execute0_lowered;
	s3 =	sadd.s32 s3, s5;
	[dreg:$0x0] =	wrdreg $0x0  }
0xa8: {  	s5 =	sshll.u32 s28, $0x1;
	[dreg:$0x2] =	wrdreg s3  }
0xa9: {  	[dreg:$0x3] =	wrdreg s5  }
0xaa: {  	[dreg:$0x4] =	wrdreg $0xC0  }
0xab: {  	_ =	task [dreg:s7], $0x5FFFF  }
0xac: {  	[dreg:$0x1] =	wrdreg $0xFFFFFFFF  }
0xad: {  	[dreg:$0x0] =	wrdreg $0x60  }
0xae: {  	[dreg:$0x2] =	wrdreg s2  }
0xaf: {  	[dreg:$0x3] =	wrdreg s24  }
0xb0: {  	[dreg:$0x4] =	wrdreg $0xAC000  }
0xb1: {  	[dreg:$0x5] =	wrdreg $0x9  }
0xb2: {  	_ =	task.clear_ibuf [dreg:s7], $0x6FFFF;
	_ =	strace $0x9000004C  }
0xb3: {  	s29 =	simm.s32 $0x9;
	_ =	strace $0x8000004E  }
0xb4: {  	_ =	swait.ge [sflag:s29], $0x1  }
0xb5: {  	[sflag:s29] =	ssyncadd.s32 $0xFFFFFFFF  }
0xb6: {  	_ =	strace $0x9000004E  }
0xb7: {  	_ =	sfence  }
0xb8: {  	s30 =	sld [smem:$0x0];
	_ =	sdelay $0x2  }
0xb9: {  	s31 =	sshll.u32 s1, $0xD;
	s1 =	sshrl.u32 s1, $0x2  }
0xba: {  	s3 =	sand.u32 $0x4000, s31;
	s1 =	sadd.s32 s1, s30  }
0xbb: {  	s0 =	sor.u32 s3, s0;
	s1 =	sshll.u32 s1, $0x11  }
0xbc: {  	s0 =	sor.u32 s1, s0  }
0xbd: {  	s0 =	sadd.s32 $0x8F2B, s0  }
0xbe: {  	[sflag:s0] =	ssyncadd.remote.s32 $0x1  }
0xbf: {  	_ =	sfence.sel $0xFFFF  }
0xc0: {  	[dreg:$0x0] =	wrdreg $0xFFFFFFFF;
	(pc) =	sbr.abs _section_cstart, $3  }
0xc1: {  	[dreg:$0x1] =	wrdreg $0xFFFFFFFF  }
0xc2: {  	_ =	task.clear_ibuf [dreg:s7], $0x2FFFF;
	_ =	strace $0x9FFFFFFF  }
0xc3: {  	(tm) =	ssettm $0x7FFFFFFF  }
tec
execute0_lowered:
.L_overlay_start_1:
0x0: {  	(tag) =	ssettag $0x1  }
0x1: {  	s1 =	rddreg [dreg:$0x0]  }
0x2: {  	s0 =	rddreg [dreg:$0x1]  }
0x3: {  	s2 =	rddreg [dreg:$0x2]  }
0x4: {  	s3 =	simm.s32 $0x0;
	s6 =	srdreg.scid;
	s16 =	stileid.u32  }
0x5: {  	s20 =	simm.s32 $0x10;
	s21 =	simm.s32 $0x28;
	s22 =	simm.s32 $0x11  }
0x6: {  	s23 =	simm.s32 $0xC;
	[smem:$0x7FF] =	sst s3;
	s4 =	sadd.s32 $0x37200, s0  }
0x7: {  	s5 =	sadd.s32 $0x5200, s0;
	s8 =	sand.u32 $0x1, s6;
	s7 =	smul.u32 $0x4E000, s16  }
0x8: {  	s0 =	sadd.s32 $0x90400, s0;
	s10 =	sshll.u32 s16, $0x1;
	s11 =	smul.u32 $0x13800, s16  }
0x9: {  	s18 =	sadd.s32 $0x138000, s2;
	s28 =	sadd.s32 $0x27000, s1;
	p0 =	sne.s32 s16, $0x0  }
0xa: {  	_ =	strace $0x8000004D;
	s6 =	ssub.s32 $0x2, s8;
	s24 =	sor.u32 s8, s10  }
0xb: {  	s13 =	smul.u32 $0x138800, s8;
	[dreg:$0x5] =	wrdreg s28;
	s9 =	sshrl.u32 s6, $0x1  }
0xc: {  	s7 =	sshrl.u32 s7, $0x2;
	s25 =	sshrl.u32 s11, $0x3;
	s12 =	smul.u32 $0xC800, s24  }
0xd: {  	s24 =	simm.s32 $0x12;
	s15 =	ssub.s32 s6, s9;
	s17 =	sadd.s32 s7, s2  }
0xe: {  	s26 =	sadd.s32 s1, s25;
	s7 =	sshll.u32 s16, $0x6;
	s19 =	sadd.s32 s11, s13  }
0xf: {  	s31 =	sshrl.u32 s13, $0x3;
	s25 =	simm.s32 $0x0;
	[dreg:$0x4] =	wrdreg s26  }
.Ltmp0:
0x10: {  	s8 =	sor.u32 $0x1C11, s7;
	s14 =	sshrl.u32 s12, $0x3;
	(pc) =	sbr.rel .LBB2_1-.Ltmp0, $4  }
0x11: {  	s30 =	sshrl.u32 s19, $0x3;
	s12 =	sadd.s32 $0x800, s12;
	s15 =	smax.u32 s15, $0x1  }
0x12: {  	s16 =	sshrl.u32 s17, $0x3;
	s17 =	sshrl.u32 @!p0 s18, $0x3;
	s19 =	simm.s32 $0xF  }
0x13: {  	s29 =	sadd.s32 s4, s14;
	s13 =	sadd.s32 s0, s30;
	s0 =	sadd.s32 s0, s31  }
0x14: {  	s11 =	sadd.s32 s5, s14;
	[dreg:$0x6] =	wrdreg s29;
	s14 =	sadd.s32 $0x27000, s0  }
.LBB2_7:
0x15: {  	_ =	swait.ge [sflag:s23], $0x1400  }
0x16: {  	[sflag:s23] =	ssyncset.done $0x0  }
0x17: {  	[sflag:s23] =	ssyncadd.s32 $0xFFFFEC00  }
0x18: {  	s0 =	sor.u32 $0x1C12, s7;
	[bflag:$0x0] =	sbarrier.arrive $0xFFFF  }
0x19: {  	[hbm:s13], [sflag:s0] =	dma.local [spmem:s16], $0x2700  }
0x1a: {  	_ =	swait.ge [sflag:s24], $0x2700  }
0x1b: {  	s25 =	sadd.s32 $0x1, s25;
	[sflag:s24] =	ssyncset.done $0x0  }
0x1c: {  	p1 =	sne.s32 s25, s15;
	[sflag:s24] =	ssyncadd.s32 $0xFFFFD900  }
0x1d: {  	[hbm:s14], [sflag:s0] =	dma.local @!p0 [spmem:s17], $0x100  }
.Ltmp1:
0x1e: {  	_ = 	snop;
	(pc) =	sbr.rel @!p1 .LBB2_8-.Ltmp1, $4  }
0x1f: {  	s0 =	simm.s32 @!p0 $0x12  }
0x20: {  	_ =	swait.ge @!p0 [sflag:s0], $0x100  }
0x21: {  	[sflag:s0] =	ssyncset.done @!p0 $0x0  }
0x22: {  	[sflag:s0] =	ssyncadd.s32 @!p0 $0xFFFFFF00  }
.LBB2_1:
0x23: {  	s0 =	rddreg [dreg:$0x4]  }
0x24: {  	[spmem:s16], [sflag:s8] =	dma.local [hbm:s0], $0x2700  }
0x25: {  	s0 =	rddreg [dreg:$0x5]  }
0x26: {  	[spmem:s17], [sflag:s8] =	dma.local @!p0 [hbm:s0], $0x100  }
0x27: {  	s0 =	rddreg [dreg:$0x6]  }
0x28: {  	[tilespmem:s3], [sflag:$0xF] =	stream.linear.gather [hbm4b:s0+s3], $0x500, $0x38;
	[tilespmem:$0x1E480] =	vst v63  }
0x29: {  	s29 =	simm.s32 $0x1000  }
0x2a: {  	[tilespmem:s29], [sflag:$0x10] =	stream.linear.gather [hbm4b:s11+s3], $0x500, $0x38;
	[tilespmem:$0x1E480] =	vst v63  }
0x2b: {  	_ =	swait.ge [sflag:s19], $0x500  }
0x2c: {  	[sflag:s19] =	ssyncset.done $0x0  }
0x2d: {  	[sflag:s19] =	ssyncadd.s32 $0xFFFFFB00  }
0x2e: {  	_ =	swait.ge [sflag:s20], $0x500  }
0x2f: {  	[sflag:s20] =	ssyncset.done $0x0  }
0x30: {  	s30 =	simm.s32 $0x2000;
	[sflag:s20] =	ssyncadd.s32 $0xFFFFFB00  }
0x31: {  	[tilespmem:s30], [sflag:$0x1] =	stream.indirect.gather [hbm4b:s1+s21], $0x80, s3, s21, $0xb8;
	[tilespmem:$0x1E480] =	vst v63  }
0x32: {  	s31 =	simm.s32 $0x80;
	s6 =	simm.s32 $0x3400  }
0x33: {  	[tilespmem:s6], [sflag:$0x2] =	stream.indirect.gather [hbm4b:s1+s21], $0x80, s31, s21, $0xb8;
	[tilespmem:$0x1E480] =	vst v63  }
0x34: {  	s9 =	simm.s32 $0x100;
	s10 =	simm.s32 $0x4800  }
0x35: {  	[tilespmem:s10], [sflag:$0x3] =	stream.indirect.gather [hbm4b:s1+s21], $0x80, s9, s21, $0xb8;
	[tilespmem:$0x1E480] =	vst v63  }
0x36: {  	s18 =	simm.s32 $0x180;
	s26 =	simm.s32 $0x5C00  }
0x37: {  	[tilespmem:s26], [sflag:$0x4] =	stream.indirect.gather [hbm4b:s1+s21], $0x80, s18, s21, $0xb8;
	[tilespmem:$0x1E480] =	vst v63  }
0x38: {  	s28 =	simm.s32 $0x200;
	s29 =	simm.s32 $0x7000  }
0x39: {  	[tilespmem:s29], [sflag:$0x5] =	stream.indirect.gather [hbm4b:s1+s21], $0x80, s28, s21, $0xb8;
	[tilespmem:$0x1E480] =	vst v63  }
0x3a: {  	s30 =	simm.s32 $0x280;
	s31 =	simm.s32 $0x8400  }
0x3b: {  	[tilespmem:s31], [sflag:$0x6] =	stream.indirect.gather [hbm4b:s1+s21], $0x80, s30, s21, $0xb8;
	[tilespmem:$0x1E480] =	vst v63  }
0x3c: {  	_ =	swait.ge [sflag:s22], $0x2700  }
0x3d: {  	[sflag:s22] =	ssyncset.done $0x0  }
0x3e: {  	s0 =	simm.s32 @!p0 $0x11;
	[sflag:s22] =	ssyncadd.s32 $0xFFFFD900  }
.Ltmp2:
0x3f: {  	_ =	swait.ge @!p0 [sflag:s0], $0x100;
	(pc) =	sbr.rel .LBB2_2-.Ltmp2, $4  }
0x40: {  	[sflag:s0] =	ssyncset.done @!p0 $0x0  }
0x41: {  	[sflag:s0] =	ssyncadd.s32 @!p0 $0xFFFFFF00  }
0x42: {  	[bflag:$0x0] =	sbarrier.arrive $0xFFFF  }
0x43: {  	s26 =	simm.s32 $0x0  }
.LBB2_3:
0x44: {  	s6 =	sshll.u32 s30, $0xB  }
0x45: {  	s6 =	sadd.s32 s6, s12  }
0x46: {  	s6 =	sshrl.u32 s6, $0x3  }
0x47: {  	s9 =	sxor.u32 $0x800, s0;
	s10 =	sadd.s32 s4, s6  }
0x48: {  	[tilespmem:s9], [sflag:$0xF] =	stream.linear.gather [hbm4b:s10+s3], $0x500, $0x38;
	[tilespmem:$0x1E480] =	vst v63  }
0x49: {  	s30 =	sxor.u32 $0x1800, s0;
	s6 =	sadd.s32 s5, s6  }
0x4a: {  	[tilespmem:s30], [sflag:$0x10] =	stream.linear.gather [hbm4b:s6+s3], $0x500, $0x38;
	[tilespmem:$0x1E480] =	vst v63  }
.LBB2_5:
0x4b: {  	s0 =	smul.u32 $0xCD, s31;
	_ =	sdelay $0x1  }
0x4c: {  	s0 =	sshrl.u32 s0, $0xB  }
0x4d: {  	s6 =	smul.u32 $0xA, s0;
	_ =	sdelay $0x1  }
0x4e: {  	s6 =	ssub.s32 s28, s6  }
0x4f: {  	s6 =	sand.u32 $0xFF, s6  }
0x50: {  	p1 =	sne.s32 s6, $0x0  }
0x51: {  	s9 =	simm.s32 @!p1 $0xF  }
0x52: {  	_ =	swait.ge @!p1 [sflag:s9], $0x500  }
0x53: {  	s10 =	smul.u32 $0x5000, s29;
	[sflag:s9] =	ssyncset.done @!p1 $0x0  }
0x54: {  	s31 =	sadd.s32 $0x1, s29;
	[sflag:s9] =	ssyncadd.s32 @!p1 $0xFFFFFB00;
	s9 =	simm.s32 @!p1 $0x10  }
0x55: {  	s30 =	sshrl.u32 s10, $0x2;
	s0 =	sshll.u32 s0, $0xB;
	_ =	swait.ge @!p1 [sflag:s9], $0x500  }
0x56: {  	s0 =	sand.u32 $0x800, s0;
	s6 =	sshll.u32 s6, $0x7;
	[sflag:s9] =	ssyncset.done @!p1 $0x0  }
0x57: {  	s0 =	sadd.s32 s6, s0;
	[sflag:s9] =	ssyncadd.s32 @!p1 $0xFFFFFB00;
	s9 =	sadd.s32 $0x2000, s30  }
0x58: {  	[tilespmem:s9], [sflag:s31] =	stream.indirect.gather [hbm4b:s1+s21], $0x80, s0, s21, $0xb8;
	[tilespmem:$0x1E480] =	vst v63  }
.LBB2_6:
0x59: {  	s26 =	sadd.s32 $0x1, s26  }
0x5a: {  	p1 =	sne.s32 s26, $0xFA  }
.Ltmp3:
0x5b: {  	_ = 	snop;
	(pc) =	sbr.rel @!p1 .LBB2_7-.Ltmp3, $1  }
0x5c: {  	_ =	sdelay $0x3  }
.LBB2_2:
0x5d: {  	s0 =	sand.u32 $0xFF, s26  }
0x5e: {  	s28 =	smul.u32 $0x25, s0;
	_ =	sdelay $0x1  }
0x5f: {  	s28 =	sshrl.u32 s28, $0x8  }
0x60: {  	s29 =	ssub.s32 s26, s28  }
0x61: {  	s29 =	sand.u32 $0xFE, s29  }
0x62: {  	s29 =	sshrl.u32 s29, $0x1  }
0x63: {  	s0 =	smul.u32 $0xCD, s0;
	s28 =	sadd.s32 s28, s29  }
0x64: {  	s28 =	sshrl.u32 s28, $0x2  }
0x65: {  	s30 =	sshrl.u32 s0, $0xB;
	s28 =	smul.u32 $0x7, s28  }
0x66: {  	s0 =	smul.u32 $0xA, s30  }
0x67: {  	s28 =	ssub.s32 s26, s28  }
0x68: {  	s18 =	ssub.s32 s26, s0;
	s29 =	sand.u32 $0xFF, s28  }
0x69: {  	s6 =	sand.u32 $0xDF, s18;
	s28 =	smul.u32 $0x5000, s29  }
0x6a: {  	s6 =	sshll.u32 s6, $0x7;
	s31 =	sadd.s32 $0x1, s29;
	s29 =	sor.u32 $0x8, s29  }
0x6b: {  	_ =	swait.ge [sflag:s31], $0x1400;
	s9 =	sshrl.u32 s28, $0x2;
	s28 =	sand.u32 $0x1, s30  }
0x6c: {  	[sflag:s31] =	ssyncset.done $0x0;
	s0 =	sshll.u32 s28, $0xB;
	s28 =	sadd.s32 $0x6, s26  }
0x6d: {  	[sflag:s31] =	ssyncadd.s32 $0xFFFFEC00;
	s6 =	sor.u32 s6, s0;
	s31 =	sand.u32 $0xFF, s28  }
0x6e: {  	s9 =	sadd.s32 $0x2000, s9;
	s6 =	sor.u32 $0x1000, s6;
	s10 =	smul.u32 $0x25, s31  }
0x6f: {  	[spmem:s2] =	stream.indirect.scatter.add.f32 [tilespmem:s9], [sflag:s29], $0x80, s6, s21, $0xb8;
	[tilespmem:$0x1E480] =	vst v63  }
0x70: {  	s6 =	sshrl.u32 s10, $0x8  }
0x71: {  	s10 =	ssub.s32 s28, s6  }
0x72: {  	s9 =	sand.u32 $0xFE, s10  }
0x73: {  	s9 =	sshrl.u32 s9, $0x1  }
0x74: {  	s6 =	sadd.s32 s6, s9  }
0x75: {  	s6 =	sshrl.u32 s6, $0x2  }
0x76: {  	p1 =	seq.s32 s26, $0x0;
	s6 =	smul.u32 $0x7, s6  }
0x77: {  	p2 =	sgt.u32 @!p1 s26, $0xEF  }
0x78: {  	p3 =	por p2, p1;
	s6 =	ssub.s32 s28, s6  }
0x79: {  	s29 =	sand.u32 $0xFF, s6;
	s6 =	sand.u32 @!p3 $0xFF, s18  }
0x7a: {  	p3 =	sne.s32 @!p3 s6, $0x0  }
0x7b: {  	p2 =	por @!p1 p2, p3  }
0x7c: {  	p2 =	por p1, !p2  }
.Ltmp4:
0x7d: {  	_ = 	snop;
	(pc) =	sbr.rel @p2 .LBB2_3-.Ltmp4, $4  }
0x7e: {  	s9 =	sadd.s32 @!p1 $0x8, s29  }
0x7f: {  	_ =	swait.ge @!p1 [sflag:s9], $0x1400  }
0x80: {  	[sflag:s9] =	ssyncset.done @!p1 $0x0  }
0x81: {  	[sflag:s9] =	ssyncadd.s32 @!p1 $0xFFFFEC00  }
0x82: {  	p1 =	sgt.u32 s26, $0xF3  }
.Ltmp5:
0x83: {  	_ = 	snop;
	(pc) =	sbr.rel @p1 .LBB2_6-.Ltmp5, $4  }
.Ltmp6:
0x84: {  	_ = 	snop;
	(pc) =	sbr.rel @!p1 .LBB2_5-.Ltmp6, $4  }
0x85: {  	_ = 	snop  }
0x86: {  	_ = 	snop  }
0x87: {  	_ = 	snop  }
0x88: {  	_ = 	snop  }
.LBB2_8:
0x89: {  	_ =	sfence.sel $0x180000  }
0x8a: {  	[bflag:$0x0] =	sbarrier.arrive $0xFFFF  }
0x8b: {  	_ =	strace $0x9000004D  }
0x8c: {  	[bflag:$0x2] =	sbarrier.arrive $0xFFFF  }
0x8d: {  	s0 =	rddreg [dreg:$0x3]  }
0x8e: {  	s0 =	sadd.s32 @!p0 $0x100000, s0  }
0x8f: {  	[sflag:s0] =	ssyncadd.tile.s32 @!p0 $0x1;
	_ =	shalt  }
.Lfunc_end2:
_tile_overlayer_lowered:
.L_overlay_start_2:
0x90: {  	(tag) =	ssettag $0x2  }
0x91: {  	s0 =	rddreg [dreg:$0x0];
	s2 =	stileid.u32  }
0x92: {  	s1 =	rddreg [dreg:$0x1];
	p0 =	sne.s32 s2, $0x0  }
0x93: {  	s3 =	rddreg [dreg:$0x2];
	[bflag:$0x3] =	sbarrier.arrive $0xFFFF;
	s2 =	simm.s32 @!p0 $0x1C12  }
0x94: {  	[timem:s3], [sflag:s2] =	dma.local @!p0 [hbm:s0], s1  }
0x95: {  	s0 =	simm.s32 @!p0 $0x12  }
0x96: {  	_ =	swait.ge @!p0 [sflag:s0], s1  }
0x97: {  	s1 =	ssub.s32 @!p0 $0x0, s1;
	[sflag:s0] =	ssyncset.done @!p0 $0x0  }
0x98: {  	[sflag:s0] =	ssyncadd.s32 @!p0 s1  }
0x99: {  	[bflag:$0x3] =	sbarrier.arrive $0xFFFF  }
0x9a: {  	_ =	shalt  }

// kernel: kernel.19.cloned.1.call-start
scs
__scs_entry_jumppad:
0x0: {  	(pc) =	sbr.rel $0x88, $3  }
0x1: {  	(tag) =	ssettag $0x0;
	lr =	simm.s32 $0x1  }
0x2: {  	[smem:$0x3F99] =	sst lr;
	_ =	strace $0xD0000000  }
0x3: {  	_ = 	snop  }
0x4: {  	_ = 	snop  }
0x5: {  	_ = 	snop  }
0x6: {  	_ = 	snop  }
0x7: {  	_ = 	snop  }
__scs_overlays_trampoline_lowered:
0x8: {  	[smem:$0x3FA8] =	sst s0  }
0x9: {  	[smem:$0x3FA9] =	sst s1  }
0xa: {  	[smem:$0x3FAA] =	sst s2  }
0xb: {  	[smem:$0x3FAB] =	sst s3  }
0xc: {  	[smem:$0x3FAC] =	sst s4  }
0xd: {  	[smem:$0x3FAD] =	sst s5  }
0xe: {  	[smem:$0x3FAE] =	sst s6  }
0xf: {  	[smem:$0x3FAF] =	sst s7  }
0x10: {  	[smem:$0x3FB0] =	sst s8  }
0x11: {  	[smem:$0x3FB1] =	sst s9;
	s0 =	simm.s32 @!p0 $0x0  }
0x12: {  	s1 =	sld [smem:$0x3F97];
	s0 =	simm.s32 @p0 $0x1  }
0x13: {  	[smem:$0x3FB2] =	sst s0;
	s0 =	simm.s32 @!p1 $0x0  }
0x14: {  	s2 =	sld [smem:$0x3F96];
	s0 =	simm.s32 @p1 $0x1  }
0x15: {  	[smem:$0x3FB3] =	sst s0;
	s0 =	simm.s32 @!p2 $0x0  }
0x16: {  	s3 =	sld [smem:$0x3FDB];
	s0 =	simm.s32 @p2 $0x1  }
0x17: {  	s4 =	simm.s32 $0x1BF5;
	[smem:$0x3FB5] =	sst s0  }
0x18: {  	s0 =	sld [smem:$0x3F98];
	_ =	swait.ge [sflag:s4], $0x0  }
0x19: {  	s7 =	sld [smem:$0x3F99]  }
0x1a: {  	s8 =	sadd.s32 $0xFFFFE003, lr  }
0x1b: {  	s9 =	sadd.s32 $0xFFFFFEF7, lr;
	s5 =	simm.s32 $0xFFFFFFFF;
	p2 =	slt.u32 s8, $0xFFFFF086  }
0x1c: {  	p1 =	slt.u32 s9, $0xF7A;
	s5 =	simm.s32 @!p2 $0x0  }
0x1d: {  	s5 =	simm.s32 @p1 $0x1;
	p0 =	seq.s32 s7, s2  }
0x1e: {  	s7 =	smul.u32 @!p0 $0xF7A, s2;
	p2 =	seq.s32 @!p0 s5, $0x0  }
0x1f: {  	s9 =	smul.u32 $0xF7A, s1;
	s8 =	simm.s32 @!p0 $0x1BF5;
	p2 =	por !p2, p0  }
0x20: {  	[sflag:s8] =	ssyncset.s32 @!p0 $0xFFFFF086;
	s6 =	sadd.s32 @!p0 s3, s7;
	s7 =	simm.s32 @!p0 $0x108  }
0x21: {  	s3 =	sadd.s32 s3, s9;
	s6 =	sadd.s32 @!p0 $0x88, s6;
	s7 =	simm.s32 @p2 $0x1082  }
0x22: {  	[simem:s7], [sflag:s8] =	dma.local @!p0 [hbm:s6], $0xF7A  }
0x23: {  	s9 =	sor.u32 $0xD0000000, s2;
	s6 =	simm.s32 $0x108;
	_ =	swait.ge @!p0 [sflag:s8], $0x0  }
0x24: {  	s3 =	sadd.s32 $0x88, s3;
	s6 =	simm.s32 @!p1 $0x1082;
	[sflag:s4] =	ssyncset.s32 $0xFFFFF086  }
0x25: {  	[simem:s6], [sflag:s4] =	dma.local [hbm:s3], $0xF7A  }
0x26: {  	[smem:$0x3F99] =	sst s1;
	(tag) =	ssettag s2;
	_ =	strace s9  }
0x27: {  	s1 =	sld [smem:$0x3FA9]  }
0x28: {  	s2 =	sld [smem:$0x3FAA]  }
0x29: {  	s4 =	sld [smem:$0x3FAC]  }
0x2a: {  	p0 =	seq.s32 s5, $0x0;
	s5 =	sld [smem:$0x3FAD]  }
0x2b: {  	s6 =	sld [smem:$0x3FAE]  }
0x2c: {  	s7 =	sld [smem:$0x3FAF]  }
0x2d: {  	s3 =	simm.s32 $0x108;
	s8 =	sld [smem:$0x3FB0]  }
0x2e: {  	s3 =	simm.s32 @!p0 $0x1082;
	s9 =	sld [smem:$0x3FB1]  }
0x2f: {  	lr =	sadd.s32 s0, s3;
	s0 =	sld [smem:$0x3FA8]  }
0x30: {  	s3 =	sld [smem:$0x3FAB]  }
0x31: {  	[smem:$0x3FB4] =	sst s10  }
0x32: {  	s10 =	sld [smem:$0x3FB2];
	_ =	sdelay $0x3  }
0x33: {  	p0 =	seq.s32 s10, $0x1;
	s10 =	sld [smem:$0x3FB4];
	_ =	sdelay $0x3  }
0x34: {  	[smem:$0x3FB4] =	sst s10  }
0x35: {  	s10 =	sld [smem:$0x3FB3];
	_ =	sdelay $0x3  }
0x36: {  	p1 =	seq.s32 s10, $0x1;
	s10 =	sld [smem:$0x3FB4];
	_ =	sdelay $0x3  }
0x37: {  	[smem:$0x3FB4] =	sst s10  }
0x38: {  	s10 =	sld [smem:$0x3FB5]  }
0x39: {  	_ = 	snop;
	(pc) =	sbr.ind lr, $3  }
0x3a: {  	_ = 	snop  }
0x3b: {  	_ = 	snop  }
0x3c: {  	p2 =	seq.s32 s10, $0x1;
	s10 =	sld [smem:$0x3FB4]  }
0x3d: {  	_ =	shalt  }
0x3e: {  	_ =	shalt  }
0x3f: {  	_ =	shalt  }
0x40: {  	_ =	shalt  }
0x41: {  	_ =	shalt  }
0x42: {  	_ =	shalt  }
0x43: {  	_ =	shalt  }
0x44: {  	_ =	shalt  }
0x45: {  	_ =	shalt  }
0x46: {  	_ =	shalt  }
0x47: {  	_ =	shalt  }
0x48: {  	_ =	shalt  }
0x49: {  	_ =	shalt  }
0x4a: {  	_ =	shalt  }
0x4b: {  	_ =	shalt  }
0x4c: {  	_ =	shalt  }
0x4d: {  	_ =	shalt  }
0x4e: {  	_ =	shalt  }
0x4f: {  	_ =	shalt  }
0x50: {  	_ =	shalt  }
0x51: {  	_ =	shalt  }
0x52: {  	_ =	shalt  }
0x53: {  	_ =	shalt  }
0x54: {  	_ =	shalt  }
0x55: {  	_ =	shalt  }
0x56: {  	_ =	shalt  }
0x57: {  	_ =	shalt  }
0x58: {  	_ =	shalt  }
0x59: {  	_ =	shalt  }
0x5a: {  	_ =	shalt  }
0x5b: {  	_ =	shalt  }
0x5c: {  	_ =	shalt  }
0x5d: {  	_ =	shalt  }
0x5e: {  	_ =	shalt  }
0x5f: {  	_ =	shalt  }
0x60: {  	_ =	shalt  }
0x61: {  	_ =	shalt  }
0x62: {  	_ =	shalt  }
0x63: {  	_ =	shalt  }
0x64: {  	_ =	shalt  }
0x65: {  	_ =	shalt  }
0x66: {  	_ =	shalt  }
0x67: {  	_ =	shalt  }
0x68: {  	_ =	shalt  }
0x69: {  	_ =	shalt  }
0x6a: {  	_ =	shalt  }
0x6b: {  	_ =	shalt  }
0x6c: {  	_ =	shalt  }
0x6d: {  	_ =	shalt  }
0x6e: {  	_ =	shalt  }
0x6f: {  	_ =	shalt  }
0x70: {  	_ =	shalt  }
0x71: {  	_ =	shalt  }
0x72: {  	_ =	shalt  }
0x73: {  	_ =	shalt  }
0x74: {  	_ =	shalt  }
0x75: {  	_ =	shalt  }
0x76: {  	_ =	shalt  }
0x77: {  	_ =	shalt  }
0x78: {  	_ =	shalt  }
0x79: {  	_ =	shalt  }
0x7a: {  	_ =	shalt  }
0x7b: {  	_ =	shalt  }
0x7c: {  	_ =	shalt  }
0x7d: {  	_ =	shalt  }
0x7e: {  	_ =	shalt  }
0x7f: {  	_ =	shalt  }
0x80: {  	_ =	shalt  }
0x81: {  	_ =	shalt  }
0x82: {  	_ =	shalt  }
0x83: {  	_ =	shalt  }
0x84: {  	_ =	shalt  }
0x85: {  	_ =	shalt  }
0x86: {  	_ =	shalt  }
0x87: {  	_ =	shalt  }
.Lfunc_end0:
.L_simem_size_0:
called_computation.3_lowered:
.L_overlay_start_0:
0x88: {  	s2 =	sld [smem:$0x3FD9]  }
0x89: {  	s3 =	sld [smem:$0x3FFE];
	_ =	sdelay $0x1  }
0x8a: {  	s1 =	srdreg.scid  }
0x8b: {  	s0 =	sand.u32 $0x1, s1  }
0x8c: {  	s17 =	sshll.u32 s0, $0xA;
	s2 =	sadd.s32 s3, s2  }
0x8d: {  	s2 =	sadd.s32 s2, s17  }
0x8e: {  	[smem:$0x3FC0] =	sst s2  }
0x8f: {  	_ = 	snop  }
0x90: {  	s2 =	sld [smem:$0x3FD0];
	(tm) =	ssettm $0x1  }
0x91: {  	s18 =	sld [smem:$0x3FFB];
	_ =	sdelay $0x3  }
0x92: {  	_ =	strace s18  }
0x93: {  	s3 =	sld [smem:$0x3FFC];
	_ =	sdelay $0x3  }
0x94: {  	_ =	strace s3  }
0x95: {  	s3 =	sld [smem:$0x3FFD];
	_ =	sdelay $0x3  }
0x96: {  	_ =	strace s3  }
0x97: {  	_ =	strace $0x8FFFFFFF  }
0x98: {  	s19 =	sld [smem:$0x3FDB];
	_ =	sdelay $0x1  }
0x99: {  	s4 =	simm.s32 $_scs_section_size  }
0x9a: {  	s5 =	simm.s32 $_size__tile_overlayer_lowered;
	s6 =	simm.s32 $_tile_overlayer_lowered  }
0x9b: {  	s22 =	simm.s32 $0x1BFF;
	s21 =	sshll.u32 s6, $0x1;
	s3 =	sadd.s32 s4, s19  }
0x9c: {  	s7 =	simm.s32 $0x0;
	s20 =	sshll.u32 s5, $0x1;
	s5 =	sadd.s32 s21, s3  }
0x9d: {  	[timem:s7], [sflag:s22] =	dma.local [hbm:s5], s20  }
0x9e: {  	_ =	swait.ge [sflag:s22], s20  }
0x9f: {  	s4 =	ssub.s32 $0x0, s20;
	[sflag:s22] =	ssyncset.done $0x0  }
0xa0: {  	[sflag:s22] =	ssyncadd.s32 s4;
	_ =	sdelay $0x1  }
0xa1: {  	s23 =	simm.s32 $0x1B8B  }
0xa2: {  	_ =	swait.ge [sflag:s23], $0x1  }
0xa3: {  	[sflag:s23] =	ssyncset.done $0x0  }
0xa4: {  	s25 =	simm.s32 $0x1B8E;
	s24 =	sld [smem:$0x3FFE];
	[sflag:s23] =	ssyncadd.s32 $0xFFFFFFFF  }
0xa5: {  	s26 =	simm.s32 $execute0_lowered;
	[smem:$0x3FD2] =	sst s25  }
0xa6: {  	s5 =	sshll.u32 s26, $0x1;
	_ =	strace $0x8000004F;
	[dreg:$0x1] =	wrdreg $0xFFFFFFFF  }
0xa7: {  	s28 =	simm.s32 $_size_execute0_lowered;
	s3 =	sadd.s32 s3, s5;
	[dreg:$0x0] =	wrdreg $0x0  }
0xa8: {  	s5 =	sshll.u32 s28, $0x1;
	[dreg:$0x2] =	wrdreg s3  }
0xa9: {  	[dreg:$0x3] =	wrdreg s5  }
0xaa: {  	[dreg:$0x4] =	wrdreg $0xC0  }
0xab: {  	_ =	task [dreg:s7], $0x5FFFF  }
0xac: {  	[dreg:$0x1] =	wrdreg $0xFFFFFFFF  }
0xad: {  	[dreg:$0x0] =	wrdreg $0x60  }
0xae: {  	[dreg:$0x2] =	wrdreg s2  }
0xaf: {  	[dreg:$0x3] =	wrdreg s24  }
0xb0: {  	[dreg:$0x4] =	wrdreg $0xAC000  }
0xb1: {  	[dreg:$0x5] =	wrdreg $0x9  }
0xb2: {  	_ =	task.clear_ibuf [dreg:s7], $0x6FFFF;
	_ =	strace $0x9000004F  }
0xb3: {  	s29 =	simm.s32 $0x9;
	_ =	strace $0x80000051  }
0xb4: {  	_ =	swait.ge [sflag:s29], $0x1  }
0xb5: {  	[sflag:s29] =	ssyncadd.s32 $0xFFFFFFFF  }
0xb6: {  	_ =	strace $0x90000051  }
0xb7: {  	_ =	sfence  }
0xb8: {  	s30 =	sld [smem:$0x0];
	_ =	sdelay $0x2  }
0xb9: {  	s31 =	sshll.u32 s1, $0xD;
	s1 =	sshrl.u32 s1, $0x2  }
0xba: {  	s3 =	sand.u32 $0x4000, s31;
	s1 =	sadd.s32 s1, s30  }
0xbb: {  	s0 =	sor.u32 s3, s0;
	s1 =	sshll.u32 s1, $0x11  }
0xbc: {  	s0 =	sor.u32 s1, s0  }
0xbd: {  	s0 =	sadd.s32 $0x8F2B, s0  }
0xbe: {  	[sflag:s0] =	ssyncadd.remote.s32 $0x1  }
0xbf: {  	_ =	sfence.sel $0xFFFF  }
0xc0: {  	[dreg:$0x0] =	wrdreg $0xFFFFFFFF;
	(pc) =	sbr.abs _section_cstart, $3  }
0xc1: {  	[dreg:$0x1] =	wrdreg $0xFFFFFFFF  }
0xc2: {  	_ =	task.clear_ibuf [dreg:s7], $0x2FFFF;
	_ =	strace $0x9FFFFFFF  }
0xc3: {  	(tm) =	ssettm $0x7FFFFFFF  }
tec
execute0_lowered:
.L_overlay_start_1:
0x0: {  	(tag) =	ssettag $0x1  }
0x1: {  	s1 =	rddreg [dreg:$0x0]  }
0x2: {  	s0 =	rddreg [dreg:$0x1]  }
0x3: {  	s2 =	rddreg [dreg:$0x2]  }
0x4: {  	s3 =	simm.s32 $0x0;
	s6 =	srdreg.scid;
	s16 =	stileid.u32  }
0x5: {  	s20 =	simm.s32 $0x10;
	s21 =	simm.s32 $0x28;
	s22 =	simm.s32 $0x11  }
0x6: {  	s23 =	simm.s32 $0xC;
	[smem:$0x7FF] =	sst s3;
	s4 =	sadd.s32 $0x37200, s0  }
0x7: {  	s5 =	sadd.s32 $0x5200, s0;
	s8 =	sand.u32 $0x1, s6;
	s7 =	smul.u32 $0x4E000, s16  }
0x8: {  	s0 =	sadd.s32 $0x90400, s0;
	s10 =	sshll.u32 s16, $0x1;
	s11 =	smul.u32 $0x13800, s16  }
0x9: {  	s18 =	sadd.s32 $0x138000, s2;
	s28 =	sadd.s32 $0x27000, s1;
	p0 =	sne.s32 s16, $0x0  }
0xa: {  	_ =	strace $0x80000050;
	s6 =	ssub.s32 $0x2, s8;
	s24 =	sor.u32 s8, s10  }
0xb: {  	s13 =	smul.u32 $0x138800, s8;
	[dreg:$0x5] =	wrdreg s28;
	s9 =	sshrl.u32 s6, $0x1  }
0xc: {  	s7 =	sshrl.u32 s7, $0x2;
	s25 =	sshrl.u32 s11, $0x3;
	s12 =	smul.u32 $0xC800, s24  }
0xd: {  	s24 =	simm.s32 $0x12;
	s15 =	ssub.s32 s6, s9;
	s17 =	sadd.s32 s7, s2  }
0xe: {  	s26 =	sadd.s32 s1, s25;
	s7 =	sshll.u32 s16, $0x6;
	s19 =	sadd.s32 s11, s13  }
0xf: {  	s31 =	sshrl.u32 s13, $0x3;
	s25 =	simm.s32 $0x0;
	[dreg:$0x4] =	wrdreg s26  }
.Ltmp0:
0x10: {  	s8 =	sor.u32 $0x1C11, s7;
	s14 =	sshrl.u32 s12, $0x3;
	(pc) =	sbr.rel .LBB2_1-.Ltmp0, $4  }
0x11: {  	s30 =	sshrl.u32 s19, $0x3;
	s12 =	sadd.s32 $0x800, s12;
	s15 =	smax.u32 s15, $0x1  }
0x12: {  	s16 =	sshrl.u32 s17, $0x3;
	s17 =	sshrl.u32 @!p0 s18, $0x3;
	s19 =	simm.s32 $0xF  }
0x13: {  	s29 =	sadd.s32 s4, s14;
	s13 =	sadd.s32 s0, s30;
	s0 =	sadd.s32 s0, s31  }
0x14: {  	s11 =	sadd.s32 s5, s14;
	[dreg:$0x6] =	wrdreg s29;
	s14 =	sadd.s32 $0x27000, s0  }
.LBB2_7:
0x15: {  	_ =	swait.ge [sflag:s23], $0x1400  }
0x16: {  	[sflag:s23] =	ssyncset.done $0x0  }
0x17: {  	[sflag:s23] =	ssyncadd.s32 $0xFFFFEC00  }
0x18: {  	s0 =	sor.u32 $0x1C12, s7;
	[bflag:$0x0] =	sbarrier.arrive $0xFFFF  }
0x19: {  	[hbm:s13], [sflag:s0] =	dma.local [spmem:s16], $0x2700  }
0x1a: {  	_ =	swait.ge [sflag:s24], $0x2700  }
0x1b: {  	s25 =	sadd.s32 $0x1, s25;
	[sflag:s24] =	ssyncset.done $0x0  }
0x1c: {  	p1 =	sne.s32 s25, s15;
	[sflag:s24] =	ssyncadd.s32 $0xFFFFD900  }
0x1d: {  	[hbm:s14], [sflag:s0] =	dma.local @!p0 [spmem:s17], $0x100  }
.Ltmp1:
0x1e: {  	_ = 	snop;
	(pc) =	sbr.rel @!p1 .LBB2_8-.Ltmp1, $4  }
0x1f: {  	s0 =	simm.s32 @!p0 $0x12  }
0x20: {  	_ =	swait.ge @!p0 [sflag:s0], $0x100  }
0x21: {  	[sflag:s0] =	ssyncset.done @!p0 $0x0  }
0x22: {  	[sflag:s0] =	ssyncadd.s32 @!p0 $0xFFFFFF00  }
.LBB2_1:
0x23: {  	s0 =	rddreg [dreg:$0x4]  }
0x24: {  	[spmem:s16], [sflag:s8] =	dma.local [hbm:s0], $0x2700  }
0x25: {  	s0 =	rddreg [dreg:$0x5]  }
0x26: {  	[spmem:s17], [sflag:s8] =	dma.local @!p0 [hbm:s0], $0x100  }
0x27: {  	s0 =	rddreg [dreg:$0x6]  }
0x28: {  	[tilespmem:s3], [sflag:$0xF] =	stream.linear.gather [hbm4b:s0+s3], $0x500, $0x38;
	[tilespmem:$0x1E480] =	vst v63  }
0x29: {  	s29 =	simm.s32 $0x1000  }
0x2a: {  	[tilespmem:s29], [sflag:$0x10] =	stream.linear.gather [hbm4b:s11+s3], $0x500, $0x38;
	[tilespmem:$0x1E480] =	vst v63  }
0x2b: {  	_ =	swait.ge [sflag:s19], $0x500  }
0x2c: {  	[sflag:s19] =	ssyncset.done $0x0  }
0x2d: {  	[sflag:s19] =	ssyncadd.s32 $0xFFFFFB00  }
0x2e: {  	_ =	swait.ge [sflag:s20], $0x500  }
0x2f: {  	[sflag:s20] =	ssyncset.done $0x0  }
0x30: {  	s30 =	simm.s32 $0x2000;
	[sflag:s20] =	ssyncadd.s32 $0xFFFFFB00  }
0x31: {  	[tilespmem:s30], [sflag:$0x1] =	stream.indirect.gather [hbm4b:s1+s21], $0x80, s3, s21, $0xb8;
	[tilespmem:$0x1E480] =	vst v63  }
0x32: {  	s31 =	simm.s32 $0x80;
	s6 =	simm.s32 $0x3400  }
0x33: {  	[tilespmem:s6], [sflag:$0x2] =	stream.indirect.gather [hbm4b:s1+s21], $0x80, s31, s21, $0xb8;
	[tilespmem:$0x1E480] =	vst v63  }
0x34: {  	s9 =	simm.s32 $0x100;
	s10 =	simm.s32 $0x4800  }
0x35: {  	[tilespmem:s10], [sflag:$0x3] =	stream.indirect.gather [hbm4b:s1+s21], $0x80, s9, s21, $0xb8;
	[tilespmem:$0x1E480] =	vst v63  }
0x36: {  	s18 =	simm.s32 $0x180;
	s26 =	simm.s32 $0x5C00  }
0x37: {  	[tilespmem:s26], [sflag:$0x4] =	stream.indirect.gather [hbm4b:s1+s21], $0x80, s18, s21, $0xb8;
	[tilespmem:$0x1E480] =	vst v63  }
0x38: {  	s28 =	simm.s32 $0x200;
	s29 =	simm.s32 $0x7000  }
0x39: {  	[tilespmem:s29], [sflag:$0x5] =	stream.indirect.gather [hbm4b:s1+s21], $0x80, s28, s21, $0xb8;
	[tilespmem:$0x1E480] =	vst v63  }
0x3a: {  	s30 =	simm.s32 $0x280;
	s31 =	simm.s32 $0x8400  }
0x3b: {  	[tilespmem:s31], [sflag:$0x6] =	stream.indirect.gather [hbm4b:s1+s21], $0x80, s30, s21, $0xb8;
	[tilespmem:$0x1E480] =	vst v63  }
0x3c: {  	_ =	swait.ge [sflag:s22], $0x2700  }
0x3d: {  	[sflag:s22] =	ssyncset.done $0x0  }
0x3e: {  	s0 =	simm.s32 @!p0 $0x11;
	[sflag:s22] =	ssyncadd.s32 $0xFFFFD900  }
.Ltmp2:
0x3f: {  	_ =	swait.ge @!p0 [sflag:s0], $0x100;
	(pc) =	sbr.rel .LBB2_2-.Ltmp2, $4  }
0x40: {  	[sflag:s0] =	ssyncset.done @!p0 $0x0  }
0x41: {  	[sflag:s0] =	ssyncadd.s32 @!p0 $0xFFFFFF00  }
0x42: {  	[bflag:$0x0] =	sbarrier.arrive $0xFFFF  }
0x43: {  	s26 =	simm.s32 $0x0  }
.LBB2_3:
0x44: {  	s6 =	sshll.u32 s30, $0xB  }
0x45: {  	s6 =	sadd.s32 s6, s12  }
0x46: {  	s6 =	sshrl.u32 s6, $0x3  }
0x47: {  	s9 =	sxor.u32 $0x800, s0;
	s10 =	sadd.s32 s4, s6  }
0x48: {  	[tilespmem:s9], [sflag:$0xF] =	stream.linear.gather [hbm4b:s10+s3], $0x500, $0x38;
	[tilespmem:$0x1E480] =	vst v63  }
0x49: {  	s30 =	sxor.u32 $0x1800, s0;
	s6 =	sadd.s32 s5, s6  }
0x4a: {  	[tilespmem:s30], [sflag:$0x10] =	stream.linear.gather [hbm4b:s6+s3], $0x500, $0x38;
	[tilespmem:$0x1E480] =	vst v63  }
.LBB2_5:
0x4b: {  	s0 =	smul.u32 $0xCD, s31;
	_ =	sdelay $0x1  }
0x4c: {  	s0 =	sshrl.u32 s0, $0xB  }
0x4d: {  	s6 =	smul.u32 $0xA, s0;
	_ =	sdelay $0x1  }
0x4e: {  	s6 =	ssub.s32 s28, s6  }
0x4f: {  	s6 =	sand.u32 $0xFF, s6  }
0x50: {  	p1 =	sne.s32 s6, $0x0  }
0x51: {  	s9 =	simm.s32 @!p1 $0xF  }
0x52: {  	_ =	swait.ge @!p1 [sflag:s9], $0x500  }
0x53: {  	s10 =	smul.u32 $0x5000, s29;
	[sflag:s9] =	ssyncset.done @!p1 $0x0  }
0x54: {  	s31 =	sadd.s32 $0x1, s29;
	[sflag:s9] =	ssyncadd.s32 @!p1 $0xFFFFFB00;
	s9 =	simm.s32 @!p1 $0x10  }
0x55: {  	s30 =	sshrl.u32 s10, $0x2;
	s0 =	sshll.u32 s0, $0xB;
	_ =	swait.ge @!p1 [sflag:s9], $0x500  }
0x56: {  	s0 =	sand.u32 $0x800, s0;
	s6 =	sshll.u32 s6, $0x7;
	[sflag:s9] =	ssyncset.done @!p1 $0x0  }
0x57: {  	s0 =	sadd.s32 s6, s0;
	[sflag:s9] =	ssyncadd.s32 @!p1 $0xFFFFFB00;
	s9 =	sadd.s32 $0x2000, s30  }
0x58: {  	[tilespmem:s9], [sflag:s31] =	stream.indirect.gather [hbm4b:s1+s21], $0x80, s0, s21, $0xb8;
	[tilespmem:$0x1E480] =	vst v63  }
.LBB2_6:
0x59: {  	s26 =	sadd.s32 $0x1, s26  }
0x5a: {  	p1 =	sne.s32 s26, $0xFA  }
.Ltmp3:
0x5b: {  	_ = 	snop;
	(pc) =	sbr.rel @!p1 .LBB2_7-.Ltmp3, $1  }
0x5c: {  	_ =	sdelay $0x3  }
.LBB2_2:
0x5d: {  	s0 =	sand.u32 $0xFF, s26  }
0x5e: {  	s28 =	smul.u32 $0x25, s0;
	_ =	sdelay $0x1  }
0x5f: {  	s28 =	sshrl.u32 s28, $0x8  }
0x60: {  	s29 =	ssub.s32 s26, s28  }
0x61: {  	s29 =	sand.u32 $0xFE, s29  }
0x62: {  	s29 =	sshrl.u32 s29, $0x1  }
0x63: {  	s0 =	smul.u32 $0xCD, s0;
	s28 =	sadd.s32 s28, s29  }
0x64: {  	s28 =	sshrl.u32 s28, $0x2  }
0x65: {  	s30 =	sshrl.u32 s0, $0xB;
	s28 =	smul.u32 $0x7, s28  }
0x66: {  	s0 =	smul.u32 $0xA, s30  }
0x67: {  	s28 =	ssub.s32 s26, s28  }
0x68: {  	s18 =	ssub.s32 s26, s0;
	s29 =	sand.u32 $0xFF, s28  }
0x69: {  	s6 =	sand.u32 $0xDF, s18;
	s28 =	smul.u32 $0x5000, s29  }
0x6a: {  	s6 =	sshll.u32 s6, $0x7;
	s31 =	sadd.s32 $0x1, s29;
	s29 =	sor.u32 $0x8, s29  }
0x6b: {  	_ =	swait.ge [sflag:s31], $0x1400;
	s9 =	sshrl.u32 s28, $0x2;
	s28 =	sand.u32 $0x1, s30  }
0x6c: {  	[sflag:s31] =	ssyncset.done $0x0;
	s0 =	sshll.u32 s28, $0xB;
	s28 =	sadd.s32 $0x6, s26  }
0x6d: {  	[sflag:s31] =	ssyncadd.s32 $0xFFFFEC00;
	s6 =	sor.u32 s6, s0;
	s31 =	sand.u32 $0xFF, s28  }
0x6e: {  	s9 =	sadd.s32 $0x2000, s9;
	s6 =	sor.u32 $0x1000, s6;
	s10 =	smul.u32 $0x25, s31  }
0x6f: {  	[spmem:s2] =	stream.indirect.scatter.add.f32 [tilespmem:s9], [sflag:s29], $0x80, s6, s21, $0xb8;
	[tilespmem:$0x1E480] =	vst v63  }
0x70: {  	s6 =	sshrl.u32 s10, $0x8  }
0x71: {  	s10 =	ssub.s32 s28, s6  }
0x72: {  	s9 =	sand.u32 $0xFE, s10  }
0x73: {  	s9 =	sshrl.u32 s9, $0x1  }
0x74: {  	s6 =	sadd.s32 s6, s9  }
0x75: {  	s6 =	sshrl.u32 s6, $0x2  }
0x76: {  	p1 =	seq.s32 s26, $0x0;
	s6 =	smul.u32 $0x7, s6  }
0x77: {  	p2 =	sgt.u32 @!p1 s26, $0xEF  }
0x78: {  	p3 =	por p2, p1;
	s6 =	ssub.s32 s28, s6  }
0x79: {  	s29 =	sand.u32 $0xFF, s6;
	s6 =	sand.u32 @!p3 $0xFF, s18  }
0x7a: {  	p3 =	sne.s32 @!p3 s6, $0x0  }
0x7b: {  	p2 =	por @!p1 p2, p3  }
0x7c: {  	p2 =	por p1, !p2  }
.Ltmp4:
0x7d: {  	_ = 	snop;
	(pc) =	sbr.rel @p2 .LBB2_3-.Ltmp4, $4  }
0x7e: {  	s9 =	sadd.s32 @!p1 $0x8, s29  }
0x7f: {  	_ =	swait.ge @!p1 [sflag:s9], $0x1400  }
0x80: {  	[sflag:s9] =	ssyncset.done @!p1 $0x0  }
0x81: {  	[sflag:s9] =	ssyncadd.s32 @!p1 $0xFFFFEC00  }
0x82: {  	p1 =	sgt.u32 s26, $0xF3  }
.Ltmp5:
0x83: {  	_ = 	snop;
	(pc) =	sbr.rel @p1 .LBB2_6-.Ltmp5, $4  }
.Ltmp6:
0x84: {  	_ = 	snop;
	(pc) =	sbr.rel @!p1 .LBB2_5-.Ltmp6, $4  }
0x85: {  	_ = 	snop  }
0x86: {  	_ = 	snop  }
0x87: {  	_ = 	snop  }
0x88: {  	_ = 	snop  }
.LBB2_8:
0x89: {  	_ =	sfence.sel $0x180000  }
0x8a: {  	[bflag:$0x0] =	sbarrier.arrive $0xFFFF  }
0x8b: {  	_ =	strace $0x90000050  }
0x8c: {  	[bflag:$0x2] =	sbarrier.arrive $0xFFFF  }
0x8d: {  	s0 =	rddreg [dreg:$0x3]  }
0x8e: {  	s0 =	sadd.s32 @!p0 $0x100000, s0  }
0x8f: {  	[sflag:s0] =	ssyncadd.tile.s32 @!p0 $0x1;
	_ =	shalt  }
.Lfunc_end2:
_tile_overlayer_lowered:
.L_overlay_start_2:
0x90: {  	(tag) =	ssettag $0x2  }
0x91: {  	s0 =	rddreg [dreg:$0x0];
	s2 =	stileid.u32  }
0x92: {  	s1 =	rddreg [dreg:$0x1];
	p0 =	sne.s32 s2, $0x0  }
0x93: {  	s3 =	rddreg [dreg:$0x2];
	[bflag:$0x3] =	sbarrier.arrive $0xFFFF;
	s2 =	simm.s32 @!p0 $0x1C12  }
0x94: {  	[timem:s3], [sflag:s2] =	dma.local @!p0 [hbm:s0], s1  }
0x95: {  	s0 =	simm.s32 @!p0 $0x12  }
0x96: {  	_ =	swait.ge @!p0 [sflag:s0], s1  }
0x97: {  	s1 =	ssub.s32 @!p0 $0x0, s1;
	[sflag:s0] =	ssyncset.done @!p0 $0x0  }
0x98: {  	[sflag:s0] =	ssyncadd.s32 @!p0 s1  }
0x99: {  	[bflag:$0x3] =	sbarrier.arrive $0xFFFF  }
0x9a: {  	_ =	shalt  }

</sc_bundles>
